<compile_context>
chip_gen: v7x
topology: tpu7x:2x2x1
jax: 0.10.2.dev20260603
libtpu: 0.0.44.dev20260713+nightly
codegen_flags: <defaults>
</compile_context>

<pallas_src>
import functools

import jax
import jax.numpy as jnp
from jax import lax
from jax.experimental import pallas as pl
from jax.experimental.pallas import tpu as pltpu
from jax.experimental.pallas import tpu_sc as plsc

NNODE = 10000
NP = 10240
D = 128
NE = 320000
NC, NS, LANES = 2, 16, 16
NW = NC * NS
CH = 128
CPT = 79
EP = NW * CPT * CH
ROWS_PT = NP // NS
DUMMY = NNODE

_mesh = plsc.VectorSubcoreMesh(
    core_axis_name="c", subcore_axis_name="s", num_cores=NC, num_subcores=NS)
_sc_params = pltpu.CompilerParams(needs_layout_passes=False)


def _wid(cid, sid):
  return sid * NC + cid


@functools.partial(
    pl.kernel,
    out_type=jax.ShapeDtypeStruct((NC, 4, NP), jnp.float32),
    mesh=_mesh,
    compiler_params=_sc_params,
    scratch_types=[
        pltpu.VMEM((CPT, CH), jnp.int32),
        pltpu.VMEM((CPT, CH), jnp.int32),
        pltpu.VMEM((CPT, CH), jnp.float32),
        pltpu.VMEM((CPT, CH), jnp.float32),
        pltpu.VMEM((ROWS_PT,), jnp.float32),
        pltpu.VMEM_SHARED((NP,), jnp.float32),
        pltpu.VMEM_SHARED((NP,), jnp.float32),
        pltpu.VMEM_SHARED((NP,), jnp.float32),
        pltpu.VMEM_SHARED((NP,), jnp.float32),
    ],
)
def _deg_kernel(src_h, dst_h, ew_h, one_h, out_h,
                srcv, dstv, ewv, onev, zrow, swdeg, dwdeg, dout, din):
  cid = lax.axis_index("c")
  sid = lax.axis_index("s")
  wid = _wid(cid, sid)
  base = sid * ROWS_PT

  for i in range(ROWS_PT // 16):
    zrow[pl.ds(i * 16, 16)] = jnp.zeros((16,), jnp.float32)
  for acc in (swdeg, dwdeg, dout, din):
    pltpu.sync_copy(zrow, acc.at[pl.ds(base, ROWS_PT)])

  pltpu.sync_copy(src_h.at[wid], srcv)
  pltpu.sync_copy(dst_h.at[wid], dstv)
  pltpu.sync_copy(ew_h.at[wid], ewv)
  pltpu.sync_copy(one_h.at[wid], onev)
  plsc.subcore_barrier()

  def chunk(j, carry):
    pltpu.sync_copy(ewv.at[j], swdeg.at[srcv.at[j]], add=True)
    pltpu.sync_copy(ewv.at[j], dwdeg.at[dstv.at[j]], add=True)
    pltpu.sync_copy(onev.at[j], dout.at[srcv.at[j]], add=True)
    pltpu.sync_copy(onev.at[j], din.at[dstv.at[j]], add=True)
    return carry

  lax.fori_loop(0, CPT, chunk, 0)
  plsc.subcore_barrier()

  for row, acc in enumerate((swdeg, dwdeg, dout, din)):
    pltpu.sync_copy(acc.at[pl.ds(base, ROWS_PT)],
                    out_h.at[cid, row, pl.ds(base, ROWS_PT)])


@functools.partial(
    pl.kernel,
    out_type=jax.ShapeDtypeStruct((NW, CPT, CH), jnp.float32),
    mesh=_mesh,
    compiler_params=_sc_params,
    scratch_types=[
        pltpu.VMEM((CPT, CH), jnp.int32),
        pltpu.VMEM((CPT, CH), jnp.int32),
        pltpu.VMEM((CPT, CH), jnp.float32),
        pltpu.VMEM((CPT, CH), jnp.float32),
        pltpu.VMEM((NP,), jnp.float32),
        pltpu.VMEM((NP,), jnp.float32),
    ],
)
def _normw_kernel(src_h, dst_h, ew_h, swdeg_h, dwdeg_h, out_h,
                  srcv, dstv, ewv, outv, swv, dwv):
  cid = lax.axis_index("c")
  sid = lax.axis_index("s")
  wid = _wid(cid, sid)

  pltpu.sync_copy(src_h.at[wid], srcv)
  pltpu.sync_copy(dst_h.at[wid], dstv)
  pltpu.sync_copy(ew_h.at[wid], ewv)
  pltpu.sync_copy(swdeg_h, swv)
  pltpu.sync_copy(dwdeg_h, dwv)

  def chunk(j, carry):
    for g in range(CH // 16):
      s16 = srcv[j, pl.ds(g * 16, 16)]
      d16 = dstv[j, pl.ds(g * 16, 16)]
      s = plsc.load_gather(swv, [s16])
      t = plsc.load_gather(dwv, [d16])
      p = jnp.maximum(s * t, jnp.float32(1e-12))
      xi = lax.bitcast_convert_type(p, jnp.int32)
      yi = jnp.int32(0x5F3759DF) - lax.shift_right_arithmetic(xi, 1)
      y = lax.bitcast_convert_type(yi, jnp.float32)
      for _ in range(3):
        y = y * (jnp.float32(1.5) - jnp.float32(0.5) * p * y * y)
      w16 = ewv[j, pl.ds(g * 16, 16)]
      outv[j, pl.ds(g * 16, 16)] = w16 * y
    return carry

  lax.fori_loop(0, CPT, chunk, 0)
  pltpu.sync_copy(outv, out_h.at[wid])


def _make_edge_pass(weighted):
  scratch = [
      pltpu.VMEM((CPT, CH), jnp.int32),
      pltpu.VMEM((CPT, CH), jnp.int32),
  ]
  if weighted:
    scratch.append(pltpu.VMEM((CPT, CH), jnp.float32))
  scratch += [
      pltpu.VMEM((CH, D), jnp.float32),
      pltpu.VMEM((16, D), jnp.float32),
      pltpu.SemaphoreType.DMA,
      pltpu.VMEM_SHARED((NP, D), jnp.float32),
  ]

  @functools.partial(
      pl.kernel,
      out_type=jax.ShapeDtypeStruct((NC, NP, D), jnp.float32),
      mesh=_mesh,
      compiler_params=_sc_params,
      scratch_types=scratch,
  )
  def edge_pass(h_h, src_h, dst_h, *rest):
    if weighted:
      (w_h, out_h, srcv, dstv, wv, rows, zbuf, sem, acc) = rest
    else:
      (out_h, srcv, dstv, rows, zbuf, sem, acc) = rest
    cid = lax.axis_index("c")
    sid = lax.axis_index("s")
    wid = _wid(cid, sid)

    def zrow(r, carry):
      for g in range(D // 16):
        zbuf[r, pl.ds(g * 16, 16)] = jnp.zeros((16,), jnp.float32)
      return carry

    lax.fori_loop(0, 16, zrow, 0)

    def zacc(i, carry):
      pltpu.sync_copy(zbuf, acc.at[pl.ds(sid * ROWS_PT + i * 16, 16)])
      return carry

    lax.fori_loop(0, ROWS_PT // 16, zacc, 0)

    pltpu.sync_copy(src_h.at[wid], srcv)
    pltpu.sync_copy(dst_h.at[wid], dstv)
    if weighted:
      pltpu.sync_copy(w_h.at[wid], wv)
    plsc.subcore_barrier()

    def chunk(j, carry):
      pltpu.async_copy(h_h.at[srcv.at[j]], rows, sem).wait()
      if weighted:
        eidx = [lax.iota(jnp.int32, 16) + g * 16 for g in range(CH // 16)]
        w16s = [wv[j, pl.ds(g * 16, 16)] for g in range(CH // 16)]

        def scale(f, c2):
          fs = jnp.full((16,), f, jnp.int32)
          for g in range(CH // 16):
            v = plsc.load_gather(rows, [eidx[g], fs])
            plsc.store_scatter(rows, [eidx[g], fs], v * w16s[g])
          return c2

        lax.fori_loop(0, D, scale, 0)
      pltpu.sync_copy(rows, acc.at[dstv.at[j]], add=True)
      return carry

    lax.fori_loop(0, CPT, chunk, 0)
    plsc.subcore_barrier()
    pltpu.sync_copy(acc.at[pl.ds(sid * ROWS_PT, ROWS_PT)],
                    out_h.at[cid, pl.ds(sid * ROWS_PT, ROWS_PT)])

  return edge_pass


_edge_pass_w = _make_edge_pass(True)
_edge_pass_u = _make_edge_pass(False)


_RB = 256


def _node_scalars(deg):
  def body(deg_ref, out_ref):
    d = deg_ref[0] + deg_ref[1]
    out_ref[0:2] = d[0:2]
    out_ref[2:3] = lax.rsqrt(jnp.maximum(d[2:3], jnp.float32(1.0)))
    out_ref[3:4] = lax.rsqrt(jnp.maximum(d[3:4], jnp.float32(1.0)))

  return pl.pallas_call(
      body, out_shape=jax.ShapeDtypeStruct((4, NP), jnp.float32))(deg)


def _row_spec():
  return pl.BlockSpec((_RB, D), lambda i: (i, 0))


def _full_spec(shape):
  return pl.BlockSpec(shape, lambda i: tuple(0 for _ in shape))


def _col_spec():
  return pl.BlockSpec((_RB, 1), lambda i: (i, 0))


def _mm_masked(feats, mask, w):
  def body(f_ref, m_ref, w_ref, o_ref):
    o_ref[...] = jnp.dot(f_ref[...] * m_ref[...], w_ref[...],
                         preferred_element_type=jnp.float32)

  return pl.pallas_call(
      body, grid=(NP // _RB,),
      in_specs=[_row_spec(), _row_spec(), _full_spec((D, D))],
      out_specs=_row_spec(),
      out_shape=jax.ShapeDtypeStruct((NP, D), jnp.float32))(feats, mask, w)


def _mm_layer2(a, b, bias, nsrc, w):
  def body(a_ref, b_ref, bias_ref, n_ref, w_ref, o_ref):
    h = jax.nn.relu(a_ref[...] + b_ref[...] + bias_ref[...])
    o_ref[...] = jnp.dot(h * n_ref[...], w_ref[...],
                         preferred_element_type=jnp.float32)

  return pl.pallas_call(
      body, grid=(NP // _RB,),
      in_specs=[_row_spec(), _row_spec(), _full_spec((1, D)), _col_spec(),
                _full_spec((D, D))],
      out_specs=_row_spec(),
      out_shape=jax.ShapeDtypeStruct((NP, D), jnp.float32))(
          a, b, bias, nsrc, w)


def _mm_layer3(a, b, ndst, bias, nsrc, w):
  def body(a_ref, b_ref, nd_ref, bias_ref, ns_ref, w_ref, o_ref):
    h = jax.nn.relu((a_ref[...] + b_ref[...]) * nd_ref[...] + bias_ref[...])
    o_ref[...] = jnp.dot(h * ns_ref[...], w_ref[...],
                         preferred_element_type=jnp.float32)

  return pl.pallas_call(
      body, grid=(NP // _RB,),
      in_specs=[_row_spec(), _row_spec(), _col_spec(), _full_spec((1, D)),
                _col_spec(), _full_spec((D, D))],
      out_specs=_row_spec(),
      out_shape=jax.ShapeDtypeStruct((NP, D), jnp.float32))(
          a, b, ndst, bias, nsrc, w)


def _mm_out(a, b, ndst, bias):
  def body(a_ref, b_ref, nd_ref, bias_ref, o_ref):
    o_ref[...] = jax.nn.sigmoid(
        (a_ref[...] + b_ref[...]) * nd_ref[...] + bias_ref[...])

  return pl.pallas_call(
      body, grid=(NP // _RB,),
      in_specs=[_row_spec(), _row_spec(), _col_spec(), _full_spec((1, D))],
      out_specs=_row_spec(),
      out_shape=jax.ShapeDtypeStruct((NP, D), jnp.float32))(a, b, ndst, bias)


def kernel(features, edge_index, edge_weight, mask, W1, b1, W2, b2, W3, b3):
  src = edge_index[0]
  dst = edge_index[1]
  pad = EP - NE
  src_p = jnp.concatenate(
      [src, jnp.zeros((pad,), jnp.int32)]).reshape(NW, CPT, CH)
  dst_p = jnp.concatenate(
      [dst, jnp.full((pad,), DUMMY, jnp.int32)]).reshape(NW, CPT, CH)
  ew_p = jnp.concatenate(
      [edge_weight, jnp.zeros((pad,), jnp.float32)]).reshape(NW, CPT, CH)
  one_p = jnp.concatenate(
      [jnp.ones((NE,), jnp.float32),
       jnp.zeros((pad,), jnp.float32)]).reshape(NW, CPT, CH)
  featsp = jnp.pad(features, ((0, NP - NNODE), (0, 0)))
  maskp = jnp.pad(mask, ((0, NP - NNODE), (0, 0)))

  deg = _deg_kernel(src_p, dst_p, ew_p, one_p)
  scal = _node_scalars(deg)
  swdeg, dwdeg = scal[0], scal[1]
  nsrc_col = scal[2][:, None]
  ndst_col = scal[3][:, None]
  normw = _normw_kernel(src_p, dst_p, ew_p, swdeg, dwdeg)

  h1 = _mm_masked(featsp, maskp, W1)
  agg1 = _edge_pass_w(h1, src_p, dst_p, normw)
  h2in = _mm_layer2(agg1[0], agg1[1], b1[None, :], nsrc_col, W2)
  agg2 = _edge_pass_u(h2in, src_p, dst_p)
  h3in = _mm_layer3(agg2[0], agg2[1], ndst_col, b2[None, :], nsrc_col, W3)
  agg3 = _edge_pass_u(h3in, src_p, dst_p)
  out = _mm_out(agg3[0], agg3[1], ndst_col, b3[None, :])
  return out[:NNODE]

# --- scband reference (transcript-rebuilt; emitter-appended) ---
"""Pipeline reference for scband-gsaves-gcn-33887291965781 (READ-ONLY COPY).

The authoritative reference and input builder live on the scoring server;
editing this copy changes nothing except your own understanding.
"""

import jax, jax.numpy as jnp
import numpy as np

N = 10000
E = 320000
D = 128
H = 128


def setup_inputs(seed: int = 0) -> dict:
    key = jax.random.key(seed)
    ks = jax.random.split(key, 12)
    features = jax.random.normal(ks[0], (N, D), dtype=jnp.float32)
    edge_index = jax.random.randint(ks[1], (2, E), 0, N, dtype=jnp.int32)
    edge_weight = jax.random.uniform(ks[2], (E,), dtype=jnp.float32)
    mask = jax.random.uniform(ks[3], (N, D), dtype=jnp.float32)
    # learned parameters (GraphConv weights/biases), glorot-ish init
    W1 = jax.random.normal(ks[4], (D, H), dtype=jnp.float32) * (1.0 / np.sqrt(D))
    b1 = jnp.zeros((H,), dtype=jnp.float32)
    W2 = jax.random.normal(ks[5], (H, H), dtype=jnp.float32) * (1.0 / np.sqrt(H))
    b2 = jnp.zeros((H,), dtype=jnp.float32)
    W3 = jax.random.normal(ks[6], (H, D), dtype=jnp.float32) * (1.0 / np.sqrt(H))
    b3 = jnp.zeros((D,), dtype=jnp.float32)
    return {
        "features": features,
        "edge_index": edge_index,
        "edge_weight": edge_weight,
        "mask": mask,
        "W1": W1, "b1": b1,
        "W2": W2, "b2": b2,
        "W3": W3, "b3": b3,
    }


def reference(features, edge_index, edge_weight, mask, W1, b1, W2, b2, W3, b3):
    src = edge_index[0]
    dst = edge_index[1]

    # EdgeWeightNorm(norm='both'): w_ij / sqrt(out_wdeg(src) * in_wdeg(dst))
    src_wdeg = jax.ops.segment_sum(edge_weight, src, num_segments=N)
    dst_wdeg = jax.ops.segment_sum(edge_weight, dst, num_segments=N)
    denom = jnp.clip(src_wdeg[src] * dst_wdeg[dst], 1e-12, None)
    norm_w = edge_weight * jax.lax.rsqrt(denom)

    x = features * mask

    # masked_gcn: GraphConv norm='none', weighted by norm_w, relu
    h = x @ W1
    msg = h[src] * norm_w[:, None]
    h = jax.ops.segment_sum(msg, dst, num_segments=N) + b1
    h = jax.nn.relu(h)

    # symmetric degree norms for unweighted GraphConv(norm='both')
    ones_e = jnp.ones((E,), dtype=features.dtype)
    deg_out = jax.ops.segment_sum(ones_e, src, num_segments=N)
    deg_in = jax.ops.segment_sum(ones_e, dst, num_segments=N)
    norm_src = jax.lax.rsqrt(jnp.clip(deg_out, 1.0, None))
    norm_dst = jax.lax.rsqrt(jnp.clip(deg_in, 1.0, None))

    # middle_gcn: norm='both', relu
    h2 = (h * norm_src[:, None]) @ W2
    h2 = jax.ops.segment_sum(h2[src], dst, num_segments=N)
    h2 = h2 * norm_dst[:, None] + b2
    h2 = jax.nn.relu(h2)

    # output_gcn: norm='both', sigmoid
    h3 = (h2 * norm_src[:, None]) @ W3
    h3 = jax.ops.segment_sum(h3[src], dst, num_segments=N)
    h3 = h3 * norm_dst[:, None] + b3
    return jax.nn.sigmoid(h3)

if __name__ == "__main__":
    import jax
    _d = setup_inputs()
    print(jax.jit(kernel)(*tuple(_d.values())))

</pallas_src>

<mosaic_0001>
#map = affine_map<(d0, d1) -> (0, 0, 0)>
module attributes {stable_mosaic.version = 14 : i64} {
  func.func @_deg_kernel(%arg0: i32, %arg1: i32, %arg2: memref<32x79x128xi32, #tpu.memory_space<hbm>>, %arg3: memref<32x79x128xi32, #tpu.memory_space<hbm>>, %arg4: memref<32x79x128xf32, #tpu.memory_space<hbm>>, %arg5: memref<32x79x128xf32, #tpu.memory_space<hbm>>, %arg6: memref<2x4x10240xf32, #tpu.memory_space<hbm>>, %arg7: memref<79x128xi32, #tpu.memory_space<vmem>>, %arg8: memref<79x128xi32, #tpu.memory_space<vmem>>, %arg9: memref<79x128xf32, #tpu.memory_space<vmem>>, %arg10: memref<79x128xf32, #tpu.memory_space<vmem>>, %arg11: memref<640xf32, #tpu.memory_space<vmem>>, %arg12: memref<10240xf32, #tpu.memory_space<vmem_shared>>, %arg13: memref<10240xf32, #tpu.memory_space<vmem_shared>>, %arg14: memref<10240xf32, #tpu.memory_space<vmem_shared>>, %arg15: memref<10240xf32, #tpu.memory_space<vmem_shared>>) attributes {dimension_semantics = [#tpu.dimension_semantics<core_parallel>, #tpu.dimension_semantics<subcore_parallel>], iteration_bounds = array<i64: 2, 16>, scalar_prefetch = 0 : i64, scratch_operands = 9 : i64, tpu.core_type = #tpu.core_type<sc_vector_subcore>, window_params = [{transform_indices = #map}, {transform_indices = #map}, {transform_indices = #map}, {transform_indices = #map}, {transform_indices = #map}]} {
    %mul3A = arith.constant 2 : i32
    %mul3A_0 = arith.muli %arg1, %mul3A : i32
    %add3A = arith.addi %mul3A_0, %arg0 : i32
    %mul3A_1 = arith.constant 640 : i32
    %mul3A_2 = arith.muli %arg1, %mul3A_1 : i32
    %broadcast_in_dim3A = arith.constant 0.000000e+00 : f32
    %broadcast_in_dim3A_3 = vector.broadcast %broadcast_in_dim3A : f32 to vector<16xf32>
    %swap3A = arith.constant 0 : index
    %swap3A_4 = tpu.vector_load %arg11[%swap3A] {strides = array<i32>} : memref<640xf32, #tpu.memory_space<vmem>>, vector<16xf32>,
    tpu.vector_store %arg11[%swap3A], %broadcast_in_dim3A_3 {strides = array<i32>} : memref<640xf32, #tpu.memory_space<vmem>>, vector<16xf32>,
    %broadcast_in_dim3A_5 = arith.constant 0.000000e+00 : f32
    %broadcast_in_dim3A_6 = vector.broadcast %broadcast_in_dim3A_5 : f32 to vector<16xf32>
    %swap3A_7 = arith.constant 16 : index
    %swap3A_8 = tpu.vector_load %arg11[%swap3A_7] {strides = array<i32>} : memref<640xf32, #tpu.memory_space<vmem>>, vector<16xf32>,
    tpu.vector_store %arg11[%swap3A_7], %broadcast_in_dim3A_6 {strides = array<i32>} : memref<640xf32, #tpu.memory_space<vmem>>, vector<16xf32>,
    %broadcast_in_dim3A_9 = arith.constant 0.000000e+00 : f32
    %broadcast_in_dim3A_10 = vector.broadcast %broadcast_in_dim3A_9 : f32 to vector<16xf32>
    %swap3A_11 = arith.constant 32 : index
    %swap3A_12 = tpu.vector_load %arg11[%swap3A_11] {strides = array<i32>} : memref<640xf32, #tpu.memory_space<vmem>>, vector<16xf32>,
    tpu.vector_store %arg11[%swap3A_11], %broadcast_in_dim3A_10 {strides = array<i32>} : memref<640xf32, #tpu.memory_space<vmem>>, vector<16xf32>,
    %broadcast_in_dim3A_13 = arith.constant 0.000000e+00 : f32
    %broadcast_in_dim3A_14 = vector.broadcast %broadcast_in_dim3A_13 : f32 to vector<16xf32>
    %swap3A_15 = arith.constant 48 : index
    %swap3A_16 = tpu.vector_load %arg11[%swap3A_15] {strides = array<i32>} : memref<640xf32, #tpu.memory_space<vmem>>, vector<16xf32>,
    tpu.vector_store %arg11[%swap3A_15], %broadcast_in_dim3A_14 {strides = array<i32>} : memref<640xf32, #tpu.memory_space<vmem>>, vector<16xf32>,
    %broadcast_in_dim3A_17 = arith.constant 0.000000e+00 : f32
    %broadcast_in_dim3A_18 = vector.broadcast %broadcast_in_dim3A_17 : f32 to vector<16xf32>
    %swap3A_19 = arith.constant 64 : index
    %swap3A_20 = tpu.vector_load %arg11[%swap3A_19] {strides = array<i32>} : memref<640xf32, #tpu.memory_space<vmem>>, vector<16xf32>,
    tpu.vector_store %arg11[%swap3A_19], %broadcast_in_dim3A_18 {strides = array<i32>} : memref<640xf32, #tpu.memory_space<vmem>>, vector<16xf32>,
    %broadcast_in_dim3A_21 = arith.constant 0.000000e+00 : f32
    %broadcast_in_dim3A_22 = vector.broadcast %broadcast_in_dim3A_21 : f32 to vector<16xf32>
    %swap3A_23 = arith.constant 80 : index
    %swap3A_24 = tpu.vector_load %arg11[%swap3A_23] {strides = array<i32>} : memref<640xf32, #tpu.memory_space<vmem>>, vector<16xf32>,
    tpu.vector_store %arg11[%swap3A_23], %broadcast_in_dim3A_22 {strides = array<i32>} : memref<640xf32, #tpu.memory_space<vmem>>, vector<16xf32>,
    %broadcast_in_dim3A_25 = arith.constant 0.000000e+00 : f32
    %broadcast_in_dim3A_26 = vector.broadcast %broadcast_in_dim3A_25 : f32 to vector<16xf32>
    %swap3A_27 = arith.constant 96 : index
    %swap3A_28 = tpu.vector_load %arg11[%swap3A_27] {strides = array<i32>} : memref<640xf32, #tpu.memory_space<vmem>>, vector<16xf32>,
    tpu.vector_store %arg11[%swap3A_27], %broadcast_in_dim3A_26 {strides = array<i32>} : memref<640xf32, #tpu.memory_space<vmem>>, vector<16xf32>,
    %broadcast_in_dim3A_29 = arith.constant 0.000000e+00 : f32
    %broadcast_in_dim3A_30 = vector.broadcast %broadcast_in_dim3A_29 : f32 to vector<16xf32>
    %swap3A_31 = arith.constant 112 : index
    %swap3A_32 = tpu.vector_load %arg11[%swap3A_31] {strides = array<i32>} : memref<640xf32, #tpu.memory_space<vmem>>, vector<16xf32>,
    tpu.vector_store %arg11[%swap3A_31], %broadcast_in_dim3A_30 {strides = array<i32>} : memref<640xf32, #tpu.memory_space<vmem>>, vector<16xf32>,
    %broadcast_in_dim3A_33 = arith.constant 0.000000e+00 : f32
    %broadcast_in_dim3A_34 = vector.broadcast %broadcast_in_dim3A_33 : f32 to vector<16xf32>
    %swap3A_35 = arith.constant 128 : index
    %swap3A_36 = tpu.vector_load %arg11[%swap3A_35] {strides = array<i32>} : memref<640xf32, #tpu.memory_space<vmem>>, vector<16xf32>,
    tpu.vector_store %arg11[%swap3A_35], %broadcast_in_dim3A_34 {strides = array<i32>} : memref<640xf32, #tpu.memory_space<vmem>>, vector<16xf32>,
    %broadcast_in_dim3A_37 = arith.constant 0.000000e+00 : f32
    %broadcast_in_dim3A_38 = vector.broadcast %broadcast_in_dim3A_37 : f32 to vector<16xf32>
    %swap3A_39 = arith.constant 144 : index
    %swap3A_40 = tpu.vector_load %arg11[%swap3A_39] {strides = array<i32>} : memref<640xf32, #tpu.memory_space<vmem>>, vector<16xf32>,
    tpu.vector_store %arg11[%swap3A_39], %broadcast_in_dim3A_38 {strides = array<i32>} : memref<640xf32, #tpu.memory_space<vmem>>, vector<16xf32>,
    %broadcast_in_dim3A_41 = arith.constant 0.000000e+00 : f32
    %broadcast_in_dim3A_42 = vector.broadcast %broadcast_in_dim3A_41 : f32 to vector<16xf32>
    %swap3A_43 = arith.constant 160 : index
    %swap3A_44 = tpu.vector_load %arg11[%swap3A_43] {strides = array<i32>} : memref<640xf32, #tpu.memory_space<vmem>>, vector<16xf32>,
    tpu.vector_store %arg11[%swap3A_43], %broadcast_in_dim3A_42 {strides = array<i32>} : memref<640xf32, #tpu.memory_space<vmem>>, vector<16xf32>,
    %broadcast_in_dim3A_45 = arith.constant 0.000000e+00 : f32
    %broadcast_in_dim3A_46 = vector.broadcast %broadcast_in_dim3A_45 : f32 to vector<16xf32>
    %swap3A_47 = arith.constant 176 : index
    %swap3A_48 = tpu.vector_load %arg11[%swap3A_47] {strides = array<i32>} : memref<640xf32, #tpu.memory_space<vmem>>, vector<16xf32>,
    tpu.vector_store %arg11[%swap3A_47], %broadcast_in_dim3A_46 {strides = array<i32>} : memref<640xf32, #tpu.memory_space<vmem>>, vector<16xf32>,
    %broadcast_in_dim3A_49 = arith.constant 0.000000e+00 : f32
    %broadcast_in_dim3A_50 = vector.broadcast %broadcast_in_dim3A_49 : f32 to vector<16xf32>
    %swap3A_51 = arith.constant 192 : index
    %swap3A_52 = tpu.vector_load %arg11[%swap3A_51] {strides = array<i32>} : memref<640xf32, #tpu.memory_space<vmem>>, vector<16xf32>,
    tpu.vector_store %arg11[%swap3A_51], %broadcast_in_dim3A_50 {strides = array<i32>} : memref<640xf32, #tpu.memory_space<vmem>>, vector<16xf32>,
    %broadcast_in_dim3A_53 = arith.constant 0.000000e+00 : f32
    %broadcast_in_dim3A_54 = vector.broadcast %broadcast_in_dim3A_53 : f32 to vector<16xf32>
    %swap3A_55 = arith.constant 208 : index
    %swap3A_56 = tpu.vector_load %arg11[%swap3A_55] {strides = array<i32>} : memref<640xf32, #tpu.memory_space<vmem>>, vector<16xf32>,
    tpu.vector_store %arg11[%swap3A_55], %broadcast_in_dim3A_54 {strides = array<i32>} : memref<640xf32, #tpu.memory_space<vmem>>, vector<16xf32>,
    %broadcast_in_dim3A_57 = arith.constant 0.000000e+00 : f32
    %broadcast_in_dim3A_58 = vector.broadcast %broadcast_in_dim3A_57 : f32 to vector<16xf32>
    %swap3A_59 = arith.constant 224 : index
    %swap3A_60 = tpu.vector_load %arg11[%swap3A_59] {strides = array<i32>} : memref<640xf32, #tpu.memory_space<vmem>>, vector<16xf32>,
    tpu.vector_store %arg11[%swap3A_59], %broadcast_in_dim3A_58 {strides = array<i32>} : memref<640xf32, #tpu.memory_space<vmem>>, vector<16xf32>,
    %broadcast_in_dim3A_61 = arith.constant 0.000000e+00 : f32
    %broadcast_in_dim3A_62 = vector.broadcast %broadcast_in_dim3A_61 : f32 to vector<16xf32>
    %swap3A_63 = arith.constant 240 : index
    %swap3A_64 = tpu.vector_load %arg11[%swap3A_63] {strides = array<i32>} : memref<640xf32, #tpu.memory_space<vmem>>, vector<16xf32>,
    tpu.vector_store %arg11[%swap3A_63], %broadcast_in_dim3A_62 {strides = array<i32>} : memref<640xf32, #tpu.memory_space<vmem>>, vector<16xf32>,
    %broadcast_in_dim3A_65 = arith.constant 0.000000e+00 : f32
    %broadcast_in_dim3A_66 = vector.broadcast %broadcast_in_dim3A_65 : f32 to vector<16xf32>
    %swap3A_67 = arith.constant 256 : index
    %swap3A_68 = tpu.vector_load %arg11[%swap3A_67] {strides = array<i32>} : memref<640xf32, #tpu.memory_space<vmem>>, vector<16xf32>,
    tpu.vector_store %arg11[%swap3A_67], %broadcast_in_dim3A_66 {strides = array<i32>} : memref<640xf32, #tpu.memory_space<vmem>>, vector<16xf32>,
    %broadcast_in_dim3A_69 = arith.constant 0.000000e+00 : f32
    %broadcast_in_dim3A_70 = vector.broadcast %broadcast_in_dim3A_69 : f32 to vector<16xf32>
    %swap3A_71 = arith.constant 272 : index
    %swap3A_72 = tpu.vector_load %arg11[%swap3A_71] {strides = array<i32>} : memref<640xf32, #tpu.memory_space<vmem>>, vector<16xf32>,
    tpu.vector_store %arg11[%swap3A_71], %broadcast_in_dim3A_70 {strides = array<i32>} : memref<640xf32, #tpu.memory_space<vmem>>, vector<16xf32>,
    %broadcast_in_dim3A_73 = arith.constant 0.000000e+00 : f32
    %broadcast_in_dim3A_74 = vector.broadcast %broadcast_in_dim3A_73 : f32 to vector<16xf32>
    %swap3A_75 = arith.constant 288 : index
    %swap3A_76 = tpu.vector_load %arg11[%swap3A_75] {strides = array<i32>} : memref<640xf32, #tpu.memory_space<vmem>>, vector<16xf32>,
    tpu.vector_store %arg11[%swap3A_75], %broadcast_in_dim3A_74 {strides = array<i32>} : memref<640xf32, #tpu.memory_space<vmem>>, vector<16xf32>,
    %broadcast_in_dim3A_77 = arith.constant 0.000000e+00 : f32
    %broadcast_in_dim3A_78 = vector.broadcast %broadcast_in_dim3A_77 : f32 to vector<16xf32>
    %swap3A_79 = arith.constant 304 : index
    %swap3A_80 = tpu.vector_load %arg11[%swap3A_79] {strides = array<i32>} : memref<640xf32, #tpu.memory_space<vmem>>, vector<16xf32>,
    tpu.vector_store %arg11[%swap3A_79], %broadcast_in_dim3A_78 {strides = array<i32>} : memref<640xf32, #tpu.memory_space<vmem>>, vector<16xf32>,
    %broadcast_in_dim3A_81 = arith.constant 0.000000e+00 : f32
    %broadcast_in_dim3A_82 = vector.broadcast %broadcast_in_dim3A_81 : f32 to vector<16xf32>
    %swap3A_83 = arith.constant 320 : index
    %swap3A_84 = tpu.vector_load %arg11[%swap3A_83] {strides = array<i32>} : memref<640xf32, #tpu.memory_space<vmem>>, vector<16xf32>,
    tpu.vector_store %arg11[%swap3A_83], %broadcast_in_dim3A_82 {strides = array<i32>} : memref<640xf32, #tpu.memory_space<vmem>>, vector<16xf32>,
    %broadcast_in_dim3A_85 = arith.constant 0.000000e+00 : f32
    %broadcast_in_dim3A_86 = vector.broadcast %broadcast_in_dim3A_85 : f32 to vector<16xf32>
    %swap3A_87 = arith.constant 336 : index
    %swap3A_88 = tpu.vector_load %arg11[%swap3A_87] {strides = array<i32>} : memref<640xf32, #tpu.memory_space<vmem>>, vector<16xf32>,
    tpu.vector_store %arg11[%swap3A_87], %broadcast_in_dim3A_86 {strides = array<i32>} : memref<640xf32, #tpu.memory_space<vmem>>, vector<16xf32>,
    %broadcast_in_dim3A_89 = arith.constant 0.000000e+00 : f32
    %broadcast_in_dim3A_90 = vector.broadcast %broadcast_in_dim3A_89 : f32 to vector<16xf32>
    %swap3A_91 = arith.constant 352 : index
    %swap3A_92 = tpu.vector_load %arg11[%swap3A_91] {strides = array<i32>} : memref<640xf32, #tpu.memory_space<vmem>>, vector<16xf32>,
    tpu.vector_store %arg11[%swap3A_91], %broadcast_in_dim3A_90 {strides = array<i32>} : memref<640xf32, #tpu.memory_space<vmem>>, vector<16xf32>,
    %broadcast_in_dim3A_93 = arith.constant 0.000000e+00 : f32
    %broadcast_in_dim3A_94 = vector.broadcast %broadcast_in_dim3A_93 : f32 to vector<16xf32>
    %swap3A_95 = arith.constant 368 : index
    %swap3A_96 = tpu.vector_load %arg11[%swap3A_95] {strides = array<i32>} : memref<640xf32, #tpu.memory_space<vmem>>, vector<16xf32>,
    tpu.vector_store %arg11[%swap3A_95], %broadcast_in_dim3A_94 {strides = array<i32>} : memref<640xf32, #tpu.memory_space<vmem>>, vector<16xf32>,
    %broadcast_in_dim3A_97 = arith.constant 0.000000e+00 : f32
    %broadcast_in_dim3A_98 = vector.broadcast %broadcast_in_dim3A_97 : f32 to vector<16xf32>
    %swap3A_99 = arith.constant 384 : index
    %swap3A_100 = tpu.vector_load %arg11[%swap3A_99] {strides = array<i32>} : memref<640xf32, #tpu.memory_space<vmem>>, vector<16xf32>,
    tpu.vector_store %arg11[%swap3A_99], %broadcast_in_dim3A_98 {strides = array<i32>} : memref<640xf32, #tpu.memory_space<vmem>>, vector<16xf32>,
    %broadcast_in_dim3A_101 = arith.constant 0.000000e+00 : f32
    %broadcast_in_dim3A_102 = vector.broadcast %broadcast_in_dim3A_101 : f32 to vector<16xf32>
    %swap3A_103 = arith.constant 400 : index
    %swap3A_104 = tpu.vector_load %arg11[%swap3A_103] {strides = array<i32>} : memref<640xf32, #tpu.memory_space<vmem>>, vector<16xf32>,
    tpu.vector_store %arg11[%swap3A_103], %broadcast_in_dim3A_102 {strides = array<i32>} : memref<640xf32, #tpu.memory_space<vmem>>, vector<16xf32>,
    %broadcast_in_dim3A_105 = arith.constant 0.000000e+00 : f32
    %broadcast_in_dim3A_106 = vector.broadcast %broadcast_in_dim3A_105 : f32 to vector<16xf32>
    %swap3A_107 = arith.constant 416 : index
    %swap3A_108 = tpu.vector_load %arg11[%swap3A_107] {strides = array<i32>} : memref<640xf32, #tpu.memory_space<vmem>>, vector<16xf32>,
    tpu.vector_store %arg11[%swap3A_107], %broadcast_in_dim3A_106 {strides = array<i32>} : memref<640xf32, #tpu.memory_space<vmem>>, vector<16xf32>,
    %broadcast_in_dim3A_109 = arith.constant 0.000000e+00 : f32
    %broadcast_in_dim3A_110 = vector.broadcast %broadcast_in_dim3A_109 : f32 to vector<16xf32>
    %swap3A_111 = arith.constant 432 : index
    %swap3A_112 = tpu.vector_load %arg11[%swap3A_111] {strides = array<i32>} : memref<640xf32, #tpu.memory_space<vmem>>, vector<16xf32>,
    tpu.vector_store %arg11[%swap3A_111], %broadcast_in_dim3A_110 {strides = array<i32>} : memref<640xf32, #tpu.memory_space<vmem>>, vector<16xf32>,
    %broadcast_in_dim3A_113 = arith.constant 0.000000e+00 : f32
    %broadcast_in_dim3A_114 = vector.broadcast %broadcast_in_dim3A_113 : f32 to vector<16xf32>
    %swap3A_115 = arith.constant 448 : index
    %swap3A_116 = tpu.vector_load %arg11[%swap3A_115] {strides = array<i32>} : memref<640xf32, #tpu.memory_space<vmem>>, vector<16xf32>,
    tpu.vector_store %arg11[%swap3A_115], %broadcast_in_dim3A_114 {strides = array<i32>} : memref<640xf32, #tpu.memory_space<vmem>>, vector<16xf32>,
    %broadcast_in_dim3A_117 = arith.constant 0.000000e+00 : f32
    %broadcast_in_dim3A_118 = vector.broadcast %broadcast_in_dim3A_117 : f32 to vector<16xf32>
    %swap3A_119 = arith.constant 464 : index
    %swap3A_120 = tpu.vector_load %arg11[%swap3A_119] {strides = array<i32>} : memref<640xf32, #tpu.memory_space<vmem>>, vector<16xf32>,
    tpu.vector_store %arg11[%swap3A_119], %broadcast_in_dim3A_118 {strides = array<i32>} : memref<640xf32, #tpu.memory_space<vmem>>, vector<16xf32>,
    %broadcast_in_dim3A_121 = arith.constant 0.000000e+00 : f32
    %broadcast_in_dim3A_122 = vector.broadcast %broadcast_in_dim3A_121 : f32 to vector<16xf32>
    %swap3A_123 = arith.constant 480 : index
    %swap3A_124 = tpu.vector_load %arg11[%swap3A_123] {strides = array<i32>} : memref<640xf32, #tpu.memory_space<vmem>>, vector<16xf32>,
    tpu.vector_store %arg11[%swap3A_123], %broadcast_in_dim3A_122 {strides = array<i32>} : memref<640xf32, #tpu.memory_space<vmem>>, vector<16xf32>,
    %broadcast_in_dim3A_125 = arith.constant 0.000000e+00 : f32
    %broadcast_in_dim3A_126 = vector.broadcast %broadcast_in_dim3A_125 : f32 to vector<16xf32>
    %swap3A_127 = arith.constant 496 : index
    %swap3A_128 = tpu.vector_load %arg11[%swap3A_127] {strides = array<i32>} : memref<640xf32, #tpu.memory_space<vmem>>, vector<16xf32>,
    tpu.vector_store %arg11[%swap3A_127], %broadcast_in_dim3A_126 {strides = array<i32>} : memref<640xf32, #tpu.memory_space<vmem>>, vector<16xf32>,
    %broadcast_in_dim3A_129 = arith.constant 0.000000e+00 : f32
    %broadcast_in_dim3A_130 = vector.broadcast %broadcast_in_dim3A_129 : f32 to vector<16xf32>
    %swap3A_131 = arith.constant 512 : index
    %swap3A_132 = tpu.vector_load %arg11[%swap3A_131] {strides = array<i32>} : memref<640xf32, #tpu.memory_space<vmem>>, vector<16xf32>,
    tpu.vector_store %arg11[%swap3A_131], %broadcast_in_dim3A_130 {strides = array<i32>} : memref<640xf32, #tpu.memory_space<vmem>>, vector<16xf32>,
    %broadcast_in_dim3A_133 = arith.constant 0.000000e+00 : f32
    %broadcast_in_dim3A_134 = vector.broadcast %broadcast_in_dim3A_133 : f32 to vector<16xf32>
    %swap3A_135 = arith.constant 528 : index
    %swap3A_136 = tpu.vector_load %arg11[%swap3A_135] {strides = array<i32>} : memref<640xf32, #tpu.memory_space<vmem>>, vector<16xf32>,
    tpu.vector_store %arg11[%swap3A_135], %broadcast_in_dim3A_134 {strides = array<i32>} : memref<640xf32, #tpu.memory_space<vmem>>, vector<16xf32>,
    %broadcast_in_dim3A_137 = arith.constant 0.000000e+00 : f32
    %broadcast_in_dim3A_138 = vector.broadcast %broadcast_in_dim3A_137 : f32 to vector<16xf32>
    %swap3A_139 = arith.constant 544 : index
    %swap3A_140 = tpu.vector_load %arg11[%swap3A_139] {strides = array<i32>} : memref<640xf32, #tpu.memory_space<vmem>>, vector<16xf32>,
    tpu.vector_store %arg11[%swap3A_139], %broadcast_in_dim3A_138 {strides = array<i32>} : memref<640xf32, #tpu.memory_space<vmem>>, vector<16xf32>,
    %broadcast_in_dim3A_141 = arith.constant 0.000000e+00 : f32
    %broadcast_in_dim3A_142 = vector.broadcast %broadcast_in_dim3A_141 : f32 to vector<16xf32>
    %swap3A_143 = arith.constant 560 : index
    %swap3A_144 = tpu.vector_load %arg11[%swap3A_143] {strides = array<i32>} : memref<640xf32, #tpu.memory_space<vmem>>, vector<16xf32>,
    tpu.vector_store %arg11[%swap3A_143], %broadcast_in_dim3A_142 {strides = array<i32>} : memref<640xf32, #tpu.memory_space<vmem>>, vector<16xf32>,
    %broadcast_in_dim3A_145 = arith.constant 0.000000e+00 : f32
    %broadcast_in_dim3A_146 = vector.broadcast %broadcast_in_dim3A_145 : f32 to vector<16xf32>
    %swap3A_147 = arith.constant 576 : index
    %swap3A_148 = tpu.vector_load %arg11[%swap3A_147] {strides = array<i32>} : memref<640xf32, #tpu.memory_space<vmem>>, vector<16xf32>,
    tpu.vector_store %arg11[%swap3A_147], %broadcast_in_dim3A_146 {strides = array<i32>} : memref<640xf32, #tpu.memory_space<vmem>>, vector<16xf32>,
    %broadcast_in_dim3A_149 = arith.constant 0.000000e+00 : f32
    %broadcast_in_dim3A_150 = vector.broadcast %broadcast_in_dim3A_149 : f32 to vector<16xf32>
    %swap3A_151 = arith.constant 592 : index
    %swap3A_152 = tpu.vector_load %arg11[%swap3A_151] {strides = array<i32>} : memref<640xf32, #tpu.memory_space<vmem>>, vector<16xf32>,
    tpu.vector_store %arg11[%swap3A_151], %broadcast_in_dim3A_150 {strides = array<i32>} : memref<640xf32, #tpu.memory_space<vmem>>, vector<16xf32>,
    %broadcast_in_dim3A_153 = arith.constant 0.000000e+00 : f32
    %broadcast_in_dim3A_154 = vector.broadcast %broadcast_in_dim3A_153 : f32 to vector<16xf32>
    %swap3A_155 = arith.constant 608 : index
    %swap3A_156 = tpu.vector_load %arg11[%swap3A_155] {strides = array<i32>} : memref<640xf32, #tpu.memory_space<vmem>>, vector<16xf32>,
    tpu.vector_store %arg11[%swap3A_155], %broadcast_in_dim3A_154 {strides = array<i32>} : memref<640xf32, #tpu.memory_space<vmem>>, vector<16xf32>,
    %broadcast_in_dim3A_157 = arith.constant 0.000000e+00 : f32
    %broadcast_in_dim3A_158 = vector.broadcast %broadcast_in_dim3A_157 : f32 to vector<16xf32>
    %swap3A_159 = arith.constant 624 : index
    %swap3A_160 = tpu.vector_load %arg11[%swap3A_159] {strides = array<i32>} : memref<640xf32, #tpu.memory_space<vmem>>, vector<16xf32>,
    tpu.vector_store %arg11[%swap3A_159], %broadcast_in_dim3A_158 {strides = array<i32>} : memref<640xf32, #tpu.memory_space<vmem>>, vector<16xf32>,
    "tpu.region"() ({
      %run_scoped3A_170 = tpu.sem_alloc : memref<!tpu.dma_semaphore, #tpu.memory_space<semaphore_mem>>
      %dma_start3A = tpu.memref_slice %arg12[%mul3A_2] : memref<10240xf32, #tpu.memory_space<vmem_shared>> -> memref<640xf32, #tpu.memory_space<vmem_shared>>
      %dma_start3A_171 = tpu.memref_slice %arg12[%mul3A_2] : memref<10240xf32, #tpu.memory_space<vmem_shared>> -> memref<640xf32, #tpu.memory_space<vmem_shared>>
      tpu.enqueue_dma source(%arg11 : memref<640xf32, #tpu.memory_space<vmem>>) target(%dma_start3A_171 : memref<640xf32, #tpu.memory_space<vmem_shared>>) target_semaphore(%run_scoped3A_170 : memref<!tpu.dma_semaphore, #tpu.memory_space<semaphore_mem>>)
      %dma_wait3A = tpu.memref_slice %arg12[%mul3A_2] : memref<10240xf32, #tpu.memory_space<vmem_shared>> -> memref<640xf32, #tpu.memory_space<vmem_shared>>
      %dma_wait3A_172 = tpu.memref_slice %arg12[%mul3A_2] : memref<10240xf32, #tpu.memory_space<vmem_shared>> -> memref<640xf32, #tpu.memory_space<vmem_shared>>
      tpu.wait_dma2 semaphore(%run_scoped3A_170 : memref<!tpu.dma_semaphore, #tpu.memory_space<semaphore_mem>>) src(%arg11 : memref<640xf32, #tpu.memory_space<vmem>>) dst(%dma_wait3A_172 : memref<640xf32, #tpu.memory_space<vmem_shared>>)
      tpu.yield
    }) : () -> ()
    "tpu.region"() ({
      %run_scoped3A_170 = tpu.sem_alloc : memref<!tpu.dma_semaphore, #tpu.memory_space<semaphore_mem>>
      %dma_start3A = tpu.memref_slice %arg13[%mul3A_2] : memref<10240xf32, #tpu.memory_space<vmem_shared>> -> memref<640xf32, #tpu.memory_space<vmem_shared>>
      %dma_start3A_171 = tpu.memref_slice %arg13[%mul3A_2] : memref<10240xf32, #tpu.memory_space<vmem_shared>> -> memref<640xf32, #tpu.memory_space<vmem_shared>>
      tpu.enqueue_dma source(%arg11 : memref<640xf32, #tpu.memory_space<vmem>>) target(%dma_start3A_171 : memref<640xf32, #tpu.memory_space<vmem_shared>>) target_semaphore(%run_scoped3A_170 : memref<!tpu.dma_semaphore, #tpu.memory_space<semaphore_mem>>)
      %dma_wait3A = tpu.memref_slice %arg13[%mul3A_2] : memref<10240xf32, #tpu.memory_space<vmem_shared>> -> memref<640xf32, #tpu.memory_space<vmem_shared>>
      %dma_wait3A_172 = tpu.memref_slice %arg13[%mul3A_2] : memref<10240xf32, #tpu.memory_space<vmem_shared>> -> memref<640xf32, #tpu.memory_space<vmem_shared>>
      tpu.wait_dma2 semaphore(%run_scoped3A_170 : memref<!tpu.dma_semaphore, #tpu.memory_space<semaphore_mem>>) src(%arg11 : memref<640xf32, #tpu.memory_space<vmem>>) dst(%dma_wait3A_172 : memref<640xf32, #tpu.memory_space<vmem_shared>>)
      tpu.yield
    }) : () -> ()
    "tpu.region"() ({
      %run_scoped3A_170 = tpu.sem_alloc : memref<!tpu.dma_semaphore, #tpu.memory_space<semaphore_mem>>
      %dma_start3A = tpu.memref_slice %arg14[%mul3A_2] : memref<10240xf32, #tpu.memory_space<vmem_shared>> -> memref<640xf32, #tpu.memory_space<vmem_shared>>
      %dma_start3A_171 = tpu.memref_slice %arg14[%mul3A_2] : memref<10240xf32, #tpu.memory_space<vmem_shared>> -> memref<640xf32, #tpu.memory_space<vmem_shared>>
      tpu.enqueue_dma source(%arg11 : memref<640xf32, #tpu.memory_space<vmem>>) target(%dma_start3A_171 : memref<640xf32, #tpu.memory_space<vmem_shared>>) target_semaphore(%run_scoped3A_170 : memref<!tpu.dma_semaphore, #tpu.memory_space<semaphore_mem>>)
      %dma_wait3A = tpu.memref_slice %arg14[%mul3A_2] : memref<10240xf32, #tpu.memory_space<vmem_shared>> -> memref<640xf32, #tpu.memory_space<vmem_shared>>
      %dma_wait3A_172 = tpu.memref_slice %arg14[%mul3A_2] : memref<10240xf32, #tpu.memory_space<vmem_shared>> -> memref<640xf32, #tpu.memory_space<vmem_shared>>
      tpu.wait_dma2 semaphore(%run_scoped3A_170 : memref<!tpu.dma_semaphore, #tpu.memory_space<semaphore_mem>>) src(%arg11 : memref<640xf32, #tpu.memory_space<vmem>>) dst(%dma_wait3A_172 : memref<640xf32, #tpu.memory_space<vmem_shared>>)
      tpu.yield
    }) : () -> ()
    "tpu.region"() ({
      %run_scoped3A_170 = tpu.sem_alloc : memref<!tpu.dma_semaphore, #tpu.memory_space<semaphore_mem>>
      %dma_start3A = tpu.memref_slice %arg15[%mul3A_2] : memref<10240xf32, #tpu.memory_space<vmem_shared>> -> memref<640xf32, #tpu.memory_space<vmem_shared>>
      %dma_start3A_171 = tpu.memref_slice %arg15[%mul3A_2] : memref<10240xf32, #tpu.memory_space<vmem_shared>> -> memref<640xf32, #tpu.memory_space<vmem_shared>>
      tpu.enqueue_dma source(%arg11 : memref<640xf32, #tpu.memory_space<vmem>>) target(%dma_start3A_171 : memref<640xf32, #tpu.memory_space<vmem_shared>>) target_semaphore(%run_scoped3A_170 : memref<!tpu.dma_semaphore, #tpu.memory_space<semaphore_mem>>)
      %dma_wait3A = tpu.memref_slice %arg15[%mul3A_2] : memref<10240xf32, #tpu.memory_space<vmem_shared>> -> memref<640xf32, #tpu.memory_space<vmem_shared>>
      %dma_wait3A_172 = tpu.memref_slice %arg15[%mul3A_2] : memref<10240xf32, #tpu.memory_space<vmem_shared>> -> memref<640xf32, #tpu.memory_space<vmem_shared>>
      tpu.wait_dma2 semaphore(%run_scoped3A_170 : memref<!tpu.dma_semaphore, #tpu.memory_space<semaphore_mem>>) src(%arg11 : memref<640xf32, #tpu.memory_space<vmem>>) dst(%dma_wait3A_172 : memref<640xf32, #tpu.memory_space<vmem_shared>>)
      tpu.yield
    }) : () -> ()
    "tpu.region"() ({
      %run_scoped3A_170 = tpu.sem_alloc : memref<!tpu.dma_semaphore, #tpu.memory_space<semaphore_mem>>
      %dma_start3A = arith.constant 0 : i32
      %dma_start3A_171 = arith.constant 0 : i32
      %dma_start3A_172 = tpu.memref_slice %arg2[%add3A, %dma_start3A, %dma_start3A_171] : memref<32x79x128xi32, #tpu.memory_space<hbm>> -> memref<1x79x128xi32, #tpu.memory_space<hbm>>
      %dma_start3A_173 = tpu.memref_squeeze %dma_start3A_172 : memref<1x79x128xi32, #tpu.memory_space<hbm>> -> memref<79x128xi32, #tpu.memory_space<hbm>>
      %dma_start3A_174 = arith.constant 0 : i32
      %dma_start3A_175 = arith.constant 0 : i32
      %dma_start3A_176 = tpu.memref_slice %arg2[%add3A, %dma_start3A_174, %dma_start3A_175] : memref<32x79x128xi32, #tpu.memory_space<hbm>> -> memref<1x79x128xi32, #tpu.memory_space<hbm>>
      %dma_start3A_177 = tpu.memref_squeeze %dma_start3A_176 : memref<1x79x128xi32, #tpu.memory_space<hbm>> -> memref<79x128xi32, #tpu.memory_space<hbm>>
      tpu.enqueue_dma source(%dma_start3A_177 : memref<79x128xi32, #tpu.memory_space<hbm>>) target(%arg7 : memref<79x128xi32, #tpu.memory_space<vmem>>) target_semaphore(%run_scoped3A_170 : memref<!tpu.dma_semaphore, #tpu.memory_space<semaphore_mem>>)
      %dma_wait3A = arith.constant 0 : i32
      %dma_wait3A_178 = arith.constant 0 : i32
      %dma_wait3A_179 = tpu.memref_slice %arg2[%add3A, %dma_wait3A, %dma_wait3A_178] : memref<32x79x128xi32, #tpu.memory_space<hbm>> -> memref<1x79x128xi32, #tpu.memory_space<hbm>>
      %dma_wait3A_180 = tpu.memref_squeeze %dma_wait3A_179 : memref<1x79x128xi32, #tpu.memory_space<hbm>> -> memref<79x128xi32, #tpu.memory_space<hbm>>
      %dma_wait3A_181 = arith.constant 0 : i32
      %dma_wait3A_182 = arith.constant 0 : i32
      %dma_wait3A_183 = tpu.memref_slice %arg2[%add3A, %dma_wait3A_181, %dma_wait3A_182] : memref<32x79x128xi32, #tpu.memory_space<hbm>> -> memref<1x79x128xi32, #tpu.memory_space<hbm>>
      %dma_wait3A_184 = tpu.memref_squeeze %dma_wait3A_183 : memref<1x79x128xi32, #tpu.memory_space<hbm>> -> memref<79x128xi32, #tpu.memory_space<hbm>>
      tpu.wait_dma2 semaphore(%run_scoped3A_170 : memref<!tpu.dma_semaphore, #tpu.memory_space<semaphore_mem>>) src(%dma_wait3A_184 : memref<79x128xi32, #tpu.memory_space<hbm>>) dst(%arg7 : memref<79x128xi32, #tpu.memory_space<vmem>>)
      tpu.yield
    }) : () -> ()
    "tpu.region"() ({
      %run_scoped3A_170 = tpu.sem_alloc : memref<!tpu.dma_semaphore, #tpu.memory_space<semaphore_mem>>
      %dma_start3A = arith.constant 0 : i32
      %dma_start3A_171 = arith.constant 0 : i32
      %dma_start3A_172 = tpu.memref_slice %arg3[%add3A, %dma_start3A, %dma_start3A_171] : memref<32x79x128xi32, #tpu.memory_space<hbm>> -> memref<1x79x128xi32, #tpu.memory_space<hbm>>
      %dma_start3A_173 = tpu.memref_squeeze %dma_start3A_172 : memref<1x79x128xi32, #tpu.memory_space<hbm>> -> memref<79x128xi32, #tpu.memory_space<hbm>>
      %dma_start3A_174 = arith.constant 0 : i32
      %dma_start3A_175 = arith.constant 0 : i32
      %dma_start3A_176 = tpu.memref_slice %arg3[%add3A, %dma_start3A_174, %dma_start3A_175] : memref<32x79x128xi32, #tpu.memory_space<hbm>> -> memref<1x79x128xi32, #tpu.memory_space<hbm>>
      %dma_start3A_177 = tpu.memref_squeeze %dma_start3A_176 : memref<1x79x128xi32, #tpu.memory_space<hbm>> -> memref<79x128xi32, #tpu.memory_space<hbm>>
      tpu.enqueue_dma source(%dma_start3A_177 : memref<79x128xi32, #tpu.memory_space<hbm>>) target(%arg8 : memref<79x128xi32, #tpu.memory_space<vmem>>) target_semaphore(%run_scoped3A_170 : memref<!tpu.dma_semaphore, #tpu.memory_space<semaphore_mem>>)
      %dma_wait3A = arith.constant 0 : i32
      %dma_wait3A_178 = arith.constant 0 : i32
      %dma_wait3A_179 = tpu.memref_slice %arg3[%add3A, %dma_wait3A, %dma_wait3A_178] : memref<32x79x128xi32, #tpu.memory_space<hbm>> -> memref<1x79x128xi32, #tpu.memory_space<hbm>>
      %dma_wait3A_180 = tpu.memref_squeeze %dma_wait3A_179 : memref<1x79x128xi32, #tpu.memory_space<hbm>> -> memref<79x128xi32, #tpu.memory_space<hbm>>
      %dma_wait3A_181 = arith.constant 0 : i32
      %dma_wait3A_182 = arith.constant 0 : i32
      %dma_wait3A_183 = tpu.memref_slice %arg3[%add3A, %dma_wait3A_181, %dma_wait3A_182] : memref<32x79x128xi32, #tpu.memory_space<hbm>> -> memref<1x79x128xi32, #tpu.memory_space<hbm>>
      %dma_wait3A_184 = tpu.memref_squeeze %dma_wait3A_183 : memref<1x79x128xi32, #tpu.memory_space<hbm>> -> memref<79x128xi32, #tpu.memory_space<hbm>>
      tpu.wait_dma2 semaphore(%run_scoped3A_170 : memref<!tpu.dma_semaphore, #tpu.memory_space<semaphore_mem>>) src(%dma_wait3A_184 : memref<79x128xi32, #tpu.memory_space<hbm>>) dst(%arg8 : memref<79x128xi32, #tpu.memory_space<vmem>>)
      tpu.yield
    }) : () -> ()
    "tpu.region"() ({
      %run_scoped3A_170 = tpu.sem_alloc : memref<!tpu.dma_semaphore, #tpu.memory_space<semaphore_mem>>
      %dma_start3A = arith.constant 0 : i32
      %dma_start3A_171 = arith.constant 0 : i32
      %dma_start3A_172 = tpu.memref_slice %arg4[%add3A, %dma_start3A, %dma_start3A_171] : memref<32x79x128xf32, #tpu.memory_space<hbm>> -> memref<1x79x128xf32, #tpu.memory_space<hbm>>
      %dma_start3A_173 = tpu.memref_squeeze %dma_start3A_172 : memref<1x79x128xf32, #tpu.memory_space<hbm>> -> memref<79x128xf32, #tpu.memory_space<hbm>>
      %dma_start3A_174 = arith.constant 0 : i32
      %dma_start3A_175 = arith.constant 0 : i32
      %dma_start3A_176 = tpu.memref_slice %arg4[%add3A, %dma_start3A_174, %dma_start3A_175] : memref<32x79x128xf32, #tpu.memory_space<hbm>> -> memref<1x79x128xf32, #tpu.memory_space<hbm>>
      %dma_start3A_177 = tpu.memref_squeeze %dma_start3A_176 : memref<1x79x128xf32, #tpu.memory_space<hbm>> -> memref<79x128xf32, #tpu.memory_space<hbm>>
      tpu.enqueue_dma source(%dma_start3A_177 : memref<79x128xf32, #tpu.memory_space<hbm>>) target(%arg9 : memref<79x128xf32, #tpu.memory_space<vmem>>) target_semaphore(%run_scoped3A_170 : memref<!tpu.dma_semaphore, #tpu.memory_space<semaphore_mem>>)
      %dma_wait3A = arith.constant 0 : i32
      %dma_wait3A_178 = arith.constant 0 : i32
      %dma_wait3A_179 = tpu.memref_slice %arg4[%add3A, %dma_wait3A, %dma_wait3A_178] : memref<32x79x128xf32, #tpu.memory_space<hbm>> -> memref<1x79x128xf32, #tpu.memory_space<hbm>>
      %dma_wait3A_180 = tpu.memref_squeeze %dma_wait3A_179 : memref<1x79x128xf32, #tpu.memory_space<hbm>> -> memref<79x128xf32, #tpu.memory_space<hbm>>
      %dma_wait3A_181 = arith.constant 0 : i32
      %dma_wait3A_182 = arith.constant 0 : i32
      %dma_wait3A_183 = tpu.memref_slice %arg4[%add3A, %dma_wait3A_181, %dma_wait3A_182] : memref<32x79x128xf32, #tpu.memory_space<hbm>> -> memref<1x79x128xf32, #tpu.memory_space<hbm>>
      %dma_wait3A_184 = tpu.memref_squeeze %dma_wait3A_183 : memref<1x79x128xf32, #tpu.memory_space<hbm>> -> memref<79x128xf32, #tpu.memory_space<hbm>>
      tpu.wait_dma2 semaphore(%run_scoped3A_170 : memref<!tpu.dma_semaphore, #tpu.memory_space<semaphore_mem>>) src(%dma_wait3A_184 : memref<79x128xf32, #tpu.memory_space<hbm>>) dst(%arg9 : memref<79x128xf32, #tpu.memory_space<vmem>>)
      tpu.yield
    }) : () -> ()
    "tpu.region"() ({
      %run_scoped3A_170 = tpu.sem_alloc : memref<!tpu.dma_semaphore, #tpu.memory_space<semaphore_mem>>
      %dma_start3A = arith.constant 0 : i32
      %dma_start3A_171 = arith.constant 0 : i32
      %dma_start3A_172 = tpu.memref_slice %arg5[%add3A, %dma_start3A, %dma_start3A_171] : memref<32x79x128xf32, #tpu.memory_space<hbm>> -> memref<1x79x128xf32, #tpu.memory_space<hbm>>
      %dma_start3A_173 = tpu.memref_squeeze %dma_start3A_172 : memref<1x79x128xf32, #tpu.memory_space<hbm>> -> memref<79x128xf32, #tpu.memory_space<hbm>>
      %dma_start3A_174 = arith.constant 0 : i32
      %dma_start3A_175 = arith.constant 0 : i32
      %dma_start3A_176 = tpu.memref_slice %arg5[%add3A, %dma_start3A_174, %dma_start3A_175] : memref<32x79x128xf32, #tpu.memory_space<hbm>> -> memref<1x79x128xf32, #tpu.memory_space<hbm>>
      %dma_start3A_177 = tpu.memref_squeeze %dma_start3A_176 : memref<1x79x128xf32, #tpu.memory_space<hbm>> -> memref<79x128xf32, #tpu.memory_space<hbm>>
      tpu.enqueue_dma source(%dma_start3A_177 : memref<79x128xf32, #tpu.memory_space<hbm>>) target(%arg10 : memref<79x128xf32, #tpu.memory_space<vmem>>) target_semaphore(%run_scoped3A_170 : memref<!tpu.dma_semaphore, #tpu.memory_space<semaphore_mem>>)
      %dma_wait3A = arith.constant 0 : i32
      %dma_wait3A_178 = arith.constant 0 : i32
      %dma_wait3A_179 = tpu.memref_slice %arg5[%add3A, %dma_wait3A, %dma_wait3A_178] : memref<32x79x128xf32, #tpu.memory_space<hbm>> -> memref<1x79x128xf32, #tpu.memory_space<hbm>>
      %dma_wait3A_180 = tpu.memref_squeeze %dma_wait3A_179 : memref<1x79x128xf32, #tpu.memory_space<hbm>> -> memref<79x128xf32, #tpu.memory_space<hbm>>
      %dma_wait3A_181 = arith.constant 0 : i32
      %dma_wait3A_182 = arith.constant 0 : i32
      %dma_wait3A_183 = tpu.memref_slice %arg5[%add3A, %dma_wait3A_181, %dma_wait3A_182] : memref<32x79x128xf32, #tpu.memory_space<hbm>> -> memref<1x79x128xf32, #tpu.memory_space<hbm>>
      %dma_wait3A_184 = tpu.memref_squeeze %dma_wait3A_183 : memref<1x79x128xf32, #tpu.memory_space<hbm>> -> memref<79x128xf32, #tpu.memory_space<hbm>>
      tpu.wait_dma2 semaphore(%run_scoped3A_170 : memref<!tpu.dma_semaphore, #tpu.memory_space<semaphore_mem>>) src(%dma_wait3A_184 : memref<79x128xf32, #tpu.memory_space<hbm>>) dst(%arg10 : memref<79x128xf32, #tpu.memory_space<vmem>>)
      tpu.yield
    }) : () -> ()
    %barrier3A = arith.constant 0 : index
    tpu.barrier barrier_id(%barrier3A)
    %scan3A = arith.constant 0 : i32
    %scan3A_161 = arith.constant 0 : i32
    %scan3A_162 = arith.constant 79 : i32
    %scan3A_163 = arith.addi %scan3A_161, %scan3A_162 : i32
    %scan3A_164 = arith.constant 1 : i32
    scf.for %scan3A_170 = %scan3A_161 to %scan3A_163 step %scan3A_164  : i32 {
      "tpu.region"() ({
        %run_scoped3A_171 = tpu.sem_alloc : memref<!tpu.dma_semaphore, #tpu.memory_space<semaphore_mem>>
        %dma_start3A = arith.constant 0 : i32
        %dma_start3A_172 = tpu.memref_slice %arg9[%scan3A_170, %dma_start3A] : memref<79x128xf32, #tpu.memory_space<vmem>> -> memref<1x128xf32, #tpu.memory_space<vmem>>
        %dma_start3A_173 = tpu.memref_squeeze %dma_start3A_172 : memref<1x128xf32, #tpu.memory_space<vmem>> -> memref<128xf32, #tpu.memory_space<vmem>>
        %dma_start3A_174 = arith.constant 0 : i32
        %dma_start3A_175 = tpu.memref_slice %arg7[%scan3A_170, %dma_start3A_174] : memref<79x128xi32, #tpu.memory_space<vmem>> -> memref<1x128xi32, #tpu.memory_space<vmem>>
        %dma_start3A_176 = tpu.memref_squeeze %dma_start3A_175 : memref<1x128xi32, #tpu.memory_space<vmem>> -> memref<128xi32, #tpu.memory_space<vmem>>
        %dma_start3A_177 = arith.constant 0 : i32
        %dma_start3A_178 = tpu.memref_slice %arg12[%dma_start3A_177] : memref<10240xf32, #tpu.memory_space<vmem_shared>> -> memref<10240xf32, #tpu.memory_space<vmem_shared>>
        tpu.enqueue_indirect_dma source(%dma_start3A_173 : memref<128xf32, #tpu.memory_space<vmem>>) target(%dma_start3A_178 : memref<10240xf32, #tpu.memory_space<vmem_shared>>) offsets(%dma_start3A_176 : memref<128xi32, #tpu.memory_space<vmem>>) semaphore(%run_scoped3A_171 : memref<!tpu.dma_semaphore, #tpu.memory_space<semaphore_mem>>) {add = true}
        %dma_wait3A = arith.constant 0 : i32
        %dma_wait3A_179 = tpu.memref_slice %arg9[%scan3A_170, %dma_wait3A] : memref<79x128xf32, #tpu.memory_space<vmem>> -> memref<1x128xf32, #tpu.memory_space<vmem>>
        %dma_wait3A_180 = tpu.memref_squeeze %dma_wait3A_179 : memref<1x128xf32, #tpu.memory_space<vmem>> -> memref<128xf32, #tpu.memory_space<vmem>>
        %dma_wait3A_181 = arith.constant 0 : i32
        %dma_wait3A_182 = tpu.memref_slice %arg7[%scan3A_170, %dma_wait3A_181] : memref<79x128xi32, #tpu.memory_space<vmem>> -> memref<1x128xi32, #tpu.memory_space<vmem>>
        %dma_wait3A_183 = tpu.memref_squeeze %dma_wait3A_182 : memref<1x128xi32, #tpu.memory_space<vmem>> -> memref<128xi32, #tpu.memory_space<vmem>>
        %dma_wait3A_184 = arith.constant 0 : i32
        %dma_wait3A_185 = tpu.memref_slice %arg12[%dma_wait3A_184] : memref<10240xf32, #tpu.memory_space<vmem_shared>> -> memref<10240xf32, #tpu.memory_space<vmem_shared>>
        tpu.wait_indirect_dma semaphore(%run_scoped3A_171 : memref<!tpu.dma_semaphore, #tpu.memory_space<semaphore_mem>>) src(%dma_wait3A_180 : memref<128xf32, #tpu.memory_space<vmem>>) dst(%dma_wait3A_185 : memref<10240xf32, #tpu.memory_space<vmem_shared>>)
        tpu.yield
      }) : () -> ()
      "tpu.region"() ({
        %run_scoped3A_171 = tpu.sem_alloc : memref<!tpu.dma_semaphore, #tpu.memory_space<semaphore_mem>>
        %dma_start3A = arith.constant 0 : i32
        %dma_start3A_172 = tpu.memref_slice %arg9[%scan3A_170, %dma_start3A] : memref<79x128xf32, #tpu.memory_space<vmem>> -> memref<1x128xf32, #tpu.memory_space<vmem>>
        %dma_start3A_173 = tpu.memref_squeeze %dma_start3A_172 : memref<1x128xf32, #tpu.memory_space<vmem>> -> memref<128xf32, #tpu.memory_space<vmem>>
        %dma_start3A_174 = arith.constant 0 : i32
        %dma_start3A_175 = tpu.memref_slice %arg8[%scan3A_170, %dma_start3A_174] : memref<79x128xi32, #tpu.memory_space<vmem>> -> memref<1x128xi32, #tpu.memory_space<vmem>>
        %dma_start3A_176 = tpu.memref_squeeze %dma_start3A_175 : memref<1x128xi32, #tpu.memory_space<vmem>> -> memref<128xi32, #tpu.memory_space<vmem>>
        %dma_start3A_177 = arith.constant 0 : i32
        %dma_start3A_178 = tpu.memref_slice %arg13[%dma_start3A_177] : memref<10240xf32, #tpu.memory_space<vmem_shared>> -> memref<10240xf32, #tpu.memory_space<vmem_shared>>
        tpu.enqueue_indirect_dma source(%dma_start3A_173 : memref<128xf32, #tpu.memory_space<vmem>>) target(%dma_start3A_178 : memref<10240xf32, #tpu.memory_space<vmem_shared>>) offsets(%dma_start3A_176 : memref<128xi32, #tpu.memory_space<vmem>>) semaphore(%run_scoped3A_171 : memref<!tpu.dma_semaphore, #tpu.memory_space<semaphore_mem>>) {add = true}
        %dma_wait3A = arith.constant 0 : i32
        %dma_wait3A_179 = tpu.memref_slice %arg9[%scan3A_170, %dma_wait3A] : memref<79x128xf32, #tpu.memory_space<vmem>> -> memref<1x128xf32, #tpu.memory_space<vmem>>
        %dma_wait3A_180 = tpu.memref_squeeze %dma_wait3A_179 : memref<1x128xf32, #tpu.memory_space<vmem>> -> memref<128xf32, #tpu.memory_space<vmem>>
        %dma_wait3A_181 = arith.constant 0 : i32
        %dma_wait3A_182 = tpu.memref_slice %arg8[%scan3A_170, %dma_wait3A_181] : memref<79x128xi32, #tpu.memory_space<vmem>> -> memref<1x128xi32, #tpu.memory_space<vmem>>
        %dma_wait3A_183 = tpu.memref_squeeze %dma_wait3A_182 : memref<1x128xi32, #tpu.memory_space<vmem>> -> memref<128xi32, #tpu.memory_space<vmem>>
        %dma_wait3A_184 = arith.constant 0 : i32
        %dma_wait3A_185 = tpu.memref_slice %arg13[%dma_wait3A_184] : memref<10240xf32, #tpu.memory_space<vmem_shared>> -> memref<10240xf32, #tpu.memory_space<vmem_shared>>
        tpu.wait_indirect_dma semaphore(%run_scoped3A_171 : memref<!tpu.dma_semaphore, #tpu.memory_space<semaphore_mem>>) src(%dma_wait3A_180 : memref<128xf32, #tpu.memory_space<vmem>>) dst(%dma_wait3A_185 : memref<10240xf32, #tpu.memory_space<vmem_shared>>)
        tpu.yield
      }) : () -> ()
      "tpu.region"() ({
        %run_scoped3A_171 = tpu.sem_alloc : memref<!tpu.dma_semaphore, #tpu.memory_space<semaphore_mem>>
        %dma_start3A = arith.constant 0 : i32
        %dma_start3A_172 = tpu.memref_slice %arg10[%scan3A_170, %dma_start3A] : memref<79x128xf32, #tpu.memory_space<vmem>> -> memref<1x128xf32, #tpu.memory_space<vmem>>
        %dma_start3A_173 = tpu.memref_squeeze %dma_start3A_172 : memref<1x128xf32, #tpu.memory_space<vmem>> -> memref<128xf32, #tpu.memory_space<vmem>>
        %dma_start3A_174 = arith.constant 0 : i32
        %dma_start3A_175 = tpu.memref_slice %arg7[%scan3A_170, %dma_start3A_174] : memref<79x128xi32, #tpu.memory_space<vmem>> -> memref<1x128xi32, #tpu.memory_space<vmem>>
        %dma_start3A_176 = tpu.memref_squeeze %dma_start3A_175 : memref<1x128xi32, #tpu.memory_space<vmem>> -> memref<128xi32, #tpu.memory_space<vmem>>
        %dma_start3A_177 = arith.constant 0 : i32
        %dma_start3A_178 = tpu.memref_slice %arg14[%dma_start3A_177] : memref<10240xf32, #tpu.memory_space<vmem_shared>> -> memref<10240xf32, #tpu.memory_space<vmem_shared>>
        tpu.enqueue_indirect_dma source(%dma_start3A_173 : memref<128xf32, #tpu.memory_space<vmem>>) target(%dma_start3A_178 : memref<10240xf32, #tpu.memory_space<vmem_shared>>) offsets(%dma_start3A_176 : memref<128xi32, #tpu.memory_space<vmem>>) semaphore(%run_scoped3A_171 : memref<!tpu.dma_semaphore, #tpu.memory_space<semaphore_mem>>) {add = true}
        %dma_wait3A = arith.constant 0 : i32
        %dma_wait3A_179 = tpu.memref_slice %arg10[%scan3A_170, %dma_wait3A] : memref<79x128xf32, #tpu.memory_space<vmem>> -> memref<1x128xf32, #tpu.memory_space<vmem>>
        %dma_wait3A_180 = tpu.memref_squeeze %dma_wait3A_179 : memref<1x128xf32, #tpu.memory_space<vmem>> -> memref<128xf32, #tpu.memory_space<vmem>>
        %dma_wait3A_181 = arith.constant 0 : i32
        %dma_wait3A_182 = tpu.memref_slice %arg7[%scan3A_170, %dma_wait3A_181] : memref<79x128xi32, #tpu.memory_space<vmem>> -> memref<1x128xi32, #tpu.memory_space<vmem>>
        %dma_wait3A_183 = tpu.memref_squeeze %dma_wait3A_182 : memref<1x128xi32, #tpu.memory_space<vmem>> -> memref<128xi32, #tpu.memory_space<vmem>>
        %dma_wait3A_184 = arith.constant 0 : i32
        %dma_wait3A_185 = tpu.memref_slice %arg14[%dma_wait3A_184] : memref<10240xf32, #tpu.memory_space<vmem_shared>> -> memref<10240xf32, #tpu.memory_space<vmem_shared>>
        tpu.wait_indirect_dma semaphore(%run_scoped3A_171 : memref<!tpu.dma_semaphore, #tpu.memory_space<semaphore_mem>>) src(%dma_wait3A_180 : memref<128xf32, #tpu.memory_space<vmem>>) dst(%dma_wait3A_185 : memref<10240xf32, #tpu.memory_space<vmem_shared>>)
        tpu.yield
      }) : () -> ()
      "tpu.region"() ({
        %run_scoped3A_171 = tpu.sem_alloc : memref<!tpu.dma_semaphore, #tpu.memory_space<semaphore_mem>>
        %dma_start3A = arith.constant 0 : i32
        %dma_start3A_172 = tpu.memref_slice %arg10[%scan3A_170, %dma_start3A] : memref<79x128xf32, #tpu.memory_space<vmem>> -> memref<1x128xf32, #tpu.memory_space<vmem>>
        %dma_start3A_173 = tpu.memref_squeeze %dma_start3A_172 : memref<1x128xf32, #tpu.memory_space<vmem>> -> memref<128xf32, #tpu.memory_space<vmem>>
        %dma_start3A_174 = arith.constant 0 : i32
        %dma_start3A_175 = tpu.memref_slice %arg8[%scan3A_170, %dma_start3A_174] : memref<79x128xi32, #tpu.memory_space<vmem>> -> memref<1x128xi32, #tpu.memory_space<vmem>>
        %dma_start3A_176 = tpu.memref_squeeze %dma_start3A_175 : memref<1x128xi32, #tpu.memory_space<vmem>> -> memref<128xi32, #tpu.memory_space<vmem>>
        %dma_start3A_177 = arith.constant 0 : i32
        %dma_start3A_178 = tpu.memref_slice %arg15[%dma_start3A_177] : memref<10240xf32, #tpu.memory_space<vmem_shared>> -> memref<10240xf32, #tpu.memory_space<vmem_shared>>
        tpu.enqueue_indirect_dma source(%dma_start3A_173 : memref<128xf32, #tpu.memory_space<vmem>>) target(%dma_start3A_178 : memref<10240xf32, #tpu.memory_space<vmem_shared>>) offsets(%dma_start3A_176 : memref<128xi32, #tpu.memory_space<vmem>>) semaphore(%run_scoped3A_171 : memref<!tpu.dma_semaphore, #tpu.memory_space<semaphore_mem>>) {add = true}
        %dma_wait3A = arith.constant 0 : i32
        %dma_wait3A_179 = tpu.memref_slice %arg10[%scan3A_170, %dma_wait3A] : memref<79x128xf32, #tpu.memory_space<vmem>> -> memref<1x128xf32, #tpu.memory_space<vmem>>
        %dma_wait3A_180 = tpu.memref_squeeze %dma_wait3A_179 : memref<1x128xf32, #tpu.memory_space<vmem>> -> memref<128xf32, #tpu.memory_space<vmem>>
        %dma_wait3A_181 = arith.constant 0 : i32
        %dma_wait3A_182 = tpu.memref_slice %arg8[%scan3A_170, %dma_wait3A_181] : memref<79x128xi32, #tpu.memory_space<vmem>> -> memref<1x128xi32, #tpu.memory_space<vmem>>
        %dma_wait3A_183 = tpu.memref_squeeze %dma_wait3A_182 : memref<1x128xi32, #tpu.memory_space<vmem>> -> memref<128xi32, #tpu.memory_space<vmem>>
        %dma_wait3A_184 = arith.constant 0 : i32
        %dma_wait3A_185 = tpu.memref_slice %arg15[%dma_wait3A_184] : memref<10240xf32, #tpu.memory_space<vmem_shared>> -> memref<10240xf32, #tpu.memory_space<vmem_shared>>
        tpu.wait_indirect_dma semaphore(%run_scoped3A_171 : memref<!tpu.dma_semaphore, #tpu.memory_space<semaphore_mem>>) src(%dma_wait3A_180 : memref<128xf32, #tpu.memory_space<vmem>>) dst(%dma_wait3A_185 : memref<10240xf32, #tpu.memory_space<vmem_shared>>)
        tpu.yield
      }) : () -> ()
    }
    %scan3A_165 = arith.constant 79 : i32
    %barrier3A_166 = arith.constant 0 : index
    tpu.barrier barrier_id(%barrier3A_166)
    %run_scoped3A = arith.constant 0 : i32
    "tpu.region"() ({
      %run_scoped3A_170 = tpu.sem_alloc : memref<!tpu.dma_semaphore, #tpu.memory_space<semaphore_mem>>
      %dma_start3A = tpu.memref_slice %arg6[%arg0, %run_scoped3A, %mul3A_2] : memref<2x4x10240xf32, #tpu.memory_space<hbm>> -> memref<1x1x640xf32, #tpu.memory_space<hbm>>
      %dma_start3A_171 = tpu.memref_squeeze %dma_start3A : memref<1x1x640xf32, #tpu.memory_space<hbm>> -> memref<640xf32, #tpu.memory_space<hbm>>
      %dma_start3A_172 = tpu.memref_slice %arg12[%mul3A_2] : memref<10240xf32, #tpu.memory_space<vmem_shared>> -> memref<640xf32, #tpu.memory_space<vmem_shared>>
      tpu.enqueue_dma source(%dma_start3A_172 : memref<640xf32, #tpu.memory_space<vmem_shared>>) target(%dma_start3A_171 : memref<640xf32, #tpu.memory_space<hbm>>) target_semaphore(%run_scoped3A_170 : memref<!tpu.dma_semaphore, #tpu.memory_space<semaphore_mem>>)
      %dma_wait3A = tpu.memref_slice %arg6[%arg0, %run_scoped3A, %mul3A_2] : memref<2x4x10240xf32, #tpu.memory_space<hbm>> -> memref<1x1x640xf32, #tpu.memory_space<hbm>>
      %dma_wait3A_173 = tpu.memref_squeeze %dma_wait3A : memref<1x1x640xf32, #tpu.memory_space<hbm>> -> memref<640xf32, #tpu.memory_space<hbm>>
      %dma_wait3A_174 = tpu.memref_slice %arg12[%mul3A_2] : memref<10240xf32, #tpu.memory_space<vmem_shared>> -> memref<640xf32, #tpu.memory_space<vmem_shared>>
      tpu.wait_dma2 semaphore(%run_scoped3A_170 : memref<!tpu.dma_semaphore, #tpu.memory_space<semaphore_mem>>) src(%dma_wait3A_174 : memref<640xf32, #tpu.memory_space<vmem_shared>>) dst(%dma_wait3A_173 : memref<640xf32, #tpu.memory_space<hbm>>)
      tpu.yield
    }) : () -> ()
    %run_scoped3A_167 = arith.constant 1 : i32
    "tpu.region"() ({
      %run_scoped3A_170 = tpu.sem_alloc : memref<!tpu.dma_semaphore, #tpu.memory_space<semaphore_mem>>
      %dma_start3A = tpu.memref_slice %arg6[%arg0, %run_scoped3A_167, %mul3A_2] : memref<2x4x10240xf32, #tpu.memory_space<hbm>> -> memref<1x1x640xf32, #tpu.memory_space<hbm>>
      %dma_start3A_171 = tpu.memref_squeeze %dma_start3A : memref<1x1x640xf32, #tpu.memory_space<hbm>> -> memref<640xf32, #tpu.memory_space<hbm>>
      %dma_start3A_172 = tpu.memref_slice %arg13[%mul3A_2] : memref<10240xf32, #tpu.memory_space<vmem_shared>> -> memref<640xf32, #tpu.memory_space<vmem_shared>>
      tpu.enqueue_dma source(%dma_start3A_172 : memref<640xf32, #tpu.memory_space<vmem_shared>>) target(%dma_start3A_171 : memref<640xf32, #tpu.memory_space<hbm>>) target_semaphore(%run_scoped3A_170 : memref<!tpu.dma_semaphore, #tpu.memory_space<semaphore_mem>>)
      %dma_wait3A = tpu.memref_slice %arg6[%arg0, %run_scoped3A_167, %mul3A_2] : memref<2x4x10240xf32, #tpu.memory_space<hbm>> -> memref<1x1x640xf32, #tpu.memory_space<hbm>>
      %dma_wait3A_173 = tpu.memref_squeeze %dma_wait3A : memref<1x1x640xf32, #tpu.memory_space<hbm>> -> memref<640xf32, #tpu.memory_space<hbm>>
      %dma_wait3A_174 = tpu.memref_slice %arg13[%mul3A_2] : memref<10240xf32, #tpu.memory_space<vmem_shared>> -> memref<640xf32, #tpu.memory_space<vmem_shared>>
      tpu.wait_dma2 semaphore(%run_scoped3A_170 : memref<!tpu.dma_semaphore, #tpu.memory_space<semaphore_mem>>) src(%dma_wait3A_174 : memref<640xf32, #tpu.memory_space<vmem_shared>>) dst(%dma_wait3A_173 : memref<640xf32, #tpu.memory_space<hbm>>)
      tpu.yield
    }) : () -> ()
    %run_scoped3A_168 = arith.constant 2 : i32
    "tpu.region"() ({
      %run_scoped3A_170 = tpu.sem_alloc : memref<!tpu.dma_semaphore, #tpu.memory_space<semaphore_mem>>
      %dma_start3A = tpu.memref_slice %arg6[%arg0, %run_scoped3A_168, %mul3A_2] : memref<2x4x10240xf32, #tpu.memory_space<hbm>> -> memref<1x1x640xf32, #tpu.memory_space<hbm>>
      %dma_start3A_171 = tpu.memref_squeeze %dma_start3A : memref<1x1x640xf32, #tpu.memory_space<hbm>> -> memref<640xf32, #tpu.memory_space<hbm>>
      %dma_start3A_172 = tpu.memref_slice %arg14[%mul3A_2] : memref<10240xf32, #tpu.memory_space<vmem_shared>> -> memref<640xf32, #tpu.memory_space<vmem_shared>>
      tpu.enqueue_dma source(%dma_start3A_172 : memref<640xf32, #tpu.memory_space<vmem_shared>>) target(%dma_start3A_171 : memref<640xf32, #tpu.memory_space<hbm>>) target_semaphore(%run_scoped3A_170 : memref<!tpu.dma_semaphore, #tpu.memory_space<semaphore_mem>>)
      %dma_wait3A = tpu.memref_slice %arg6[%arg0, %run_scoped3A_168, %mul3A_2] : memref<2x4x10240xf32, #tpu.memory_space<hbm>> -> memref<1x1x640xf32, #tpu.memory_space<hbm>>
      %dma_wait3A_173 = tpu.memref_squeeze %dma_wait3A : memref<1x1x640xf32, #tpu.memory_space<hbm>> -> memref<640xf32, #tpu.memory_space<hbm>>
      %dma_wait3A_174 = tpu.memref_slice %arg14[%mul3A_2] : memref<10240xf32, #tpu.memory_space<vmem_shared>> -> memref<640xf32, #tpu.memory_space<vmem_shared>>
      tpu.wait_dma2 semaphore(%run_scoped3A_170 : memref<!tpu.dma_semaphore, #tpu.memory_space<semaphore_mem>>) src(%dma_wait3A_174 : memref<640xf32, #tpu.memory_space<vmem_shared>>) dst(%dma_wait3A_173 : memref<640xf32, #tpu.memory_space<hbm>>)
      tpu.yield
    }) : () -> ()
    %run_scoped3A_169 = arith.constant 3 : i32
    "tpu.region"() ({
      %run_scoped3A_170 = tpu.sem_alloc : memref<!tpu.dma_semaphore, #tpu.memory_space<semaphore_mem>>
      %dma_start3A = tpu.memref_slice %arg6[%arg0, %run_scoped3A_169, %mul3A_2] : memref<2x4x10240xf32, #tpu.memory_space<hbm>> -> memref<1x1x640xf32, #tpu.memory_space<hbm>>
      %dma_start3A_171 = tpu.memref_squeeze %dma_start3A : memref<1x1x640xf32, #tpu.memory_space<hbm>> -> memref<640xf32, #tpu.memory_space<hbm>>
      %dma_start3A_172 = tpu.memref_slice %arg15[%mul3A_2] : memref<10240xf32, #tpu.memory_space<vmem_shared>> -> memref<640xf32, #tpu.memory_space<vmem_shared>>
      tpu.enqueue_dma source(%dma_start3A_172 : memref<640xf32, #tpu.memory_space<vmem_shared>>) target(%dma_start3A_171 : memref<640xf32, #tpu.memory_space<hbm>>) target_semaphore(%run_scoped3A_170 : memref<!tpu.dma_semaphore, #tpu.memory_space<semaphore_mem>>)
      %dma_wait3A = tpu.memref_slice %arg6[%arg0, %run_scoped3A_169, %mul3A_2] : memref<2x4x10240xf32, #tpu.memory_space<hbm>> -> memref<1x1x640xf32, #tpu.memory_space<hbm>>
      %dma_wait3A_173 = tpu.memref_squeeze %dma_wait3A : memref<1x1x640xf32, #tpu.memory_space<hbm>> -> memref<640xf32, #tpu.memory_space<hbm>>
      %dma_wait3A_174 = tpu.memref_slice %arg15[%mul3A_2] : memref<10240xf32, #tpu.memory_space<vmem_shared>> -> memref<640xf32, #tpu.memory_space<vmem_shared>>
      tpu.wait_dma2 semaphore(%run_scoped3A_170 : memref<!tpu.dma_semaphore, #tpu.memory_space<semaphore_mem>>) src(%dma_wait3A_174 : memref<640xf32, #tpu.memory_space<vmem_shared>>) dst(%dma_wait3A_173 : memref<640xf32, #tpu.memory_space<hbm>>)
      tpu.yield
    }) : () -> ()
    return
  }
}

#map = affine_map<(d0, d1) -> (0, 0)>
#map1 = affine_map<(d0, d1) -> (0, 0, 0)>
module attributes {stable_mosaic.version = 14 : i64} {
  func.func @edge_pass(%arg0: i32, %arg1: i32, %arg2: memref<10240x128xf32, #tpu.memory_space<hbm>>, %arg3: memref<32x79x128xi32, #tpu.memory_space<hbm>>, %arg4: memref<32x79x128xi32, #tpu.memory_space<hbm>>, %arg5: memref<2x10240x128xf32, #tpu.memory_space<hbm>>, %arg6: memref<79x128xi32, #tpu.memory_space<vmem>>, %arg7: memref<79x128xi32, #tpu.memory_space<vmem>>, %arg8: memref<128x128xf32, #tpu.memory_space<vmem>>, %arg9: memref<16x128xf32, #tpu.memory_space<vmem>>, %arg10: memref<!tpu.dma_semaphore, #tpu.memory_space<semaphore_mem>>, %arg11: memref<10240x128xf32, #tpu.memory_space<vmem_shared>>) attributes {dimension_semantics = [#tpu.dimension_semantics<core_parallel>, #tpu.dimension_semantics<subcore_parallel>], iteration_bounds = array<i64: 2, 16>, scalar_prefetch = 0 : i64, scratch_operands = 6 : i64, tpu.core_type = #tpu.core_type<sc_vector_subcore>, window_params = [{transform_indices = #map}, {transform_indices = #map1}, {transform_indices = #map1}, {transform_indices = #map1}]} {
    %mul3A = arith.constant 2 : i32
    %mul3A_0 = arith.muli %arg1, %mul3A : i32
    %add3A = arith.addi %mul3A_0, %arg0 : i32
    %scan3A = arith.constant 0 : i32
    %scan3A_1 = arith.constant 0 : i32
    %scan3A_2 = arith.constant 16 : i32
    %scan3A_3 = arith.addi %scan3A_1, %scan3A_2 : i32
    %scan3A_4 = arith.constant 1 : i32
    scf.for %scan3A_23 = %scan3A_1 to %scan3A_3 step %scan3A_4  : i32 {
      %broadcast_in_dim3A = arith.constant 0.000000e+00 : f32
      %broadcast_in_dim3A_24 = vector.broadcast %broadcast_in_dim3A : f32 to vector<16xf32>
      %swap3A = arith.index_cast %scan3A_23 : i32 to index
      %swap3A_25 = arith.constant 0 : index
      %swap3A_26 = tpu.vector_load %arg9[%swap3A, %swap3A_25] {strides = array<i32>} : memref<16x128xf32, #tpu.memory_space<vmem>>, vector<16xf32>,
      tpu.vector_store %arg9[%swap3A, %swap3A_25], %broadcast_in_dim3A_24 {strides = array<i32>} : memref<16x128xf32, #tpu.memory_space<vmem>>, vector<16xf32>,
      %broadcast_in_dim3A_27 = arith.constant 0.000000e+00 : f32
      %broadcast_in_dim3A_28 = vector.broadcast %broadcast_in_dim3A_27 : f32 to vector<16xf32>
      %swap3A_29 = arith.index_cast %scan3A_23 : i32 to index
      %swap3A_30 = arith.constant 16 : index
      %swap3A_31 = tpu.vector_load %arg9[%swap3A_29, %swap3A_30] {strides = array<i32>} : memref<16x128xf32, #tpu.memory_space<vmem>>, vector<16xf32>,
      tpu.vector_store %arg9[%swap3A_29, %swap3A_30], %broadcast_in_dim3A_28 {strides = array<i32>} : memref<16x128xf32, #tpu.memory_space<vmem>>, vector<16xf32>,
      %broadcast_in_dim3A_32 = arith.constant 0.000000e+00 : f32
      %broadcast_in_dim3A_33 = vector.broadcast %broadcast_in_dim3A_32 : f32 to vector<16xf32>
      %swap3A_34 = arith.index_cast %scan3A_23 : i32 to index
      %swap3A_35 = arith.constant 32 : index
      %swap3A_36 = tpu.vector_load %arg9[%swap3A_34, %swap3A_35] {strides = array<i32>} : memref<16x128xf32, #tpu.memory_space<vmem>>, vector<16xf32>,
      tpu.vector_store %arg9[%swap3A_34, %swap3A_35], %broadcast_in_dim3A_33 {strides = array<i32>} : memref<16x128xf32, #tpu.memory_space<vmem>>, vector<16xf32>,
      %broadcast_in_dim3A_37 = arith.constant 0.000000e+00 : f32
      %broadcast_in_dim3A_38 = vector.broadcast %broadcast_in_dim3A_37 : f32 to vector<16xf32>
      %swap3A_39 = arith.index_cast %scan3A_23 : i32 to index
      %swap3A_40 = arith.constant 48 : index
      %swap3A_41 = tpu.vector_load %arg9[%swap3A_39, %swap3A_40] {strides = array<i32>} : memref<16x128xf32, #tpu.memory_space<vmem>>, vector<16xf32>,
      tpu.vector_store %arg9[%swap3A_39, %swap3A_40], %broadcast_in_dim3A_38 {strides = array<i32>} : memref<16x128xf32, #tpu.memory_space<vmem>>, vector<16xf32>,
      %broadcast_in_dim3A_42 = arith.constant 0.000000e+00 : f32
      %broadcast_in_dim3A_43 = vector.broadcast %broadcast_in_dim3A_42 : f32 to vector<16xf32>
      %swap3A_44 = arith.index_cast %scan3A_23 : i32 to index
      %swap3A_45 = arith.constant 64 : index
      %swap3A_46 = tpu.vector_load %arg9[%swap3A_44, %swap3A_45] {strides = array<i32>} : memref<16x128xf32, #tpu.memory_space<vmem>>, vector<16xf32>,
      tpu.vector_store %arg9[%swap3A_44, %swap3A_45], %broadcast_in_dim3A_43 {strides = array<i32>} : memref<16x128xf32, #tpu.memory_space<vmem>>, vector<16xf32>,
      %broadcast_in_dim3A_47 = arith.constant 0.000000e+00 : f32
      %broadcast_in_dim3A_48 = vector.broadcast %broadcast_in_dim3A_47 : f32 to vector<16xf32>
      %swap3A_49 = arith.index_cast %scan3A_23 : i32 to index
      %swap3A_50 = arith.constant 80 : index
      %swap3A_51 = tpu.vector_load %arg9[%swap3A_49, %swap3A_50] {strides = array<i32>} : memref<16x128xf32, #tpu.memory_space<vmem>>, vector<16xf32>,
      tpu.vector_store %arg9[%swap3A_49, %swap3A_50], %broadcast_in_dim3A_48 {strides = array<i32>} : memref<16x128xf32, #tpu.memory_space<vmem>>, vector<16xf32>,
      %broadcast_in_dim3A_52 = arith.constant 0.000000e+00 : f32
      %broadcast_in_dim3A_53 = vector.broadcast %broadcast_in_dim3A_52 : f32 to vector<16xf32>
      %swap3A_54 = arith.index_cast %scan3A_23 : i32 to index
      %swap3A_55 = arith.constant 96 : index
      %swap3A_56 = tpu.vector_load %arg9[%swap3A_54, %swap3A_55] {strides = array<i32>} : memref<16x128xf32, #tpu.memory_space<vmem>>, vector<16xf32>,
      tpu.vector_store %arg9[%swap3A_54, %swap3A_55], %broadcast_in_dim3A_53 {strides = array<i32>} : memref<16x128xf32, #tpu.memory_space<vmem>>, vector<16xf32>,
      %broadcast_in_dim3A_57 = arith.constant 0.000000e+00 : f32
      %broadcast_in_dim3A_58 = vector.broadcast %broadcast_in_dim3A_57 : f32 to vector<16xf32>
      %swap3A_59 = arith.index_cast %scan3A_23 : i32 to index
      %swap3A_60 = arith.constant 112 : index
      %swap3A_61 = tpu.vector_load %arg9[%swap3A_59, %swap3A_60] {strides = array<i32>} : memref<16x128xf32, #tpu.memory_space<vmem>>, vector<16xf32>,
      tpu.vector_store %arg9[%swap3A_59, %swap3A_60], %broadcast_in_dim3A_58 {strides = array<i32>} : memref<16x128xf32, #tpu.memory_space<vmem>>, vector<16xf32>,
    }
    %scan3A_5 = arith.constant 16 : i32
    %scan3A_6 = arith.constant 0 : i32
    %scan3A_7 = arith.constant 0 : i32
    %scan3A_8 = arith.constant 40 : i32
    %scan3A_9 = arith.addi %scan3A_7, %scan3A_8 : i32
    %scan3A_10 = arith.constant 1 : i32
    scf.for %scan3A_23 = %scan3A_7 to %scan3A_9 step %scan3A_10  : i32 {
      %mul3A_24 = arith.constant 640 : i32
      %mul3A_25 = arith.muli %arg1, %mul3A_24 : i32
      %mul3A_26 = arith.constant 16 : i32
      %mul3A_27 = arith.muli %scan3A_23, %mul3A_26 : i32
      %add3A_28 = arith.addi %mul3A_25, %mul3A_27 : i32
      "tpu.region"() ({
        %run_scoped3A = tpu.sem_alloc : memref<!tpu.dma_semaphore, #tpu.memory_space<semaphore_mem>>
        %dma_start3A = arith.constant 0 : i32
        %dma_start3A_29 = tpu.memref_slice %arg11[%add3A_28, %dma_start3A] : memref<10240x128xf32, #tpu.memory_space<vmem_shared>> -> memref<16x128xf32, #tpu.memory_space<vmem_shared>>
        %dma_start3A_30 = arith.constant 0 : i32
        %dma_start3A_31 = tpu.memref_slice %arg11[%add3A_28, %dma_start3A_30] : memref<10240x128xf32, #tpu.memory_space<vmem_shared>> -> memref<16x128xf32, #tpu.memory_space<vmem_shared>>
        tpu.enqueue_dma source(%arg9 : memref<16x128xf32, #tpu.memory_space<vmem>>) target(%dma_start3A_31 : memref<16x128xf32, #tpu.memory_space<vmem_shared>>) target_semaphore(%run_scoped3A : memref<!tpu.dma_semaphore, #tpu.memory_space<semaphore_mem>>)
        %dma_wait3A = arith.constant 0 : i32
        %dma_wait3A_32 = tpu.memref_slice %arg11[%add3A_28, %dma_wait3A] : memref<10240x128xf32, #tpu.memory_space<vmem_shared>> -> memref<16x128xf32, #tpu.memory_space<vmem_shared>>
        %dma_wait3A_33 = arith.constant 0 : i32
        %dma_wait3A_34 = tpu.memref_slice %arg11[%add3A_28, %dma_wait3A_33] : memref<10240x128xf32, #tpu.memory_space<vmem_shared>> -> memref<16x128xf32, #tpu.memory_space<vmem_shared>>
        tpu.wait_dma2 semaphore(%run_scoped3A : memref<!tpu.dma_semaphore, #tpu.memory_space<semaphore_mem>>) src(%arg9 : memref<16x128xf32, #tpu.memory_space<vmem>>) dst(%dma_wait3A_34 : memref<16x128xf32, #tpu.memory_space<vmem_shared>>)
        tpu.yield
      }) : () -> ()
    }
    %scan3A_11 = arith.constant 40 : i32
    "tpu.region"() ({
      %run_scoped3A = tpu.sem_alloc : memref<!tpu.dma_semaphore, #tpu.memory_space<semaphore_mem>>
      %dma_start3A = arith.constant 0 : i32
      %dma_start3A_23 = arith.constant 0 : i32
      %dma_start3A_24 = tpu.memref_slice %arg3[%add3A, %dma_start3A, %dma_start3A_23] : memref<32x79x128xi32, #tpu.memory_space<hbm>> -> memref<1x79x128xi32, #tpu.memory_space<hbm>>
      %dma_start3A_25 = tpu.memref_squeeze %dma_start3A_24 : memref<1x79x128xi32, #tpu.memory_space<hbm>> -> memref<79x128xi32, #tpu.memory_space<hbm>>
      %dma_start3A_26 = arith.constant 0 : i32
      %dma_start3A_27 = arith.constant 0 : i32
      %dma_start3A_28 = tpu.memref_slice %arg3[%add3A, %dma_start3A_26, %dma_start3A_27] : memref<32x79x128xi32, #tpu.memory_space<hbm>> -> memref<1x79x128xi32, #tpu.memory_space<hbm>>
      %dma_start3A_29 = tpu.memref_squeeze %dma_start3A_28 : memref<1x79x128xi32, #tpu.memory_space<hbm>> -> memref<79x128xi32, #tpu.memory_space<hbm>>
      tpu.enqueue_dma source(%dma_start3A_29 : memref<79x128xi32, #tpu.memory_space<hbm>>) target(%arg6 : memref<79x128xi32, #tpu.memory_space<vmem>>) target_semaphore(%run_scoped3A : memref<!tpu.dma_semaphore, #tpu.memory_space<semaphore_mem>>)
      %dma_wait3A = arith.constant 0 : i32
      %dma_wait3A_30 = arith.constant 0 : i32
      %dma_wait3A_31 = tpu.memref_slice %arg3[%add3A, %dma_wait3A, %dma_wait3A_30] : memref<32x79x128xi32, #tpu.memory_space<hbm>> -> memref<1x79x128xi32, #tpu.memory_space<hbm>>
      %dma_wait3A_32 = tpu.memref_squeeze %dma_wait3A_31 : memref<1x79x128xi32, #tpu.memory_space<hbm>> -> memref<79x128xi32, #tpu.memory_space<hbm>>
      %dma_wait3A_33 = arith.constant 0 : i32
      %dma_wait3A_34 = arith.constant 0 : i32
      %dma_wait3A_35 = tpu.memref_slice %arg3[%add3A, %dma_wait3A_33, %dma_wait3A_34] : memref<32x79x128xi32, #tpu.memory_space<hbm>> -> memref<1x79x128xi32, #tpu.memory_space<hbm>>
      %dma_wait3A_36 = tpu.memref_squeeze %dma_wait3A_35 : memref<1x79x128xi32, #tpu.memory_space<hbm>> -> memref<79x128xi32, #tpu.memory_space<hbm>>
      tpu.wait_dma2 semaphore(%run_scoped3A : memref<!tpu.dma_semaphore, #tpu.memory_space<semaphore_mem>>) src(%dma_wait3A_36 : memref<79x128xi32, #tpu.memory_space<hbm>>) dst(%arg6 : memref<79x128xi32, #tpu.memory_space<vmem>>)
      tpu.yield
    }) : () -> ()
    "tpu.region"() ({
      %run_scoped3A = tpu.sem_alloc : memref<!tpu.dma_semaphore, #tpu.memory_space<semaphore_mem>>
      %dma_start3A = arith.constant 0 : i32
      %dma_start3A_23 = arith.constant 0 : i32
      %dma_start3A_24 = tpu.memref_slice %arg4[%add3A, %dma_start3A, %dma_start3A_23] : memref<32x79x128xi32, #tpu.memory_space<hbm>> -> memref<1x79x128xi32, #tpu.memory_space<hbm>>
      %dma_start3A_25 = tpu.memref_squeeze %dma_start3A_24 : memref<1x79x128xi32, #tpu.memory_space<hbm>> -> memref<79x128xi32, #tpu.memory_space<hbm>>
      %dma_start3A_26 = arith.constant 0 : i32
      %dma_start3A_27 = arith.constant 0 : i32
      %dma_start3A_28 = tpu.memref_slice %arg4[%add3A, %dma_start3A_26, %dma_start3A_27] : memref<32x79x128xi32, #tpu.memory_space<hbm>> -> memref<1x79x128xi32, #tpu.memory_space<hbm>>
      %dma_start3A_29 = tpu.memref_squeeze %dma_start3A_28 : memref<1x79x128xi32, #tpu.memory_space<hbm>> -> memref<79x128xi32, #tpu.memory_space<hbm>>
      tpu.enqueue_dma source(%dma_start3A_29 : memref<79x128xi32, #tpu.memory_space<hbm>>) target(%arg7 : memref<79x128xi32, #tpu.memory_space<vmem>>) target_semaphore(%run_scoped3A : memref<!tpu.dma_semaphore, #tpu.memory_space<semaphore_mem>>)
      %dma_wait3A = arith.constant 0 : i32
      %dma_wait3A_30 = arith.constant 0 : i32
      %dma_wait3A_31 = tpu.memref_slice %arg4[%add3A, %dma_wait3A, %dma_wait3A_30] : memref<32x79x128xi32, #tpu.memory_space<hbm>> -> memref<1x79x128xi32, #tpu.memory_space<hbm>>
      %dma_wait3A_32 = tpu.memref_squeeze %dma_wait3A_31 : memref<1x79x128xi32, #tpu.memory_space<hbm>> -> memref<79x128xi32, #tpu.memory_space<hbm>>
      %dma_wait3A_33 = arith.constant 0 : i32
      %dma_wait3A_34 = arith.constant 0 : i32
      %dma_wait3A_35 = tpu.memref_slice %arg4[%add3A, %dma_wait3A_33, %dma_wait3A_34] : memref<32x79x128xi32, #tpu.memory_space<hbm>> -> memref<1x79x128xi32, #tpu.memory_space<hbm>>
      %dma_wait3A_36 = tpu.memref_squeeze %dma_wait3A_35 : memref<1x79x128xi32, #tpu.memory_space<hbm>> -> memref<79x128xi32, #tpu.memory_space<hbm>>
      tpu.wait_dma2 semaphore(%run_scoped3A : memref<!tpu.dma_semaphore, #tpu.memory_space<semaphore_mem>>) src(%dma_wait3A_36 : memref<79x128xi32, #tpu.memory_space<hbm>>) dst(%arg7 : memref<79x128xi32, #tpu.memory_space<vmem>>)
      tpu.yield
    }) : () -> ()
    %barrier3A = arith.constant 0 : index
    tpu.barrier barrier_id(%barrier3A)
    %scan3A_12 = arith.constant 0 : i32
    %scan3A_13 = arith.constant 0 : i32
    %scan3A_14 = arith.constant 79 : i32
    %scan3A_15 = arith.addi %scan3A_13, %scan3A_14 : i32
    %scan3A_16 = arith.constant 1 : i32
    scf.for %scan3A_23 = %scan3A_13 to %scan3A_15 step %scan3A_16  : i32 {
      %dma_start3A = arith.constant 0 : i32
      %dma_start3A_24 = tpu.memref_slice %arg6[%scan3A_23, %dma_start3A] : memref<79x128xi32, #tpu.memory_space<vmem>> -> memref<1x128xi32, #tpu.memory_space<vmem>>
      %dma_start3A_25 = tpu.memref_squeeze %dma_start3A_24 : memref<1x128xi32, #tpu.memory_space<vmem>> -> memref<128xi32, #tpu.memory_space<vmem>>
      %dma_start3A_26 = arith.constant 0 : i32
      %dma_start3A_27 = arith.constant 0 : i32
      %dma_start3A_28 = tpu.memref_slice %arg2[%dma_start3A_26, %dma_start3A_27] : memref<10240x128xf32, #tpu.memory_space<hbm>> -> memref<10240x128xf32, #tpu.memory_space<hbm>>
      tpu.enqueue_indirect_dma source(%dma_start3A_28 : memref<10240x128xf32, #tpu.memory_space<hbm>>) target(%arg8 : memref<128x128xf32, #tpu.memory_space<vmem>>) offsets(%dma_start3A_25 : memref<128xi32, #tpu.memory_space<vmem>>) semaphore(%arg10 : memref<!tpu.dma_semaphore, #tpu.memory_space<semaphore_mem>>)
      %dma_wait3A = arith.constant 0 : i32
      %dma_wait3A_29 = tpu.memref_slice %arg6[%scan3A_23, %dma_wait3A] : memref<79x128xi32, #tpu.memory_space<vmem>> -> memref<1x128xi32, #tpu.memory_space<vmem>>
      %dma_wait3A_30 = tpu.memref_squeeze %dma_wait3A_29 : memref<1x128xi32, #tpu.memory_space<vmem>> -> memref<128xi32, #tpu.memory_space<vmem>>
      %dma_wait3A_31 = arith.constant 0 : i32
      %dma_wait3A_32 = arith.constant 0 : i32
      %dma_wait3A_33 = tpu.memref_slice %arg2[%dma_wait3A_31, %dma_wait3A_32] : memref<10240x128xf32, #tpu.memory_space<hbm>> -> memref<10240x128xf32, #tpu.memory_space<hbm>>
      tpu.wait_indirect_dma semaphore(%arg10 : memref<!tpu.dma_semaphore, #tpu.memory_space<semaphore_mem>>) src(%dma_wait3A_33 : memref<10240x128xf32, #tpu.memory_space<hbm>>) dst(%arg8 : memref<128x128xf32, #tpu.memory_space<vmem>>)
      "tpu.region"() ({
        %run_scoped3A = tpu.sem_alloc : memref<!tpu.dma_semaphore, #tpu.memory_space<semaphore_mem>>
        %dma_start3A_34 = arith.constant 0 : i32
        %dma_start3A_35 = tpu.memref_slice %arg7[%scan3A_23, %dma_start3A_34] : memref<79x128xi32, #tpu.memory_space<vmem>> -> memref<1x128xi32, #tpu.memory_space<vmem>>
        %dma_start3A_36 = tpu.memref_squeeze %dma_start3A_35 : memref<1x128xi32, #tpu.memory_space<vmem>> -> memref<128xi32, #tpu.memory_space<vmem>>
        %dma_start3A_37 = arith.constant 0 : i32
        %dma_start3A_38 = arith.constant 0 : i32
        %dma_start3A_39 = tpu.memref_slice %arg11[%dma_start3A_37, %dma_start3A_38] : memref<10240x128xf32, #tpu.memory_space<vmem_shared>> -> memref<10240x128xf32, #tpu.memory_space<vmem_shared>>
        tpu.enqueue_indirect_dma source(%arg8 : memref<128x128xf32, #tpu.memory_space<vmem>>) target(%dma_start3A_39 : memref<10240x128xf32, #tpu.memory_space<vmem_shared>>) offsets(%dma_start3A_36 : memref<128xi32, #tpu.memory_space<vmem>>) semaphore(%run_scoped3A : memref<!tpu.dma_semaphore, #tpu.memory_space<semaphore_mem>>) {add = true}
        %dma_wait3A_40 = arith.constant 0 : i32
        %dma_wait3A_41 = tpu.memref_slice %arg7[%scan3A_23, %dma_wait3A_40] : memref<79x128xi32, #tpu.memory_space<vmem>> -> memref<1x128xi32, #tpu.memory_space<vmem>>
        %dma_wait3A_42 = tpu.memref_squeeze %dma_wait3A_41 : memref<1x128xi32, #tpu.memory_space<vmem>> -> memref<128xi32, #tpu.memory_space<vmem>>
        %dma_wait3A_43 = arith.constant 0 : i32
        %dma_wait3A_44 = arith.constant 0 : i32
        %dma_wait3A_45 = tpu.memref_slice %arg11[%dma_wait3A_43, %dma_wait3A_44] : memref<10240x128xf32, #tpu.memory_space<vmem_shared>> -> memref<10240x128xf32, #tpu.memory_space<vmem_shared>>
        tpu.wait_indirect_dma semaphore(%run_scoped3A : memref<!tpu.dma_semaphore, #tpu.memory_space<semaphore_mem>>) src(%arg8 : memref<128x128xf32, #tpu.memory_space<vmem>>) dst(%dma_wait3A_45 : memref<10240x128xf32, #tpu.memory_space<vmem_shared>>)
        tpu.yield
      }) : () -> ()
    }
    %scan3A_17 = arith.constant 79 : i32
    %barrier3A_18 = arith.constant 0 : index
    tpu.barrier barrier_id(%barrier3A_18)
    %mul3A_19 = arith.constant 640 : i32
    %mul3A_20 = arith.muli %arg1, %mul3A_19 : i32
    %mul3A_21 = arith.constant 640 : i32
    %mul3A_22 = arith.muli %arg1, %mul3A_21 : i32
    "tpu.region"() ({
      %run_scoped3A = tpu.sem_alloc : memref<!tpu.dma_semaphore, #tpu.memory_space<semaphore_mem>>
      %dma_start3A = arith.constant 0 : i32
      %dma_start3A_23 = tpu.memref_slice %arg5[%arg0, %mul3A_22, %dma_start3A] : memref<2x10240x128xf32, #tpu.memory_space<hbm>> -> memref<1x640x128xf32, #tpu.memory_space<hbm>>
      %dma_start3A_24 = tpu.memref_squeeze %dma_start3A_23 : memref<1x640x128xf32, #tpu.memory_space<hbm>> -> memref<640x128xf32, #tpu.memory_space<hbm>>
      %dma_start3A_25 = arith.constant 0 : i32
      %dma_start3A_26 = tpu.memref_slice %arg11[%mul3A_20, %dma_start3A_25] : memref<10240x128xf32, #tpu.memory_space<vmem_shared>> -> memref<640x128xf32, #tpu.memory_space<vmem_shared>>
      tpu.enqueue_dma source(%dma_start3A_26 : memref<640x128xf32, #tpu.memory_space<vmem_shared>>) target(%dma_start3A_24 : memref<640x128xf32, #tpu.memory_space<hbm>>) target_semaphore(%run_scoped3A : memref<!tpu.dma_semaphore, #tpu.memory_space<semaphore_mem>>)
      %dma_wait3A = arith.constant 0 : i32
      %dma_wait3A_27 = tpu.memref_slice %arg5[%arg0, %mul3A_22, %dma_wait3A] : memref<2x10240x128xf32, #tpu.memory_space<hbm>> -> memref<1x640x128xf32, #tpu.memory_space<hbm>>
      %dma_wait3A_28 = tpu.memref_squeeze %dma_wait3A_27 : memref<1x640x128xf32, #tpu.memory_space<hbm>> -> memref<640x128xf32, #tpu.memory_space<hbm>>
      %dma_wait3A_29 = arith.constant 0 : i32
      %dma_wait3A_30 = tpu.memref_slice %arg11[%mul3A_20, %dma_wait3A_29] : memref<10240x128xf32, #tpu.memory_space<vmem_shared>> -> memref<640x128xf32, #tpu.memory_space<vmem_shared>>
      tpu.wait_dma2 semaphore(%run_scoped3A : memref<!tpu.dma_semaphore, #tpu.memory_space<semaphore_mem>>) src(%dma_wait3A_30 : memref<640x128xf32, #tpu.memory_space<vmem_shared>>) dst(%dma_wait3A_28 : memref<640x128xf32, #tpu.memory_space<hbm>>)
      tpu.yield
    }) : () -> ()
    return
  }
}

#map = affine_map<(d0, d1) -> (0, 0)>
#map1 = affine_map<(d0, d1) -> (0, 0, 0)>
module attributes {stable_mosaic.version = 14 : i64} {
  func.func @edge_pass(%arg0: i32, %arg1: i32, %arg2: memref<10240x128xf32, #tpu.memory_space<hbm>>, %arg3: memref<32x79x128xi32, #tpu.memory_space<hbm>>, %arg4: memref<32x79x128xi32, #tpu.memory_space<hbm>>, %arg5: memref<32x79x128xf32, #tpu.memory_space<hbm>>, %arg6: memref<2x10240x128xf32, #tpu.memory_space<hbm>>, %arg7: memref<79x128xi32, #tpu.memory_space<vmem>>, %arg8: memref<79x128xi32, #tpu.memory_space<vmem>>, %arg9: memref<79x128xf32, #tpu.memory_space<vmem>>, %arg10: memref<128x128xf32, #tpu.memory_space<vmem>>, %arg11: memref<16x128xf32, #tpu.memory_space<vmem>>, %arg12: memref<!tpu.dma_semaphore, #tpu.memory_space<semaphore_mem>>, %arg13: memref<10240x128xf32, #tpu.memory_space<vmem_shared>>) attributes {dimension_semantics = [#tpu.dimension_semantics<core_parallel>, #tpu.dimension_semantics<subcore_parallel>], iteration_bounds = array<i64: 2, 16>, scalar_prefetch = 0 : i64, scratch_operands = 7 : i64, tpu.core_type = #tpu.core_type<sc_vector_subcore>, window_params = [{transform_indices = #map}, {transform_indices = #map1}, {transform_indices = #map1}, {transform_indices = #map1}, {transform_indices = #map1}]} {
    %mul3A = arith.constant 2 : i32
    %mul3A_0 = arith.muli %arg1, %mul3A : i32
    %add3A = arith.addi %mul3A_0, %arg0 : i32
    %scan3A = arith.constant 0 : i32
    %scan3A_1 = arith.constant 0 : i32
    %scan3A_2 = arith.constant 16 : i32
    %scan3A_3 = arith.addi %scan3A_1, %scan3A_2 : i32
    %scan3A_4 = arith.constant 1 : i32
    scf.for %scan3A_23 = %scan3A_1 to %scan3A_3 step %scan3A_4  : i32 {
      %broadcast_in_dim3A = arith.constant 0.000000e+00 : f32
      %broadcast_in_dim3A_24 = vector.broadcast %broadcast_in_dim3A : f32 to vector<16xf32>
      %swap3A = arith.index_cast %scan3A_23 : i32 to index
      %swap3A_25 = arith.constant 0 : index
      %swap3A_26 = tpu.vector_load %arg11[%swap3A, %swap3A_25] {strides = array<i32>} : memref<16x128xf32, #tpu.memory_space<vmem>>, vector<16xf32>,
      tpu.vector_store %arg11[%swap3A, %swap3A_25], %broadcast_in_dim3A_24 {strides = array<i32>} : memref<16x128xf32, #tpu.memory_space<vmem>>, vector<16xf32>,
      %broadcast_in_dim3A_27 = arith.constant 0.000000e+00 : f32
      %broadcast_in_dim3A_28 = vector.broadcast %broadcast_in_dim3A_27 : f32 to vector<16xf32>
      %swap3A_29 = arith.index_cast %scan3A_23 : i32 to index
      %swap3A_30 = arith.constant 16 : index
      %swap3A_31 = tpu.vector_load %arg11[%swap3A_29, %swap3A_30] {strides = array<i32>} : memref<16x128xf32, #tpu.memory_space<vmem>>, vector<16xf32>,
      tpu.vector_store %arg11[%swap3A_29, %swap3A_30], %broadcast_in_dim3A_28 {strides = array<i32>} : memref<16x128xf32, #tpu.memory_space<vmem>>, vector<16xf32>,
      %broadcast_in_dim3A_32 = arith.constant 0.000000e+00 : f32
      %broadcast_in_dim3A_33 = vector.broadcast %broadcast_in_dim3A_32 : f32 to vector<16xf32>
      %swap3A_34 = arith.index_cast %scan3A_23 : i32 to index
      %swap3A_35 = arith.constant 32 : index
      %swap3A_36 = tpu.vector_load %arg11[%swap3A_34, %swap3A_35] {strides = array<i32>} : memref<16x128xf32, #tpu.memory_space<vmem>>, vector<16xf32>,
      tpu.vector_store %arg11[%swap3A_34, %swap3A_35], %broadcast_in_dim3A_33 {strides = array<i32>} : memref<16x128xf32, #tpu.memory_space<vmem>>, vector<16xf32>,
      %broadcast_in_dim3A_37 = arith.constant 0.000000e+00 : f32
      %broadcast_in_dim3A_38 = vector.broadcast %broadcast_in_dim3A_37 : f32 to vector<16xf32>
      %swap3A_39 = arith.index_cast %scan3A_23 : i32 to index
      %swap3A_40 = arith.constant 48 : index
      %swap3A_41 = tpu.vector_load %arg11[%swap3A_39, %swap3A_40] {strides = array<i32>} : memref<16x128xf32, #tpu.memory_space<vmem>>, vector<16xf32>,
      tpu.vector_store %arg11[%swap3A_39, %swap3A_40], %broadcast_in_dim3A_38 {strides = array<i32>} : memref<16x128xf32, #tpu.memory_space<vmem>>, vector<16xf32>,
      %broadcast_in_dim3A_42 = arith.constant 0.000000e+00 : f32
      %broadcast_in_dim3A_43 = vector.broadcast %broadcast_in_dim3A_42 : f32 to vector<16xf32>
      %swap3A_44 = arith.index_cast %scan3A_23 : i32 to index
      %swap3A_45 = arith.constant 64 : index
      %swap3A_46 = tpu.vector_load %arg11[%swap3A_44, %swap3A_45] {strides = array<i32>} : memref<16x128xf32, #tpu.memory_space<vmem>>, vector<16xf32>,
      tpu.vector_store %arg11[%swap3A_44, %swap3A_45], %broadcast_in_dim3A_43 {strides = array<i32>} : memref<16x128xf32, #tpu.memory_space<vmem>>, vector<16xf32>,
      %broadcast_in_dim3A_47 = arith.constant 0.000000e+00 : f32
      %broadcast_in_dim3A_48 = vector.broadcast %broadcast_in_dim3A_47 : f32 to vector<16xf32>
      %swap3A_49 = arith.index_cast %scan3A_23 : i32 to index
      %swap3A_50 = arith.constant 80 : index
      %swap3A_51 = tpu.vector_load %arg11[%swap3A_49, %swap3A_50] {strides = array<i32>} : memref<16x128xf32, #tpu.memory_space<vmem>>, vector<16xf32>,
      tpu.vector_store %arg11[%swap3A_49, %swap3A_50], %broadcast_in_dim3A_48 {strides = array<i32>} : memref<16x128xf32, #tpu.memory_space<vmem>>, vector<16xf32>,
      %broadcast_in_dim3A_52 = arith.constant 0.000000e+00 : f32
      %broadcast_in_dim3A_53 = vector.broadcast %broadcast_in_dim3A_52 : f32 to vector<16xf32>
      %swap3A_54 = arith.index_cast %scan3A_23 : i32 to index
      %swap3A_55 = arith.constant 96 : index
      %swap3A_56 = tpu.vector_load %arg11[%swap3A_54, %swap3A_55] {strides = array<i32>} : memref<16x128xf32, #tpu.memory_space<vmem>>, vector<16xf32>,
      tpu.vector_store %arg11[%swap3A_54, %swap3A_55], %broadcast_in_dim3A_53 {strides = array<i32>} : memref<16x128xf32, #tpu.memory_space<vmem>>, vector<16xf32>,
      %broadcast_in_dim3A_57 = arith.constant 0.000000e+00 : f32
      %broadcast_in_dim3A_58 = vector.broadcast %broadcast_in_dim3A_57 : f32 to vector<16xf32>
      %swap3A_59 = arith.index_cast %scan3A_23 : i32 to index
      %swap3A_60 = arith.constant 112 : index
      %swap3A_61 = tpu.vector_load %arg11[%swap3A_59, %swap3A_60] {strides = array<i32>} : memref<16x128xf32, #tpu.memory_space<vmem>>, vector<16xf32>,
      tpu.vector_store %arg11[%swap3A_59, %swap3A_60], %broadcast_in_dim3A_58 {strides = array<i32>} : memref<16x128xf32, #tpu.memory_space<vmem>>, vector<16xf32>,
    }
    %scan3A_5 = arith.constant 16 : i32
    %scan3A_6 = arith.constant 0 : i32
    %scan3A_7 = arith.constant 0 : i32
    %scan3A_8 = arith.constant 40 : i32
    %scan3A_9 = arith.addi %scan3A_7, %scan3A_8 : i32
    %scan3A_10 = arith.constant 1 : i32
    scf.for %scan3A_23 = %scan3A_7 to %scan3A_9 step %scan3A_10  : i32 {
      %mul3A_24 = arith.constant 640 : i32
      %mul3A_25 = arith.muli %arg1, %mul3A_24 : i32
      %mul3A_26 = arith.constant 16 : i32
      %mul3A_27 = arith.muli %scan3A_23, %mul3A_26 : i32
      %add3A_28 = arith.addi %mul3A_25, %mul3A_27 : i32
      "tpu.region"() ({
        %run_scoped3A = tpu.sem_alloc : memref<!tpu.dma_semaphore, #tpu.memory_space<semaphore_mem>>
        %dma_start3A = arith.constant 0 : i32
        %dma_start3A_29 = tpu.memref_slice %arg13[%add3A_28, %dma_start3A] : memref<10240x128xf32, #tpu.memory_space<vmem_shared>> -> memref<16x128xf32, #tpu.memory_space<vmem_shared>>
        %dma_start3A_30 = arith.constant 0 : i32
        %dma_start3A_31 = tpu.memref_slice %arg13[%add3A_28, %dma_start3A_30] : memref<10240x128xf32, #tpu.memory_space<vmem_shared>> -> memref<16x128xf32, #tpu.memory_space<vmem_shared>>
        tpu.enqueue_dma source(%arg11 : memref<16x128xf32, #tpu.memory_space<vmem>>) target(%dma_start3A_31 : memref<16x128xf32, #tpu.memory_space<vmem_shared>>) target_semaphore(%run_scoped3A : memref<!tpu.dma_semaphore, #tpu.memory_space<semaphore_mem>>)
        %dma_wait3A = arith.constant 0 : i32
        %dma_wait3A_32 = tpu.memref_slice %arg13[%add3A_28, %dma_wait3A] : memref<10240x128xf32, #tpu.memory_space<vmem_shared>> -> memref<16x128xf32, #tpu.memory_space<vmem_shared>>
        %dma_wait3A_33 = arith.constant 0 : i32
        %dma_wait3A_34 = tpu.memref_slice %arg13[%add3A_28, %dma_wait3A_33] : memref<10240x128xf32, #tpu.memory_space<vmem_shared>> -> memref<16x128xf32, #tpu.memory_space<vmem_shared>>
        tpu.wait_dma2 semaphore(%run_scoped3A : memref<!tpu.dma_semaphore, #tpu.memory_space<semaphore_mem>>) src(%arg11 : memref<16x128xf32, #tpu.memory_space<vmem>>) dst(%dma_wait3A_34 : memref<16x128xf32, #tpu.memory_space<vmem_shared>>)
        tpu.yield
      }) : () -> ()
    }
    %scan3A_11 = arith.constant 40 : i32
    "tpu.region"() ({
      %run_scoped3A = tpu.sem_alloc : memref<!tpu.dma_semaphore, #tpu.memory_space<semaphore_mem>>
      %dma_start3A = arith.constant 0 : i32
      %dma_start3A_23 = arith.constant 0 : i32
      %dma_start3A_24 = tpu.memref_slice %arg3[%add3A, %dma_start3A, %dma_start3A_23] : memref<32x79x128xi32, #tpu.memory_space<hbm>> -> memref<1x79x128xi32, #tpu.memory_space<hbm>>
      %dma_start3A_25 = tpu.memref_squeeze %dma_start3A_24 : memref<1x79x128xi32, #tpu.memory_space<hbm>> -> memref<79x128xi32, #tpu.memory_space<hbm>>
      %dma_start3A_26 = arith.constant 0 : i32
      %dma_start3A_27 = arith.constant 0 : i32
      %dma_start3A_28 = tpu.memref_slice %arg3[%add3A, %dma_start3A_26, %dma_start3A_27] : memref<32x79x128xi32, #tpu.memory_space<hbm>> -> memref<1x79x128xi32, #tpu.memory_space<hbm>>
      %dma_start3A_29 = tpu.memref_squeeze %dma_start3A_28 : memref<1x79x128xi32, #tpu.memory_space<hbm>> -> memref<79x128xi32, #tpu.memory_space<hbm>>
      tpu.enqueue_dma source(%dma_start3A_29 : memref<79x128xi32, #tpu.memory_space<hbm>>) target(%arg7 : memref<79x128xi32, #tpu.memory_space<vmem>>) target_semaphore(%run_scoped3A : memref<!tpu.dma_semaphore, #tpu.memory_space<semaphore_mem>>)
      %dma_wait3A = arith.constant 0 : i32
      %dma_wait3A_30 = arith.constant 0 : i32
      %dma_wait3A_31 = tpu.memref_slice %arg3[%add3A, %dma_wait3A, %dma_wait3A_30] : memref<32x79x128xi32, #tpu.memory_space<hbm>> -> memref<1x79x128xi32, #tpu.memory_space<hbm>>
      %dma_wait3A_32 = tpu.memref_squeeze %dma_wait3A_31 : memref<1x79x128xi32, #tpu.memory_space<hbm>> -> memref<79x128xi32, #tpu.memory_space<hbm>>
      %dma_wait3A_33 = arith.constant 0 : i32
      %dma_wait3A_34 = arith.constant 0 : i32
      %dma_wait3A_35 = tpu.memref_slice %arg3[%add3A, %dma_wait3A_33, %dma_wait3A_34] : memref<32x79x128xi32, #tpu.memory_space<hbm>> -> memref<1x79x128xi32, #tpu.memory_space<hbm>>
      %dma_wait3A_36 = tpu.memref_squeeze %dma_wait3A_35 : memref<1x79x128xi32, #tpu.memory_space<hbm>> -> memref<79x128xi32, #tpu.memory_space<hbm>>
      tpu.wait_dma2 semaphore(%run_scoped3A : memref<!tpu.dma_semaphore, #tpu.memory_space<semaphore_mem>>) src(%dma_wait3A_36 : memref<79x128xi32, #tpu.memory_space<hbm>>) dst(%arg7 : memref<79x128xi32, #tpu.memory_space<vmem>>)
      tpu.yield
    }) : () -> ()
    "tpu.region"() ({
      %run_scoped3A = tpu.sem_alloc : memref<!tpu.dma_semaphore, #tpu.memory_space<semaphore_mem>>
      %dma_start3A = arith.constant 0 : i32
      %dma_start3A_23 = arith.constant 0 : i32
      %dma_start3A_24 = tpu.memref_slice %arg4[%add3A, %dma_start3A, %dma_start3A_23] : memref<32x79x128xi32, #tpu.memory_space<hbm>> -> memref<1x79x128xi32, #tpu.memory_space<hbm>>
      %dma_start3A_25 = tpu.memref_squeeze %dma_start3A_24 : memref<1x79x128xi32, #tpu.memory_space<hbm>> -> memref<79x128xi32, #tpu.memory_space<hbm>>
      %dma_start3A_26 = arith.constant 0 : i32
      %dma_start3A_27 = arith.constant 0 : i32
      %dma_start3A_28 = tpu.memref_slice %arg4[%add3A, %dma_start3A_26, %dma_start3A_27] : memref<32x79x128xi32, #tpu.memory_space<hbm>> -> memref<1x79x128xi32, #tpu.memory_space<hbm>>
      %dma_start3A_29 = tpu.memref_squeeze %dma_start3A_28 : memref<1x79x128xi32, #tpu.memory_space<hbm>> -> memref<79x128xi32, #tpu.memory_space<hbm>>
      tpu.enqueue_dma source(%dma_start3A_29 : memref<79x128xi32, #tpu.memory_space<hbm>>) target(%arg8 : memref<79x128xi32, #tpu.memory_space<vmem>>) target_semaphore(%run_scoped3A : memref<!tpu.dma_semaphore, #tpu.memory_space<semaphore_mem>>)
      %dma_wait3A = arith.constant 0 : i32
      %dma_wait3A_30 = arith.constant 0 : i32
      %dma_wait3A_31 = tpu.memref_slice %arg4[%add3A, %dma_wait3A, %dma_wait3A_30] : memref<32x79x128xi32, #tpu.memory_space<hbm>> -> memref<1x79x128xi32, #tpu.memory_space<hbm>>
      %dma_wait3A_32 = tpu.memref_squeeze %dma_wait3A_31 : memref<1x79x128xi32, #tpu.memory_space<hbm>> -> memref<79x128xi32, #tpu.memory_space<hbm>>
      %dma_wait3A_33 = arith.constant 0 : i32
      %dma_wait3A_34 = arith.constant 0 : i32
      %dma_wait3A_35 = tpu.memref_slice %arg4[%add3A, %dma_wait3A_33, %dma_wait3A_34] : memref<32x79x128xi32, #tpu.memory_space<hbm>> -> memref<1x79x128xi32, #tpu.memory_space<hbm>>
      %dma_wait3A_36 = tpu.memref_squeeze %dma_wait3A_35 : memref<1x79x128xi32, #tpu.memory_space<hbm>> -> memref<79x128xi32, #tpu.memory_space<hbm>>
      tpu.wait_dma2 semaphore(%run_scoped3A : memref<!tpu.dma_semaphore, #tpu.memory_space<semaphore_mem>>) src(%dma_wait3A_36 : memref<79x128xi32, #tpu.memory_space<hbm>>) dst(%arg8 : memref<79x128xi32, #tpu.memory_space<vmem>>)
      tpu.yield
    }) : () -> ()
    "tpu.region"() ({
      %run_scoped3A = tpu.sem_alloc : memref<!tpu.dma_semaphore, #tpu.memory_space<semaphore_mem>>
      %dma_start3A = arith.constant 0 : i32
      %dma_start3A_23 = arith.constant 0 : i32
      %dma_start3A_24 = tpu.memref_slice %arg5[%add3A, %dma_start3A, %dma_start3A_23] : memref<32x79x128xf32, #tpu.memory_space<hbm>> -> memref<1x79x128xf32, #tpu.memory_space<hbm>>
      %dma_start3A_25 = tpu.memref_squeeze %dma_start3A_24 : memref<1x79x128xf32, #tpu.memory_space<hbm>> -> memref<79x128xf32, #tpu.memory_space<hbm>>
      %dma_start3A_26 = arith.constant 0 : i32
      %dma_start3A_27 = arith.constant 0 : i32
      %dma_start3A_28 = tpu.memref_slice %arg5[%add3A, %dma_start3A_26, %dma_start3A_27] : memref<32x79x128xf32, #tpu.memory_space<hbm>> -> memref<1x79x128xf32, #tpu.memory_space<hbm>>
      %dma_start3A_29 = tpu.memref_squeeze %dma_start3A_28 : memref<1x79x128xf32, #tpu.memory_space<hbm>> -> memref<79x128xf32, #tpu.memory_space<hbm>>
      tpu.enqueue_dma source(%dma_start3A_29 : memref<79x128xf32, #tpu.memory_space<hbm>>) target(%arg9 : memref<79x128xf32, #tpu.memory_space<vmem>>) target_semaphore(%run_scoped3A : memref<!tpu.dma_semaphore, #tpu.memory_space<semaphore_mem>>)
      %dma_wait3A = arith.constant 0 : i32
      %dma_wait3A_30 = arith.constant 0 : i32
      %dma_wait3A_31 = tpu.memref_slice %arg5[%add3A, %dma_wait3A, %dma_wait3A_30] : memref<32x79x128xf32, #tpu.memory_space<hbm>> -> memref<1x79x128xf32, #tpu.memory_space<hbm>>
      %dma_wait3A_32 = tpu.memref_squeeze %dma_wait3A_31 : memref<1x79x128xf32, #tpu.memory_space<hbm>> -> memref<79x128xf32, #tpu.memory_space<hbm>>
      %dma_wait3A_33 = arith.constant 0 : i32
      %dma_wait3A_34 = arith.constant 0 : i32
      %dma_wait3A_35 = tpu.memref_slice %arg5[%add3A, %dma_wait3A_33, %dma_wait3A_34] : memref<32x79x128xf32, #tpu.memory_space<hbm>> -> memref<1x79x128xf32, #tpu.memory_space<hbm>>
      %dma_wait3A_36 = tpu.memref_squeeze %dma_wait3A_35 : memref<1x79x128xf32, #tpu.memory_space<hbm>> -> memref<79x128xf32, #tpu.memory_space<hbm>>
      tpu.wait_dma2 semaphore(%run_scoped3A : memref<!tpu.dma_semaphore, #tpu.memory_space<semaphore_mem>>) src(%dma_wait3A_36 : memref<79x128xf32, #tpu.memory_space<hbm>>) dst(%arg9 : memref<79x128xf32, #tpu.memory_space<vmem>>)
      tpu.yield
    }) : () -> ()
    %barrier3A = arith.constant 0 : index
    tpu.barrier barrier_id(%barrier3A)
    %scan3A_12 = arith.constant 0 : i32
    %scan3A_13 = arith.constant 0 : i32
    %scan3A_14 = arith.constant 79 : i32
    %scan3A_15 = arith.addi %scan3A_13, %scan3A_14 : i32
    %scan3A_16 = arith.constant 1 : i32
    scf.for %scan3A_23 = %scan3A_13 to %scan3A_15 step %scan3A_16  : i32 {
      %dma_start3A = arith.constant 0 : i32
      %dma_start3A_24 = tpu.memref_slice %arg7[%scan3A_23, %dma_start3A] : memref<79x128xi32, #tpu.memory_space<vmem>> -> memref<1x128xi32, #tpu.memory_space<vmem>>
      %dma_start3A_25 = tpu.memref_squeeze %dma_start3A_24 : memref<1x128xi32, #tpu.memory_space<vmem>> -> memref<128xi32, #tpu.memory_space<vmem>>
      %dma_start3A_26 = arith.constant 0 : i32
      %dma_start3A_27 = arith.constant 0 : i32
      %dma_start3A_28 = tpu.memref_slice %arg2[%dma_start3A_26, %dma_start3A_27] : memref<10240x128xf32, #tpu.memory_space<hbm>> -> memref<10240x128xf32, #tpu.memory_space<hbm>>
      tpu.enqueue_indirect_dma source(%dma_start3A_28 : memref<10240x128xf32, #tpu.memory_space<hbm>>) target(%arg10 : memref<128x128xf32, #tpu.memory_space<vmem>>) offsets(%dma_start3A_25 : memref<128xi32, #tpu.memory_space<vmem>>) semaphore(%arg12 : memref<!tpu.dma_semaphore, #tpu.memory_space<semaphore_mem>>)
      %dma_wait3A = arith.constant 0 : i32
      %dma_wait3A_29 = tpu.memref_slice %arg7[%scan3A_23, %dma_wait3A] : memref<79x128xi32, #tpu.memory_space<vmem>> -> memref<1x128xi32, #tpu.memory_space<vmem>>
      %dma_wait3A_30 = tpu.memref_squeeze %dma_wait3A_29 : memref<1x128xi32, #tpu.memory_space<vmem>> -> memref<128xi32, #tpu.memory_space<vmem>>
      %dma_wait3A_31 = arith.constant 0 : i32
      %dma_wait3A_32 = arith.constant 0 : i32
      %dma_wait3A_33 = tpu.memref_slice %arg2[%dma_wait3A_31, %dma_wait3A_32] : memref<10240x128xf32, #tpu.memory_space<hbm>> -> memref<10240x128xf32, #tpu.memory_space<hbm>>
      tpu.wait_indirect_dma semaphore(%arg12 : memref<!tpu.dma_semaphore, #tpu.memory_space<semaphore_mem>>) src(%dma_wait3A_33 : memref<10240x128xf32, #tpu.memory_space<hbm>>) dst(%arg10 : memref<128x128xf32, #tpu.memory_space<vmem>>)
      %iota3A = tpu.iota {dimensions = array<i32: 0>} : vector<16xi32>
      %add3A_34 = arith.constant 0 : i32
      %add3A_35 = vector.broadcast %add3A_34 : i32 to vector<16xi32>
      %add3A_36 = arith.addi %iota3A, %add3A_35 : vector<16xi32>
      %iota3A_37 = tpu.iota {dimensions = array<i32: 0>} : vector<16xi32>
      %add3A_38 = arith.constant 16 : i32
      %add3A_39 = vector.broadcast %add3A_38 : i32 to vector<16xi32>
      %add3A_40 = arith.addi %iota3A_37, %add3A_39 : vector<16xi32>
      %iota3A_41 = tpu.iota {dimensions = array<i32: 0>} : vector<16xi32>
      %add3A_42 = arith.constant 32 : i32
      %add3A_43 = vector.broadcast %add3A_42 : i32 to vector<16xi32>
      %add3A_44 = arith.addi %iota3A_41, %add3A_43 : vector<16xi32>
      %iota3A_45 = tpu.iota {dimensions = array<i32: 0>} : vector<16xi32>
      %add3A_46 = arith.constant 48 : i32
      %add3A_47 = vector.broadcast %add3A_46 : i32 to vector<16xi32>
      %add3A_48 = arith.addi %iota3A_45, %add3A_47 : vector<16xi32>
      %iota3A_49 = tpu.iota {dimensions = array<i32: 0>} : vector<16xi32>
      %add3A_50 = arith.constant 64 : i32
      %add3A_51 = vector.broadcast %add3A_50 : i32 to vector<16xi32>
      %add3A_52 = arith.addi %iota3A_49, %add3A_51 : vector<16xi32>
      %iota3A_53 = tpu.iota {dimensions = array<i32: 0>} : vector<16xi32>
      %add3A_54 = arith.constant 80 : i32
      %add3A_55 = vector.broadcast %add3A_54 : i32 to vector<16xi32>
      %add3A_56 = arith.addi %iota3A_53, %add3A_55 : vector<16xi32>
      %iota3A_57 = tpu.iota {dimensions = array<i32: 0>} : vector<16xi32>
      %add3A_58 = arith.constant 96 : i32
      %add3A_59 = vector.broadcast %add3A_58 : i32 to vector<16xi32>
      %add3A_60 = arith.addi %iota3A_57, %add3A_59 : vector<16xi32>
      %iota3A_61 = tpu.iota {dimensions = array<i32: 0>} : vector<16xi32>
      %add3A_62 = arith.constant 112 : i32
      %add3A_63 = vector.broadcast %add3A_62 : i32 to vector<16xi32>
      %add3A_64 = arith.addi %iota3A_61, %add3A_63 : vector<16xi32>
      %get3A = arith.index_cast %scan3A_23 : i32 to index
      %get3A_65 = arith.constant 0 : index
      %get3A_66 = tpu.vector_load %arg9[%get3A, %get3A_65] {strides = array<i32>} : memref<79x128xf32, #tpu.memory_space<vmem>>, vector<16xf32>,
      %get3A_67 = arith.index_cast %scan3A_23 : i32 to index
      %get3A_68 = arith.constant 16 : index
      %get3A_69 = tpu.vector_load %arg9[%get3A_67, %get3A_68] {strides = array<i32>} : memref<79x128xf32, #tpu.memory_space<vmem>>, vector<16xf32>,
      %get3A_70 = arith.index_cast %scan3A_23 : i32 to index
      %get3A_71 = arith.constant 32 : index
      %get3A_72 = tpu.vector_load %arg9[%get3A_70, %get3A_71] {strides = array<i32>} : memref<79x128xf32, #tpu.memory_space<vmem>>, vector<16xf32>,
      %get3A_73 = arith.index_cast %scan3A_23 : i32 to index
      %get3A_74 = arith.constant 48 : index
      %get3A_75 = tpu.vector_load %arg9[%get3A_73, %get3A_74] {strides = array<i32>} : memref<79x128xf32, #tpu.memory_space<vmem>>, vector<16xf32>,
      %get3A_76 = arith.index_cast %scan3A_23 : i32 to index
      %get3A_77 = arith.constant 64 : index
      %get3A_78 = tpu.vector_load %arg9[%get3A_76, %get3A_77] {strides = array<i32>} : memref<79x128xf32, #tpu.memory_space<vmem>>, vector<16xf32>,
      %get3A_79 = arith.index_cast %scan3A_23 : i32 to index
      %get3A_80 = arith.constant 80 : index
      %get3A_81 = tpu.vector_load %arg9[%get3A_79, %get3A_80] {strides = array<i32>} : memref<79x128xf32, #tpu.memory_space<vmem>>, vector<16xf32>,
      %get3A_82 = arith.index_cast %scan3A_23 : i32 to index
      %get3A_83 = arith.constant 96 : index
      %get3A_84 = tpu.vector_load %arg9[%get3A_82, %get3A_83] {strides = array<i32>} : memref<79x128xf32, #tpu.memory_space<vmem>>, vector<16xf32>,
      %get3A_85 = arith.index_cast %scan3A_23 : i32 to index
      %get3A_86 = arith.constant 112 : index
      %get3A_87 = tpu.vector_load %arg9[%get3A_85, %get3A_86] {strides = array<i32>} : memref<79x128xf32, #tpu.memory_space<vmem>>, vector<16xf32>,
      %scan3A_88 = arith.constant 0 : i32
      %scan3A_89 = arith.constant 0 : i32
      %scan3A_90 = arith.constant 128 : i32
      %scan3A_91 = arith.addi %scan3A_89, %scan3A_90 : i32
      %scan3A_92 = arith.constant 1 : i32
      scf.for %scan3A_94 = %scan3A_89 to %scan3A_91 step %scan3A_92  : i32 {
        %broadcast_in_dim3A = vector.broadcast %scan3A_94 : i32 to vector<16xi32>
        %gather3A = tpu.vector_load_idx %arg10[%add3A_36, %broadcast_in_dim3A] : memref<128x128xf32, #tpu.memory_space<vmem>>[vector<16xi32>, vector<16xi32>], vector<16xf32>,
        %mul3A_95 = arith.mulf %gather3A, %get3A_66 : vector<16xf32>
        tpu.vector_store_idx %arg10[%add3A_36, %broadcast_in_dim3A], %mul3A_95 : memref<128x128xf32, #tpu.memory_space<vmem>>[vector<16xi32>, vector<16xi32>], vector<16xf32>,
        %gather3A_96 = tpu.vector_load_idx %arg10[%add3A_40, %broadcast_in_dim3A] : memref<128x128xf32, #tpu.memory_space<vmem>>[vector<16xi32>, vector<16xi32>], vector<16xf32>,
        %mul3A_97 = arith.mulf %gather3A_96, %get3A_69 : vector<16xf32>
        tpu.vector_store_idx %arg10[%add3A_40, %broadcast_in_dim3A], %mul3A_97 : memref<128x128xf32, #tpu.memory_space<vmem>>[vector<16xi32>, vector<16xi32>], vector<16xf32>,
        %gather3A_98 = tpu.vector_load_idx %arg10[%add3A_44, %broadcast_in_dim3A] : memref<128x128xf32, #tpu.memory_space<vmem>>[vector<16xi32>, vector<16xi32>], vector<16xf32>,
        %mul3A_99 = arith.mulf %gather3A_98, %get3A_72 : vector<16xf32>
        tpu.vector_store_idx %arg10[%add3A_44, %broadcast_in_dim3A], %mul3A_99 : memref<128x128xf32, #tpu.memory_space<vmem>>[vector<16xi32>, vector<16xi32>], vector<16xf32>,
        %gather3A_100 = tpu.vector_load_idx %arg10[%add3A_48, %broadcast_in_dim3A] : memref<128x128xf32, #tpu.memory_space<vmem>>[vector<16xi32>, vector<16xi32>], vector<16xf32>,
        %mul3A_101 = arith.mulf %gather3A_100, %get3A_75 : vector<16xf32>
        tpu.vector_store_idx %arg10[%add3A_48, %broadcast_in_dim3A], %mul3A_101 : memref<128x128xf32, #tpu.memory_space<vmem>>[vector<16xi32>, vector<16xi32>], vector<16xf32>,
        %gather3A_102 = tpu.vector_load_idx %arg10[%add3A_52, %broadcast_in_dim3A] : memref<128x128xf32, #tpu.memory_space<vmem>>[vector<16xi32>, vector<16xi32>], vector<16xf32>,
        %mul3A_103 = arith.mulf %gather3A_102, %get3A_78 : vector<16xf32>
        tpu.vector_store_idx %arg10[%add3A_52, %broadcast_in_dim3A], %mul3A_103 : memref<128x128xf32, #tpu.memory_space<vmem>>[vector<16xi32>, vector<16xi32>], vector<16xf32>,
        %gather3A_104 = tpu.vector_load_idx %arg10[%add3A_56, %broadcast_in_dim3A] : memref<128x128xf32, #tpu.memory_space<vmem>>[vector<16xi32>, vector<16xi32>], vector<16xf32>,
        %mul3A_105 = arith.mulf %gather3A_104, %get3A_81 : vector<16xf32>
        tpu.vector_store_idx %arg10[%add3A_56, %broadcast_in_dim3A], %mul3A_105 : memref<128x128xf32, #tpu.memory_space<vmem>>[vector<16xi32>, vector<16xi32>], vector<16xf32>,
        %gather3A_106 = tpu.vector_load_idx %arg10[%add3A_60, %broadcast_in_dim3A] : memref<128x128xf32, #tpu.memory_space<vmem>>[vector<16xi32>, vector<16xi32>], vector<16xf32>,
        %mul3A_107 = arith.mulf %gather3A_106, %get3A_84 : vector<16xf32>
        tpu.vector_store_idx %arg10[%add3A_60, %broadcast_in_dim3A], %mul3A_107 : memref<128x128xf32, #tpu.memory_space<vmem>>[vector<16xi32>, vector<16xi32>], vector<16xf32>,
        %gather3A_108 = tpu.vector_load_idx %arg10[%add3A_64, %broadcast_in_dim3A] : memref<128x128xf32, #tpu.memory_space<vmem>>[vector<16xi32>, vector<16xi32>], vector<16xf32>,
        %mul3A_109 = arith.mulf %gather3A_108, %get3A_87 : vector<16xf32>
        tpu.vector_store_idx %arg10[%add3A_64, %broadcast_in_dim3A], %mul3A_109 : memref<128x128xf32, #tpu.memory_space<vmem>>[vector<16xi32>, vector<16xi32>], vector<16xf32>,
      }
      %scan3A_93 = arith.constant 128 : i32
      "tpu.region"() ({
        %run_scoped3A = tpu.sem_alloc : memref<!tpu.dma_semaphore, #tpu.memory_space<semaphore_mem>>
        %dma_start3A_94 = arith.constant 0 : i32
        %dma_start3A_95 = tpu.memref_slice %arg8[%scan3A_23, %dma_start3A_94] : memref<79x128xi32, #tpu.memory_space<vmem>> -> memref<1x128xi32, #tpu.memory_space<vmem>>
        %dma_start3A_96 = tpu.memref_squeeze %dma_start3A_95 : memref<1x128xi32, #tpu.memory_space<vmem>> -> memref<128xi32, #tpu.memory_space<vmem>>
        %dma_start3A_97 = arith.constant 0 : i32
        %dma_start3A_98 = arith.constant 0 : i32
        %dma_start3A_99 = tpu.memref_slice %arg13[%dma_start3A_97, %dma_start3A_98] : memref<10240x128xf32, #tpu.memory_space<vmem_shared>> -> memref<10240x128xf32, #tpu.memory_space<vmem_shared>>
        tpu.enqueue_indirect_dma source(%arg10 : memref<128x128xf32, #tpu.memory_space<vmem>>) target(%dma_start3A_99 : memref<10240x128xf32, #tpu.memory_space<vmem_shared>>) offsets(%dma_start3A_96 : memref<128xi32, #tpu.memory_space<vmem>>) semaphore(%run_scoped3A : memref<!tpu.dma_semaphore, #tpu.memory_space<semaphore_mem>>) {add = true}
        %dma_wait3A_100 = arith.constant 0 : i32
        %dma_wait3A_101 = tpu.memref_slice %arg8[%scan3A_23, %dma_wait3A_100] : memref<79x128xi32, #tpu.memory_space<vmem>> -> memref<1x128xi32, #tpu.memory_space<vmem>>
        %dma_wait3A_102 = tpu.memref_squeeze %dma_wait3A_101 : memref<1x128xi32, #tpu.memory_space<vmem>> -> memref<128xi32, #tpu.memory_space<vmem>>
        %dma_wait3A_103 = arith.constant 0 : i32
        %dma_wait3A_104 = arith.constant 0 : i32
        %dma_wait3A_105 = tpu.memref_slice %arg13[%dma_wait3A_103, %dma_wait3A_104] : memref<10240x128xf32, #tpu.memory_space<vmem_shared>> -> memref<10240x128xf32, #tpu.memory_space<vmem_shared>>
        tpu.wait_indirect_dma semaphore(%run_scoped3A : memref<!tpu.dma_semaphore, #tpu.memory_space<semaphore_mem>>) src(%arg10 : memref<128x128xf32, #tpu.memory_space<vmem>>) dst(%dma_wait3A_105 : memref<10240x128xf32, #tpu.memory_space<vmem_shared>>)
        tpu.yield
      }) : () -> ()
    }
    %scan3A_17 = arith.constant 79 : i32
    %barrier3A_18 = arith.constant 0 : index
    tpu.barrier barrier_id(%barrier3A_18)
    %mul3A_19 = arith.constant 640 : i32
    %mul3A_20 = arith.muli %arg1, %mul3A_19 : i32
    %mul3A_21 = arith.constant 640 : i32
    %mul3A_22 = arith.muli %arg1, %mul3A_21 : i32
    "tpu.region"() ({
      %run_scoped3A = tpu.sem_alloc : memref<!tpu.dma_semaphore, #tpu.memory_space<semaphore_mem>>
      %dma_start3A = arith.constant 0 : i32
      %dma_start3A_23 = tpu.memref_slice %arg6[%arg0, %mul3A_22, %dma_start3A] : memref<2x10240x128xf32, #tpu.memory_space<hbm>> -> memref<1x640x128xf32, #tpu.memory_space<hbm>>
      %dma_start3A_24 = tpu.memref_squeeze %dma_start3A_23 : memref<1x640x128xf32, #tpu.memory_space<hbm>> -> memref<640x128xf32, #tpu.memory_space<hbm>>
      %dma_start3A_25 = arith.constant 0 : i32
      %dma_start3A_26 = tpu.memref_slice %arg13[%mul3A_20, %dma_start3A_25] : memref<10240x128xf32, #tpu.memory_space<vmem_shared>> -> memref<640x128xf32, #tpu.memory_space<vmem_shared>>
      tpu.enqueue_dma source(%dma_start3A_26 : memref<640x128xf32, #tpu.memory_space<vmem_shared>>) target(%dma_start3A_24 : memref<640x128xf32, #tpu.memory_space<hbm>>) target_semaphore(%run_scoped3A : memref<!tpu.dma_semaphore, #tpu.memory_space<semaphore_mem>>)
      %dma_wait3A = arith.constant 0 : i32
      %dma_wait3A_27 = tpu.memref_slice %arg6[%arg0, %mul3A_22, %dma_wait3A] : memref<2x10240x128xf32, #tpu.memory_space<hbm>> -> memref<1x640x128xf32, #tpu.memory_space<hbm>>
      %dma_wait3A_28 = tpu.memref_squeeze %dma_wait3A_27 : memref<1x640x128xf32, #tpu.memory_space<hbm>> -> memref<640x128xf32, #tpu.memory_space<hbm>>
      %dma_wait3A_29 = arith.constant 0 : i32
      %dma_wait3A_30 = tpu.memref_slice %arg13[%mul3A_20, %dma_wait3A_29] : memref<10240x128xf32, #tpu.memory_space<vmem_shared>> -> memref<640x128xf32, #tpu.memory_space<vmem_shared>>
      tpu.wait_dma2 semaphore(%run_scoped3A : memref<!tpu.dma_semaphore, #tpu.memory_space<semaphore_mem>>) src(%dma_wait3A_30 : memref<640x128xf32, #tpu.memory_space<vmem_shared>>) dst(%dma_wait3A_28 : memref<640x128xf32, #tpu.memory_space<hbm>>)
      tpu.yield
    }) : () -> ()
    return
  }
}

#map = affine_map<(d0, d1) -> (0, 0, 0)>
#map1 = affine_map<(d0, d1) -> (0)>
module attributes {stable_mosaic.version = 14 : i64} {
  func.func @_normw_kernel(%arg0: i32, %arg1: i32, %arg2: memref<32x79x128xi32, #tpu.memory_space<hbm>>, %arg3: memref<32x79x128xi32, #tpu.memory_space<hbm>>, %arg4: memref<32x79x128xf32, #tpu.memory_space<hbm>>, %arg5: memref<10240xf32, #tpu.memory_space<hbm>>, %arg6: memref<10240xf32, #tpu.memory_space<hbm>>, %arg7: memref<32x79x128xf32, #tpu.memory_space<hbm>>, %arg8: memref<79x128xi32, #tpu.memory_space<vmem>>, %arg9: memref<79x128xi32, #tpu.memory_space<vmem>>, %arg10: memref<79x128xf32, #tpu.memory_space<vmem>>, %arg11: memref<79x128xf32, #tpu.memory_space<vmem>>, %arg12: memref<10240xf32, #tpu.memory_space<vmem>>, %arg13: memref<10240xf32, #tpu.memory_space<vmem>>) attributes {dimension_semantics = [#tpu.dimension_semantics<core_parallel>, #tpu.dimension_semantics<subcore_parallel>], iteration_bounds = array<i64: 2, 16>, scalar_prefetch = 0 : i64, scratch_operands = 6 : i64, tpu.core_type = #tpu.core_type<sc_vector_subcore>, window_params = [{transform_indices = #map}, {transform_indices = #map}, {transform_indices = #map}, {transform_indices = #map1}, {transform_indices = #map1}, {transform_indices = #map}]} {
    %mul3A = arith.constant 2 : i32
    %mul3A_0 = arith.muli %arg1, %mul3A : i32
    %add3A = arith.addi %mul3A_0, %arg0 : i32
    "tpu.region"() ({
      %run_scoped3A = tpu.sem_alloc : memref<!tpu.dma_semaphore, #tpu.memory_space<semaphore_mem>>
      %dma_start3A = arith.constant 0 : i32
      %dma_start3A_6 = arith.constant 0 : i32
      %dma_start3A_7 = tpu.memref_slice %arg2[%add3A, %dma_start3A, %dma_start3A_6] : memref<32x79x128xi32, #tpu.memory_space<hbm>> -> memref<1x79x128xi32, #tpu.memory_space<hbm>>
      %dma_start3A_8 = tpu.memref_squeeze %dma_start3A_7 : memref<1x79x128xi32, #tpu.memory_space<hbm>> -> memref<79x128xi32, #tpu.memory_space<hbm>>
      %dma_start3A_9 = arith.constant 0 : i32
      %dma_start3A_10 = arith.constant 0 : i32
      %dma_start3A_11 = tpu.memref_slice %arg2[%add3A, %dma_start3A_9, %dma_start3A_10] : memref<32x79x128xi32, #tpu.memory_space<hbm>> -> memref<1x79x128xi32, #tpu.memory_space<hbm>>
      %dma_start3A_12 = tpu.memref_squeeze %dma_start3A_11 : memref<1x79x128xi32, #tpu.memory_space<hbm>> -> memref<79x128xi32, #tpu.memory_space<hbm>>
      tpu.enqueue_dma source(%dma_start3A_12 : memref<79x128xi32, #tpu.memory_space<hbm>>) target(%arg8 : memref<79x128xi32, #tpu.memory_space<vmem>>) target_semaphore(%run_scoped3A : memref<!tpu.dma_semaphore, #tpu.memory_space<semaphore_mem>>)
      %dma_wait3A = arith.constant 0 : i32
      %dma_wait3A_13 = arith.constant 0 : i32
      %dma_wait3A_14 = tpu.memref_slice %arg2[%add3A, %dma_wait3A, %dma_wait3A_13] : memref<32x79x128xi32, #tpu.memory_space<hbm>> -> memref<1x79x128xi32, #tpu.memory_space<hbm>>
      %dma_wait3A_15 = tpu.memref_squeeze %dma_wait3A_14 : memref<1x79x128xi32, #tpu.memory_space<hbm>> -> memref<79x128xi32, #tpu.memory_space<hbm>>
      %dma_wait3A_16 = arith.constant 0 : i32
      %dma_wait3A_17 = arith.constant 0 : i32
      %dma_wait3A_18 = tpu.memref_slice %arg2[%add3A, %dma_wait3A_16, %dma_wait3A_17] : memref<32x79x128xi32, #tpu.memory_space<hbm>> -> memref<1x79x128xi32, #tpu.memory_space<hbm>>
      %dma_wait3A_19 = tpu.memref_squeeze %dma_wait3A_18 : memref<1x79x128xi32, #tpu.memory_space<hbm>> -> memref<79x128xi32, #tpu.memory_space<hbm>>
      tpu.wait_dma2 semaphore(%run_scoped3A : memref<!tpu.dma_semaphore, #tpu.memory_space<semaphore_mem>>) src(%dma_wait3A_19 : memref<79x128xi32, #tpu.memory_space<hbm>>) dst(%arg8 : memref<79x128xi32, #tpu.memory_space<vmem>>)
      tpu.yield
    }) : () -> ()
    "tpu.region"() ({
      %run_scoped3A = tpu.sem_alloc : memref<!tpu.dma_semaphore, #tpu.memory_space<semaphore_mem>>
      %dma_start3A = arith.constant 0 : i32
      %dma_start3A_6 = arith.constant 0 : i32
      %dma_start3A_7 = tpu.memref_slice %arg3[%add3A, %dma_start3A, %dma_start3A_6] : memref<32x79x128xi32, #tpu.memory_space<hbm>> -> memref<1x79x128xi32, #tpu.memory_space<hbm>>
      %dma_start3A_8 = tpu.memref_squeeze %dma_start3A_7 : memref<1x79x128xi32, #tpu.memory_space<hbm>> -> memref<79x128xi32, #tpu.memory_space<hbm>>
      %dma_start3A_9 = arith.constant 0 : i32
      %dma_start3A_10 = arith.constant 0 : i32
      %dma_start3A_11 = tpu.memref_slice %arg3[%add3A, %dma_start3A_9, %dma_start3A_10] : memref<32x79x128xi32, #tpu.memory_space<hbm>> -> memref<1x79x128xi32, #tpu.memory_space<hbm>>
      %dma_start3A_12 = tpu.memref_squeeze %dma_start3A_11 : memref<1x79x128xi32, #tpu.memory_space<hbm>> -> memref<79x128xi32, #tpu.memory_space<hbm>>
      tpu.enqueue_dma source(%dma_start3A_12 : memref<79x128xi32, #tpu.memory_space<hbm>>) target(%arg9 : memref<79x128xi32, #tpu.memory_space<vmem>>) target_semaphore(%run_scoped3A : memref<!tpu.dma_semaphore, #tpu.memory_space<semaphore_mem>>)
      %dma_wait3A = arith.constant 0 : i32
      %dma_wait3A_13 = arith.constant 0 : i32
      %dma_wait3A_14 = tpu.memref_slice %arg3[%add3A, %dma_wait3A, %dma_wait3A_13] : memref<32x79x128xi32, #tpu.memory_space<hbm>> -> memref<1x79x128xi32, #tpu.memory_space<hbm>>
      %dma_wait3A_15 = tpu.memref_squeeze %dma_wait3A_14 : memref<1x79x128xi32, #tpu.memory_space<hbm>> -> memref<79x128xi32, #tpu.memory_space<hbm>>
      %dma_wait3A_16 = arith.constant 0 : i32
      %dma_wait3A_17 = arith.constant 0 : i32
      %dma_wait3A_18 = tpu.memref_slice %arg3[%add3A, %dma_wait3A_16, %dma_wait3A_17] : memref<32x79x128xi32, #tpu.memory_space<hbm>> -> memref<1x79x128xi32, #tpu.memory_space<hbm>>
      %dma_wait3A_19 = tpu.memref_squeeze %dma_wait3A_18 : memref<1x79x128xi32, #tpu.memory_space<hbm>> -> memref<79x128xi32, #tpu.memory_space<hbm>>
      tpu.wait_dma2 semaphore(%run_scoped3A : memref<!tpu.dma_semaphore, #tpu.memory_space<semaphore_mem>>) src(%dma_wait3A_19 : memref<79x128xi32, #tpu.memory_space<hbm>>) dst(%arg9 : memref<79x128xi32, #tpu.memory_space<vmem>>)
      tpu.yield
    }) : () -> ()
    "tpu.region"() ({
      %run_scoped3A = tpu.sem_alloc : memref<!tpu.dma_semaphore, #tpu.memory_space<semaphore_mem>>
      %dma_start3A = arith.constant 0 : i32
      %dma_start3A_6 = arith.constant 0 : i32
      %dma_start3A_7 = tpu.memref_slice %arg4[%add3A, %dma_start3A, %dma_start3A_6] : memref<32x79x128xf32, #tpu.memory_space<hbm>> -> memref<1x79x128xf32, #tpu.memory_space<hbm>>
      %dma_start3A_8 = tpu.memref_squeeze %dma_start3A_7 : memref<1x79x128xf32, #tpu.memory_space<hbm>> -> memref<79x128xf32, #tpu.memory_space<hbm>>
      %dma_start3A_9 = arith.constant 0 : i32
      %dma_start3A_10 = arith.constant 0 : i32
      %dma_start3A_11 = tpu.memref_slice %arg4[%add3A, %dma_start3A_9, %dma_start3A_10] : memref<32x79x128xf32, #tpu.memory_space<hbm>> -> memref<1x79x128xf32, #tpu.memory_space<hbm>>
      %dma_start3A_12 = tpu.memref_squeeze %dma_start3A_11 : memref<1x79x128xf32, #tpu.memory_space<hbm>> -> memref<79x128xf32, #tpu.memory_space<hbm>>
      tpu.enqueue_dma source(%dma_start3A_12 : memref<79x128xf32, #tpu.memory_space<hbm>>) target(%arg10 : memref<79x128xf32, #tpu.memory_space<vmem>>) target_semaphore(%run_scoped3A : memref<!tpu.dma_semaphore, #tpu.memory_space<semaphore_mem>>)
      %dma_wait3A = arith.constant 0 : i32
      %dma_wait3A_13 = arith.constant 0 : i32
      %dma_wait3A_14 = tpu.memref_slice %arg4[%add3A, %dma_wait3A, %dma_wait3A_13] : memref<32x79x128xf32, #tpu.memory_space<hbm>> -> memref<1x79x128xf32, #tpu.memory_space<hbm>>
      %dma_wait3A_15 = tpu.memref_squeeze %dma_wait3A_14 : memref<1x79x128xf32, #tpu.memory_space<hbm>> -> memref<79x128xf32, #tpu.memory_space<hbm>>
      %dma_wait3A_16 = arith.constant 0 : i32
      %dma_wait3A_17 = arith.constant 0 : i32
      %dma_wait3A_18 = tpu.memref_slice %arg4[%add3A, %dma_wait3A_16, %dma_wait3A_17] : memref<32x79x128xf32, #tpu.memory_space<hbm>> -> memref<1x79x128xf32, #tpu.memory_space<hbm>>
      %dma_wait3A_19 = tpu.memref_squeeze %dma_wait3A_18 : memref<1x79x128xf32, #tpu.memory_space<hbm>> -> memref<79x128xf32, #tpu.memory_space<hbm>>
      tpu.wait_dma2 semaphore(%run_scoped3A : memref<!tpu.dma_semaphore, #tpu.memory_space<semaphore_mem>>) src(%dma_wait3A_19 : memref<79x128xf32, #tpu.memory_space<hbm>>) dst(%arg10 : memref<79x128xf32, #tpu.memory_space<vmem>>)
      tpu.yield
    }) : () -> ()
    "tpu.region"() ({
      %run_scoped3A = tpu.sem_alloc : memref<!tpu.dma_semaphore, #tpu.memory_space<semaphore_mem>>
      tpu.enqueue_dma source(%arg5 : memref<10240xf32, #tpu.memory_space<hbm>>) target(%arg12 : memref<10240xf32, #tpu.memory_space<vmem>>) target_semaphore(%run_scoped3A : memref<!tpu.dma_semaphore, #tpu.memory_space<semaphore_mem>>)
      tpu.wait_dma2 semaphore(%run_scoped3A : memref<!tpu.dma_semaphore, #tpu.memory_space<semaphore_mem>>) src(%arg5 : memref<10240xf32, #tpu.memory_space<hbm>>) dst(%arg12 : memref<10240xf32, #tpu.memory_space<vmem>>)
      tpu.yield
    }) : () -> ()
    "tpu.region"() ({
      %run_scoped3A = tpu.sem_alloc : memref<!tpu.dma_semaphore, #tpu.memory_space<semaphore_mem>>
      tpu.enqueue_dma source(%arg6 : memref<10240xf32, #tpu.memory_space<hbm>>) target(%arg13 : memref<10240xf32, #tpu.memory_space<vmem>>) target_semaphore(%run_scoped3A : memref<!tpu.dma_semaphore, #tpu.memory_space<semaphore_mem>>)
      tpu.wait_dma2 semaphore(%run_scoped3A : memref<!tpu.dma_semaphore, #tpu.memory_space<semaphore_mem>>) src(%arg6 : memref<10240xf32, #tpu.memory_space<hbm>>) dst(%arg13 : memref<10240xf32, #tpu.memory_space<vmem>>)
      tpu.yield
    }) : () -> ()
    %scan3A = arith.constant 0 : i32
    %scan3A_1 = arith.constant 0 : i32
    %scan3A_2 = arith.constant 79 : i32
    %scan3A_3 = arith.addi %scan3A_1, %scan3A_2 : i32
    %scan3A_4 = arith.constant 1 : i32
    scf.for %scan3A_6 = %scan3A_1 to %scan3A_3 step %scan3A_4  : i32 {
      %get3A = arith.index_cast %scan3A_6 : i32 to index
      %get3A_7 = arith.constant 0 : index
      %get3A_8 = tpu.vector_load %arg8[%get3A, %get3A_7] {strides = array<i32>} : memref<79x128xi32, #tpu.memory_space<vmem>>, vector<16xi32>,
      %get3A_9 = arith.index_cast %scan3A_6 : i32 to index
      %get3A_10 = arith.constant 0 : index
      %get3A_11 = tpu.vector_load %arg9[%get3A_9, %get3A_10] {strides = array<i32>} : memref<79x128xi32, #tpu.memory_space<vmem>>, vector<16xi32>,
      %gather3A = tpu.vector_load_idx %arg12[%get3A_8] : memref<10240xf32, #tpu.memory_space<vmem>>[vector<16xi32>], vector<16xf32>,
      %gather3A_12 = tpu.vector_load_idx %arg13[%get3A_11] : memref<10240xf32, #tpu.memory_space<vmem>>[vector<16xi32>], vector<16xf32>,
      %mul3A_13 = arith.mulf %gather3A, %gather3A_12 : vector<16xf32>
      %max3A = arith.constant 9.99999996E-13 : f32
      %max3A_14 = vector.broadcast %max3A : f32 to vector<16xf32>
      %max3A_15 = arith.maximumf %mul3A_13, %max3A_14 : vector<16xf32>
      %bitcast_convert_type3A = tpu.bitcast %max3A_15 : vector<16xf32> -> vector<16xi32>
      %shift_right_arithmetic3A = arith.constant 1 : i32
      %shift_right_arithmetic3A_16 = vector.broadcast %shift_right_arithmetic3A : i32 to vector<16xi32>
      %shift_right_arithmetic3A_17 = arith.shrsi %bitcast_convert_type3A, %shift_right_arithmetic3A_16 : vector<16xi32>
      %sub3A = arith.constant 1597463007 : i32
      %sub3A_18 = vector.broadcast %sub3A : i32 to vector<16xi32>
      %sub3A_19 = arith.subi %sub3A_18, %shift_right_arithmetic3A_17 : vector<16xi32>
      %bitcast_convert_type3A_20 = tpu.bitcast %sub3A_19 : vector<16xi32> -> vector<16xf32>
      %mul3A_21 = arith.constant 5.000000e-01 : f32
      %mul3A_22 = vector.broadcast %mul3A_21 : f32 to vector<16xf32>
      %mul3A_23 = arith.mulf %mul3A_22, %max3A_15 : vector<16xf32>
      %mul3A_24 = arith.mulf %mul3A_23, %bitcast_convert_type3A_20 : vector<16xf32>
      %mul3A_25 = arith.mulf %mul3A_24, %bitcast_convert_type3A_20 : vector<16xf32>
      %sub3A_26 = arith.constant 1.500000e+00 : f32
      %sub3A_27 = vector.broadcast %sub3A_26 : f32 to vector<16xf32>
      %sub3A_28 = arith.subf %sub3A_27, %mul3A_25 : vector<16xf32>
      %mul3A_29 = arith.mulf %bitcast_convert_type3A_20, %sub3A_28 : vector<16xf32>
      %mul3A_30 = arith.constant 5.000000e-01 : f32
      %mul3A_31 = vector.broadcast %mul3A_30 : f32 to vector<16xf32>
      %mul3A_32 = arith.mulf %mul3A_31, %max3A_15 : vector<16xf32>
      %mul3A_33 = arith.mulf %mul3A_32, %mul3A_29 : vector<16xf32>
      %mul3A_34 = arith.mulf %mul3A_33, %mul3A_29 : vector<16xf32>
      %sub3A_35 = arith.constant 1.500000e+00 : f32
      %sub3A_36 = vector.broadcast %sub3A_35 : f32 to vector<16xf32>
      %sub3A_37 = arith.subf %sub3A_36, %mul3A_34 : vector<16xf32>
      %mul3A_38 = arith.mulf %mul3A_29, %sub3A_37 : vector<16xf32>
      %mul3A_39 = arith.constant 5.000000e-01 : f32
      %mul3A_40 = vector.broadcast %mul3A_39 : f32 to vector<16xf32>
      %mul3A_41 = arith.mulf %mul3A_40, %max3A_15 : vector<16xf32>
      %mul3A_42 = arith.mulf %mul3A_41, %mul3A_38 : vector<16xf32>
      %mul3A_43 = arith.mulf %mul3A_42, %mul3A_38 : vector<16xf32>
      %sub3A_44 = arith.constant 1.500000e+00 : f32
      %sub3A_45 = vector.broadcast %sub3A_44 : f32 to vector<16xf32>
      %sub3A_46 = arith.subf %sub3A_45, %mul3A_43 : vector<16xf32>
      %mul3A_47 = arith.mulf %mul3A_38, %sub3A_46 : vector<16xf32>
      %get3A_48 = arith.index_cast %scan3A_6 : i32 to index
      %get3A_49 = arith.constant 0 : index
      %get3A_50 = tpu.vector_load %arg10[%get3A_48, %get3A_49] {strides = array<i32>} : memref<79x128xf32, #tpu.memory_space<vmem>>, vector<16xf32>,
      %mul3A_51 = arith.mulf %get3A_50, %mul3A_47 : vector<16xf32>
      %swap3A = arith.index_cast %scan3A_6 : i32 to index
      %swap3A_52 = arith.constant 0 : index
      %swap3A_53 = tpu.vector_load %arg11[%swap3A, %swap3A_52] {strides = array<i32>} : memref<79x128xf32, #tpu.memory_space<vmem>>, vector<16xf32>,
      tpu.vector_store %arg11[%swap3A, %swap3A_52], %mul3A_51 {strides = array<i32>} : memref<79x128xf32, #tpu.memory_space<vmem>>, vector<16xf32>,
      %get3A_54 = arith.index_cast %scan3A_6 : i32 to index
      %get3A_55 = arith.constant 16 : index
      %get3A_56 = tpu.vector_load %arg8[%get3A_54, %get3A_55] {strides = array<i32>} : memref<79x128xi32, #tpu.memory_space<vmem>>, vector<16xi32>,
      %get3A_57 = arith.index_cast %scan3A_6 : i32 to index
      %get3A_58 = arith.constant 16 : index
      %get3A_59 = tpu.vector_load %arg9[%get3A_57, %get3A_58] {strides = array<i32>} : memref<79x128xi32, #tpu.memory_space<vmem>>, vector<16xi32>,
      %gather3A_60 = tpu.vector_load_idx %arg12[%get3A_56] : memref<10240xf32, #tpu.memory_space<vmem>>[vector<16xi32>], vector<16xf32>,
      %gather3A_61 = tpu.vector_load_idx %arg13[%get3A_59] : memref<10240xf32, #tpu.memory_space<vmem>>[vector<16xi32>], vector<16xf32>,
      %mul3A_62 = arith.mulf %gather3A_60, %gather3A_61 : vector<16xf32>
      %max3A_63 = arith.constant 9.99999996E-13 : f32
      %max3A_64 = vector.broadcast %max3A_63 : f32 to vector<16xf32>
      %max3A_65 = arith.maximumf %mul3A_62, %max3A_64 : vector<16xf32>
      %bitcast_convert_type3A_66 = tpu.bitcast %max3A_65 : vector<16xf32> -> vector<16xi32>
      %shift_right_arithmetic3A_67 = arith.constant 1 : i32
      %shift_right_arithmetic3A_68 = vector.broadcast %shift_right_arithmetic3A_67 : i32 to vector<16xi32>
      %shift_right_arithmetic3A_69 = arith.shrsi %bitcast_convert_type3A_66, %shift_right_arithmetic3A_68 : vector<16xi32>
      %sub3A_70 = arith.constant 1597463007 : i32
      %sub3A_71 = vector.broadcast %sub3A_70 : i32 to vector<16xi32>
      %sub3A_72 = arith.subi %sub3A_71, %shift_right_arithmetic3A_69 : vector<16xi32>
      %bitcast_convert_type3A_73 = tpu.bitcast %sub3A_72 : vector<16xi32> -> vector<16xf32>
      %mul3A_74 = arith.constant 5.000000e-01 : f32
      %mul3A_75 = vector.broadcast %mul3A_74 : f32 to vector<16xf32>
      %mul3A_76 = arith.mulf %mul3A_75, %max3A_65 : vector<16xf32>
      %mul3A_77 = arith.mulf %mul3A_76, %bitcast_convert_type3A_73 : vector<16xf32>
      %mul3A_78 = arith.mulf %mul3A_77, %bitcast_convert_type3A_73 : vector<16xf32>
      %sub3A_79 = arith.constant 1.500000e+00 : f32
      %sub3A_80 = vector.broadcast %sub3A_79 : f32 to vector<16xf32>
      %sub3A_81 = arith.subf %sub3A_80, %mul3A_78 : vector<16xf32>
      %mul3A_82 = arith.mulf %bitcast_convert_type3A_73, %sub3A_81 : vector<16xf32>
      %mul3A_83 = arith.constant 5.000000e-01 : f32
      %mul3A_84 = vector.broadcast %mul3A_83 : f32 to vector<16xf32>
      %mul3A_85 = arith.mulf %mul3A_84, %max3A_65 : vector<16xf32>
      %mul3A_86 = arith.mulf %mul3A_85, %mul3A_82 : vector<16xf32>
      %mul3A_87 = arith.mulf %mul3A_86, %mul3A_82 : vector<16xf32>
      %sub3A_88 = arith.constant 1.500000e+00 : f32
      %sub3A_89 = vector.broadcast %sub3A_88 : f32 to vector<16xf32>
      %sub3A_90 = arith.subf %sub3A_89, %mul3A_87 : vector<16xf32>
      %mul3A_91 = arith.mulf %mul3A_82, %sub3A_90 : vector<16xf32>
      %mul3A_92 = arith.constant 5.000000e-01 : f32
      %mul3A_93 = vector.broadcast %mul3A_92 : f32 to vector<16xf32>
      %mul3A_94 = arith.mulf %mul3A_93, %max3A_65 : vector<16xf32>
      %mul3A_95 = arith.mulf %mul3A_94, %mul3A_91 : vector<16xf32>
      %mul3A_96 = arith.mulf %mul3A_95, %mul3A_91 : vector<16xf32>
      %sub3A_97 = arith.constant 1.500000e+00 : f32
      %sub3A_98 = vector.broadcast %sub3A_97 : f32 to vector<16xf32>
      %sub3A_99 = arith.subf %sub3A_98, %mul3A_96 : vector<16xf32>
      %mul3A_100 = arith.mulf %mul3A_91, %sub3A_99 : vector<16xf32>
      %get3A_101 = arith.index_cast %scan3A_6 : i32 to index
      %get3A_102 = arith.constant 16 : index
      %get3A_103 = tpu.vector_load %arg10[%get3A_101, %get3A_102] {strides = array<i32>} : memref<79x128xf32, #tpu.memory_space<vmem>>, vector<16xf32>,
      %mul3A_104 = arith.mulf %get3A_103, %mul3A_100 : vector<16xf32>
      %swap3A_105 = arith.index_cast %scan3A_6 : i32 to index
      %swap3A_106 = arith.constant 16 : index
      %swap3A_107 = tpu.vector_load %arg11[%swap3A_105, %swap3A_106] {strides = array<i32>} : memref<79x128xf32, #tpu.memory_space<vmem>>, vector<16xf32>,
      tpu.vector_store %arg11[%swap3A_105, %swap3A_106], %mul3A_104 {strides = array<i32>} : memref<79x128xf32, #tpu.memory_space<vmem>>, vector<16xf32>,
      %get3A_108 = arith.index_cast %scan3A_6 : i32 to index
      %get3A_109 = arith.constant 32 : index
      %get3A_110 = tpu.vector_load %arg8[%get3A_108, %get3A_109] {strides = array<i32>} : memref<79x128xi32, #tpu.memory_space<vmem>>, vector<16xi32>,
      %get3A_111 = arith.index_cast %scan3A_6 : i32 to index
      %get3A_112 = arith.constant 32 : index
      %get3A_113 = tpu.vector_load %arg9[%get3A_111, %get3A_112] {strides = array<i32>} : memref<79x128xi32, #tpu.memory_space<vmem>>, vector<16xi32>,
      %gather3A_114 = tpu.vector_load_idx %arg12[%get3A_110] : memref<10240xf32, #tpu.memory_space<vmem>>[vector<16xi32>], vector<16xf32>,
      %gather3A_115 = tpu.vector_load_idx %arg13[%get3A_113] : memref<10240xf32, #tpu.memory_space<vmem>>[vector<16xi32>], vector<16xf32>,
      %mul3A_116 = arith.mulf %gather3A_114, %gather3A_115 : vector<16xf32>
      %max3A_117 = arith.constant 9.99999996E-13 : f32
      %max3A_118 = vector.broadcast %max3A_117 : f32 to vector<16xf32>
      %max3A_119 = arith.maximumf %mul3A_116, %max3A_118 : vector<16xf32>
      %bitcast_convert_type3A_120 = tpu.bitcast %max3A_119 : vector<16xf32> -> vector<16xi32>
      %shift_right_arithmetic3A_121 = arith.constant 1 : i32
      %shift_right_arithmetic3A_122 = vector.broadcast %shift_right_arithmetic3A_121 : i32 to vector<16xi32>
      %shift_right_arithmetic3A_123 = arith.shrsi %bitcast_convert_type3A_120, %shift_right_arithmetic3A_122 : vector<16xi32>
      %sub3A_124 = arith.constant 1597463007 : i32
      %sub3A_125 = vector.broadcast %sub3A_124 : i32 to vector<16xi32>
      %sub3A_126 = arith.subi %sub3A_125, %shift_right_arithmetic3A_123 : vector<16xi32>
      %bitcast_convert_type3A_127 = tpu.bitcast %sub3A_126 : vector<16xi32> -> vector<16xf32>
      %mul3A_128 = arith.constant 5.000000e-01 : f32
      %mul3A_129 = vector.broadcast %mul3A_128 : f32 to vector<16xf32>
      %mul3A_130 = arith.mulf %mul3A_129, %max3A_119 : vector<16xf32>
      %mul3A_131 = arith.mulf %mul3A_130, %bitcast_convert_type3A_127 : vector<16xf32>
      %mul3A_132 = arith.mulf %mul3A_131, %bitcast_convert_type3A_127 : vector<16xf32>
      %sub3A_133 = arith.constant 1.500000e+00 : f32
      %sub3A_134 = vector.broadcast %sub3A_133 : f32 to vector<16xf32>
      %sub3A_135 = arith.subf %sub3A_134, %mul3A_132 : vector<16xf32>
      %mul3A_136 = arith.mulf %bitcast_convert_type3A_127, %sub3A_135 : vector<16xf32>
      %mul3A_137 = arith.constant 5.000000e-01 : f32
      %mul3A_138 = vector.broadcast %mul3A_137 : f32 to vector<16xf32>
      %mul3A_139 = arith.mulf %mul3A_138, %max3A_119 : vector<16xf32>
      %mul3A_140 = arith.mulf %mul3A_139, %mul3A_136 : vector<16xf32>
      %mul3A_141 = arith.mulf %mul3A_140, %mul3A_136 : vector<16xf32>
      %sub3A_142 = arith.constant 1.500000e+00 : f32
      %sub3A_143 = vector.broadcast %sub3A_142 : f32 to vector<16xf32>
      %sub3A_144 = arith.subf %sub3A_143, %mul3A_141 : vector<16xf32>
      %mul3A_145 = arith.mulf %mul3A_136, %sub3A_144 : vector<16xf32>
      %mul3A_146 = arith.constant 5.000000e-01 : f32
      %mul3A_147 = vector.broadcast %mul3A_146 : f32 to vector<16xf32>
      %mul3A_148 = arith.mulf %mul3A_147, %max3A_119 : vector<16xf32>
      %mul3A_149 = arith.mulf %mul3A_148, %mul3A_145 : vector<16xf32>
      %mul3A_150 = arith.mulf %mul3A_149, %mul3A_145 : vector<16xf32>
      %sub3A_151 = arith.constant 1.500000e+00 : f32
      %sub3A_152 = vector.broadcast %sub3A_151 : f32 to vector<16xf32>
      %sub3A_153 = arith.subf %sub3A_152, %mul3A_150 : vector<16xf32>
      %mul3A_154 = arith.mulf %mul3A_145, %sub3A_153 : vector<16xf32>
      %get3A_155 = arith.index_cast %scan3A_6 : i32 to index
      %get3A_156 = arith.constant 32 : index
      %get3A_157 = tpu.vector_load %arg10[%get3A_155, %get3A_156] {strides = array<i32>} : memref<79x128xf32, #tpu.memory_space<vmem>>, vector<16xf32>,
      %mul3A_158 = arith.mulf %get3A_157, %mul3A_154 : vector<16xf32>
      %swap3A_159 = arith.index_cast %scan3A_6 : i32 to index
      %swap3A_160 = arith.constant 32 : index
      %swap3A_161 = tpu.vector_load %arg11[%swap3A_159, %swap3A_160] {strides = array<i32>} : memref<79x128xf32, #tpu.memory_space<vmem>>, vector<16xf32>,
      tpu.vector_store %arg11[%swap3A_159, %swap3A_160], %mul3A_158 {strides = array<i32>} : memref<79x128xf32, #tpu.memory_space<vmem>>, vector<16xf32>,
      %get3A_162 = arith.index_cast %scan3A_6 : i32 to index
      %get3A_163 = arith.constant 48 : index
      %get3A_164 = tpu.vector_load %arg8[%get3A_162, %get3A_163] {strides = array<i32>} : memref<79x128xi32, #tpu.memory_space<vmem>>, vector<16xi32>,
      %get3A_165 = arith.index_cast %scan3A_6 : i32 to index
      %get3A_166 = arith.constant 48 : index
      %get3A_167 = tpu.vector_load %arg9[%get3A_165, %get3A_166] {strides = array<i32>} : memref<79x128xi32, #tpu.memory_space<vmem>>, vector<16xi32>,
      %gather3A_168 = tpu.vector_load_idx %arg12[%get3A_164] : memref<10240xf32, #tpu.memory_space<vmem>>[vector<16xi32>], vector<16xf32>,
      %gather3A_169 = tpu.vector_load_idx %arg13[%get3A_167] : memref<10240xf32, #tpu.memory_space<vmem>>[vector<16xi32>], vector<16xf32>,
      %mul3A_170 = arith.mulf %gather3A_168, %gather3A_169 : vector<16xf32>
      %max3A_171 = arith.constant 9.99999996E-13 : f32
      %max3A_172 = vector.broadcast %max3A_171 : f32 to vector<16xf32>
      %max3A_173 = arith.maximumf %mul3A_170, %max3A_172 : vector<16xf32>
      %bitcast_convert_type3A_174 = tpu.bitcast %max3A_173 : vector<16xf32> -> vector<16xi32>
      %shift_right_arithmetic3A_175 = arith.constant 1 : i32
      %shift_right_arithmetic3A_176 = vector.broadcast %shift_right_arithmetic3A_175 : i32 to vector<16xi32>
      %shift_right_arithmetic3A_177 = arith.shrsi %bitcast_convert_type3A_174, %shift_right_arithmetic3A_176 : vector<16xi32>
      %sub3A_178 = arith.constant 1597463007 : i32
      %sub3A_179 = vector.broadcast %sub3A_178 : i32 to vector<16xi32>
      %sub3A_180 = arith.subi %sub3A_179, %shift_right_arithmetic3A_177 : vector<16xi32>
      %bitcast_convert_type3A_181 = tpu.bitcast %sub3A_180 : vector<16xi32> -> vector<16xf32>
      %mul3A_182 = arith.constant 5.000000e-01 : f32
      %mul3A_183 = vector.broadcast %mul3A_182 : f32 to vector<16xf32>
      %mul3A_184 = arith.mulf %mul3A_183, %max3A_173 : vector<16xf32>
      %mul3A_185 = arith.mulf %mul3A_184, %bitcast_convert_type3A_181 : vector<16xf32>
      %mul3A_186 = arith.mulf %mul3A_185, %bitcast_convert_type3A_181 : vector<16xf32>
      %sub3A_187 = arith.constant 1.500000e+00 : f32
      %sub3A_188 = vector.broadcast %sub3A_187 : f32 to vector<16xf32>
      %sub3A_189 = arith.subf %sub3A_188, %mul3A_186 : vector<16xf32>
      %mul3A_190 = arith.mulf %bitcast_convert_type3A_181, %sub3A_189 : vector<16xf32>
      %mul3A_191 = arith.constant 5.000000e-01 : f32
      %mul3A_192 = vector.broadcast %mul3A_191 : f32 to vector<16xf32>
      %mul3A_193 = arith.mulf %mul3A_192, %max3A_173 : vector<16xf32>
      %mul3A_194 = arith.mulf %mul3A_193, %mul3A_190 : vector<16xf32>
      %mul3A_195 = arith.mulf %mul3A_194, %mul3A_190 : vector<16xf32>
      %sub3A_196 = arith.constant 1.500000e+00 : f32
      %sub3A_197 = vector.broadcast %sub3A_196 : f32 to vector<16xf32>
      %sub3A_198 = arith.subf %sub3A_197, %mul3A_195 : vector<16xf32>
      %mul3A_199 = arith.mulf %mul3A_190, %sub3A_198 : vector<16xf32>
      %mul3A_200 = arith.constant 5.000000e-01 : f32
      %mul3A_201 = vector.broadcast %mul3A_200 : f32 to vector<16xf32>
      %mul3A_202 = arith.mulf %mul3A_201, %max3A_173 : vector<16xf32>
      %mul3A_203 = arith.mulf %mul3A_202, %mul3A_199 : vector<16xf32>
      %mul3A_204 = arith.mulf %mul3A_203, %mul3A_199 : vector<16xf32>
      %sub3A_205 = arith.constant 1.500000e+00 : f32
      %sub3A_206 = vector.broadcast %sub3A_205 : f32 to vector<16xf32>
      %sub3A_207 = arith.subf %sub3A_206, %mul3A_204 : vector<16xf32>
      %mul3A_208 = arith.mulf %mul3A_199, %sub3A_207 : vector<16xf32>
      %get3A_209 = arith.index_cast %scan3A_6 : i32 to index
      %get3A_210 = arith.constant 48 : index
      %get3A_211 = tpu.vector_load %arg10[%get3A_209, %get3A_210] {strides = array<i32>} : memref<79x128xf32, #tpu.memory_space<vmem>>, vector<16xf32>,
      %mul3A_212 = arith.mulf %get3A_211, %mul3A_208 : vector<16xf32>
      %swap3A_213 = arith.index_cast %scan3A_6 : i32 to index
      %swap3A_214 = arith.constant 48 : index
      %swap3A_215 = tpu.vector_load %arg11[%swap3A_213, %swap3A_214] {strides = array<i32>} : memref<79x128xf32, #tpu.memory_space<vmem>>, vector<16xf32>,
      tpu.vector_store %arg11[%swap3A_213, %swap3A_214], %mul3A_212 {strides = array<i32>} : memref<79x128xf32, #tpu.memory_space<vmem>>, vector<16xf32>,
      %get3A_216 = arith.index_cast %scan3A_6 : i32 to index
      %get3A_217 = arith.constant 64 : index
      %get3A_218 = tpu.vector_load %arg8[%get3A_216, %get3A_217] {strides = array<i32>} : memref<79x128xi32, #tpu.memory_space<vmem>>, vector<16xi32>,
      %get3A_219 = arith.index_cast %scan3A_6 : i32 to index
      %get3A_220 = arith.constant 64 : index
      %get3A_221 = tpu.vector_load %arg9[%get3A_219, %get3A_220] {strides = array<i32>} : memref<79x128xi32, #tpu.memory_space<vmem>>, vector<16xi32>,
      %gather3A_222 = tpu.vector_load_idx %arg12[%get3A_218] : memref<10240xf32, #tpu.memory_space<vmem>>[vector<16xi32>], vector<16xf32>,
      %gather3A_223 = tpu.vector_load_idx %arg13[%get3A_221] : memref<10240xf32, #tpu.memory_space<vmem>>[vector<16xi32>], vector<16xf32>,
      %mul3A_224 = arith.mulf %gather3A_222, %gather3A_223 : vector<16xf32>
      %max3A_225 = arith.constant 9.99999996E-13 : f32
      %max3A_226 = vector.broadcast %max3A_225 : f32 to vector<16xf32>
      %max3A_227 = arith.maximumf %mul3A_224, %max3A_226 : vector<16xf32>
      %bitcast_convert_type3A_228 = tpu.bitcast %max3A_227 : vector<16xf32> -> vector<16xi32>
      %shift_right_arithmetic3A_229 = arith.constant 1 : i32
      %shift_right_arithmetic3A_230 = vector.broadcast %shift_right_arithmetic3A_229 : i32 to vector<16xi32>
      %shift_right_arithmetic3A_231 = arith.shrsi %bitcast_convert_type3A_228, %shift_right_arithmetic3A_230 : vector<16xi32>
      %sub3A_232 = arith.constant 1597463007 : i32
      %sub3A_233 = vector.broadcast %sub3A_232 : i32 to vector<16xi32>
      %sub3A_234 = arith.subi %sub3A_233, %shift_right_arithmetic3A_231 : vector<16xi32>
      %bitcast_convert_type3A_235 = tpu.bitcast %sub3A_234 : vector<16xi32> -> vector<16xf32>
      %mul3A_236 = arith.constant 5.000000e-01 : f32
      %mul3A_237 = vector.broadcast %mul3A_236 : f32 to vector<16xf32>
      %mul3A_238 = arith.mulf %mul3A_237, %max3A_227 : vector<16xf32>
      %mul3A_239 = arith.mulf %mul3A_238, %bitcast_convert_type3A_235 : vector<16xf32>
      %mul3A_240 = arith.mulf %mul3A_239, %bitcast_convert_type3A_235 : vector<16xf32>
      %sub3A_241 = arith.constant 1.500000e+00 : f32
      %sub3A_242 = vector.broadcast %sub3A_241 : f32 to vector<16xf32>
      %sub3A_243 = arith.subf %sub3A_242, %mul3A_240 : vector<16xf32>
      %mul3A_244 = arith.mulf %bitcast_convert_type3A_235, %sub3A_243 : vector<16xf32>
      %mul3A_245 = arith.constant 5.000000e-01 : f32
      %mul3A_246 = vector.broadcast %mul3A_245 : f32 to vector<16xf32>
      %mul3A_247 = arith.mulf %mul3A_246, %max3A_227 : vector<16xf32>
      %mul3A_248 = arith.mulf %mul3A_247, %mul3A_244 : vector<16xf32>
      %mul3A_249 = arith.mulf %mul3A_248, %mul3A_244 : vector<16xf32>
      %sub3A_250 = arith.constant 1.500000e+00 : f32
      %sub3A_251 = vector.broadcast %sub3A_250 : f32 to vector<16xf32>
      %sub3A_252 = arith.subf %sub3A_251, %mul3A_249 : vector<16xf32>
      %mul3A_253 = arith.mulf %mul3A_244, %sub3A_252 : vector<16xf32>
      %mul3A_254 = arith.constant 5.000000e-01 : f32
      %mul3A_255 = vector.broadcast %mul3A_254 : f32 to vector<16xf32>
      %mul3A_256 = arith.mulf %mul3A_255, %max3A_227 : vector<16xf32>
      %mul3A_257 = arith.mulf %mul3A_256, %mul3A_253 : vector<16xf32>
      %mul3A_258 = arith.mulf %mul3A_257, %mul3A_253 : vector<16xf32>
      %sub3A_259 = arith.constant 1.500000e+00 : f32
      %sub3A_260 = vector.broadcast %sub3A_259 : f32 to vector<16xf32>
      %sub3A_261 = arith.subf %sub3A_260, %mul3A_258 : vector<16xf32>
      %mul3A_262 = arith.mulf %mul3A_253, %sub3A_261 : vector<16xf32>
      %get3A_263 = arith.index_cast %scan3A_6 : i32 to index
      %get3A_264 = arith.constant 64 : index
      %get3A_265 = tpu.vector_load %arg10[%get3A_263, %get3A_264] {strides = array<i32>} : memref<79x128xf32, #tpu.memory_space<vmem>>, vector<16xf32>,
      %mul3A_266 = arith.mulf %get3A_265, %mul3A_262 : vector<16xf32>
      %swap3A_267 = arith.index_cast %scan3A_6 : i32 to index
      %swap3A_268 = arith.constant 64 : index
      %swap3A_269 = tpu.vector_load %arg11[%swap3A_267, %swap3A_268] {strides = array<i32>} : memref<79x128xf32, #tpu.memory_space<vmem>>, vector<16xf32>,
      tpu.vector_store %arg11[%swap3A_267, %swap3A_268], %mul3A_266 {strides = array<i32>} : memref<79x128xf32, #tpu.memory_space<vmem>>, vector<16xf32>,
      %get3A_270 = arith.index_cast %scan3A_6 : i32 to index
      %get3A_271 = arith.constant 80 : index
      %get3A_272 = tpu.vector_load %arg8[%get3A_270, %get3A_271] {strides = array<i32>} : memref<79x128xi32, #tpu.memory_space<vmem>>, vector<16xi32>,
      %get3A_273 = arith.index_cast %scan3A_6 : i32 to index
      %get3A_274 = arith.constant 80 : index
      %get3A_275 = tpu.vector_load %arg9[%get3A_273, %get3A_274] {strides = array<i32>} : memref<79x128xi32, #tpu.memory_space<vmem>>, vector<16xi32>,
      %gather3A_276 = tpu.vector_load_idx %arg12[%get3A_272] : memref<10240xf32, #tpu.memory_space<vmem>>[vector<16xi32>], vector<16xf32>,
      %gather3A_277 = tpu.vector_load_idx %arg13[%get3A_275] : memref<10240xf32, #tpu.memory_space<vmem>>[vector<16xi32>], vector<16xf32>,
      %mul3A_278 = arith.mulf %gather3A_276, %gather3A_277 : vector<16xf32>
      %max3A_279 = arith.constant 9.99999996E-13 : f32
      %max3A_280 = vector.broadcast %max3A_279 : f32 to vector<16xf32>
      %max3A_281 = arith.maximumf %mul3A_278, %max3A_280 : vector<16xf32>
      %bitcast_convert_type3A_282 = tpu.bitcast %max3A_281 : vector<16xf32> -> vector<16xi32>
      %shift_right_arithmetic3A_283 = arith.constant 1 : i32
      %shift_right_arithmetic3A_284 = vector.broadcast %shift_right_arithmetic3A_283 : i32 to vector<16xi32>
      %shift_right_arithmetic3A_285 = arith.shrsi %bitcast_convert_type3A_282, %shift_right_arithmetic3A_284 : vector<16xi32>
      %sub3A_286 = arith.constant 1597463007 : i32
      %sub3A_287 = vector.broadcast %sub3A_286 : i32 to vector<16xi32>
      %sub3A_288 = arith.subi %sub3A_287, %shift_right_arithmetic3A_285 : vector<16xi32>
      %bitcast_convert_type3A_289 = tpu.bitcast %sub3A_288 : vector<16xi32> -> vector<16xf32>
      %mul3A_290 = arith.constant 5.000000e-01 : f32
      %mul3A_291 = vector.broadcast %mul3A_290 : f32 to vector<16xf32>
      %mul3A_292 = arith.mulf %mul3A_291, %max3A_281 : vector<16xf32>
      %mul3A_293 = arith.mulf %mul3A_292, %bitcast_convert_type3A_289 : vector<16xf32>
      %mul3A_294 = arith.mulf %mul3A_293, %bitcast_convert_type3A_289 : vector<16xf32>
      %sub3A_295 = arith.constant 1.500000e+00 : f32
      %sub3A_296 = vector.broadcast %sub3A_295 : f32 to vector<16xf32>
      %sub3A_297 = arith.subf %sub3A_296, %mul3A_294 : vector<16xf32>
      %mul3A_298 = arith.mulf %bitcast_convert_type3A_289, %sub3A_297 : vector<16xf32>
      %mul3A_299 = arith.constant 5.000000e-01 : f32
      %mul3A_300 = vector.broadcast %mul3A_299 : f32 to vector<16xf32>
      %mul3A_301 = arith.mulf %mul3A_300, %max3A_281 : vector<16xf32>
      %mul3A_302 = arith.mulf %mul3A_301, %mul3A_298 : vector<16xf32>
      %mul3A_303 = arith.mulf %mul3A_302, %mul3A_298 : vector<16xf32>
      %sub3A_304 = arith.constant 1.500000e+00 : f32
      %sub3A_305 = vector.broadcast %sub3A_304 : f32 to vector<16xf32>
      %sub3A_306 = arith.subf %sub3A_305, %mul3A_303 : vector<16xf32>
      %mul3A_307 = arith.mulf %mul3A_298, %sub3A_306 : vector<16xf32>
      %mul3A_308 = arith.constant 5.000000e-01 : f32
      %mul3A_309 = vector.broadcast %mul3A_308 : f32 to vector<16xf32>
      %mul3A_310 = arith.mulf %mul3A_309, %max3A_281 : vector<16xf32>
      %mul3A_311 = arith.mulf %mul3A_310, %mul3A_307 : vector<16xf32>
      %mul3A_312 = arith.mulf %mul3A_311, %mul3A_307 : vector<16xf32>
      %sub3A_313 = arith.constant 1.500000e+00 : f32
      %sub3A_314 = vector.broadcast %sub3A_313 : f32 to vector<16xf32>
      %sub3A_315 = arith.subf %sub3A_314, %mul3A_312 : vector<16xf32>
      %mul3A_316 = arith.mulf %mul3A_307, %sub3A_315 : vector<16xf32>
      %get3A_317 = arith.index_cast %scan3A_6 : i32 to index
      %get3A_318 = arith.constant 80 : index
      %get3A_319 = tpu.vector_load %arg10[%get3A_317, %get3A_318] {strides = array<i32>} : memref<79x128xf32, #tpu.memory_space<vmem>>, vector<16xf32>,
      %mul3A_320 = arith.mulf %get3A_319, %mul3A_316 : vector<16xf32>
      %swap3A_321 = arith.index_cast %scan3A_6 : i32 to index
      %swap3A_322 = arith.constant 80 : index
      %swap3A_323 = tpu.vector_load %arg11[%swap3A_321, %swap3A_322] {strides = array<i32>} : memref<79x128xf32, #tpu.memory_space<vmem>>, vector<16xf32>,
      tpu.vector_store %arg11[%swap3A_321, %swap3A_322], %mul3A_320 {strides = array<i32>} : memref<79x128xf32, #tpu.memory_space<vmem>>, vector<16xf32>,
      %get3A_324 = arith.index_cast %scan3A_6 : i32 to index
      %get3A_325 = arith.constant 96 : index
      %get3A_326 = tpu.vector_load %arg8[%get3A_324, %get3A_325] {strides = array<i32>} : memref<79x128xi32, #tpu.memory_space<vmem>>, vector<16xi32>,
      %get3A_327 = arith.index_cast %scan3A_6 : i32 to index
      %get3A_328 = arith.constant 96 : index
      %get3A_329 = tpu.vector_load %arg9[%get3A_327, %get3A_328] {strides = array<i32>} : memref<79x128xi32, #tpu.memory_space<vmem>>, vector<16xi32>,
      %gather3A_330 = tpu.vector_load_idx %arg12[%get3A_326] : memref<10240xf32, #tpu.memory_space<vmem>>[vector<16xi32>], vector<16xf32>,
      %gather3A_331 = tpu.vector_load_idx %arg13[%get3A_329] : memref<10240xf32, #tpu.memory_space<vmem>>[vector<16xi32>], vector<16xf32>,
      %mul3A_332 = arith.mulf %gather3A_330, %gather3A_331 : vector<16xf32>
      %max3A_333 = arith.constant 9.99999996E-13 : f32
      %max3A_334 = vector.broadcast %max3A_333 : f32 to vector<16xf32>
      %max3A_335 = arith.maximumf %mul3A_332, %max3A_334 : vector<16xf32>
      %bitcast_convert_type3A_336 = tpu.bitcast %max3A_335 : vector<16xf32> -> vector<16xi32>
      %shift_right_arithmetic3A_337 = arith.constant 1 : i32
      %shift_right_arithmetic3A_338 = vector.broadcast %shift_right_arithmetic3A_337 : i32 to vector<16xi32>
      %shift_right_arithmetic3A_339 = arith.shrsi %bitcast_convert_type3A_336, %shift_right_arithmetic3A_338 : vector<16xi32>
      %sub3A_340 = arith.constant 1597463007 : i32
      %sub3A_341 = vector.broadcast %sub3A_340 : i32 to vector<16xi32>
      %sub3A_342 = arith.subi %sub3A_341, %shift_right_arithmetic3A_339 : vector<16xi32>
      %bitcast_convert_type3A_343 = tpu.bitcast %sub3A_342 : vector<16xi32> -> vector<16xf32>
      %mul3A_344 = arith.constant 5.000000e-01 : f32
      %mul3A_345 = vector.broadcast %mul3A_344 : f32 to vector<16xf32>
      %mul3A_346 = arith.mulf %mul3A_345, %max3A_335 : vector<16xf32>
      %mul3A_347 = arith.mulf %mul3A_346, %bitcast_convert_type3A_343 : vector<16xf32>
      %mul3A_348 = arith.mulf %mul3A_347, %bitcast_convert_type3A_343 : vector<16xf32>
      %sub3A_349 = arith.constant 1.500000e+00 : f32
      %sub3A_350 = vector.broadcast %sub3A_349 : f32 to vector<16xf32>
      %sub3A_351 = arith.subf %sub3A_350, %mul3A_348 : vector<16xf32>
      %mul3A_352 = arith.mulf %bitcast_convert_type3A_343, %sub3A_351 : vector<16xf32>
      %mul3A_353 = arith.constant 5.000000e-01 : f32
      %mul3A_354 = vector.broadcast %mul3A_353 : f32 to vector<16xf32>
      %mul3A_355 = arith.mulf %mul3A_354, %max3A_335 : vector<16xf32>
      %mul3A_356 = arith.mulf %mul3A_355, %mul3A_352 : vector<16xf32>
      %mul3A_357 = arith.mulf %mul3A_356, %mul3A_352 : vector<16xf32>
      %sub3A_358 = arith.constant 1.500000e+00 : f32
      %sub3A_359 = vector.broadcast %sub3A_358 : f32 to vector<16xf32>
      %sub3A_360 = arith.subf %sub3A_359, %mul3A_357 : vector<16xf32>
      %mul3A_361 = arith.mulf %mul3A_352, %sub3A_360 : vector<16xf32>
      %mul3A_362 = arith.constant 5.000000e-01 : f32
      %mul3A_363 = vector.broadcast %mul3A_362 : f32 to vector<16xf32>
      %mul3A_364 = arith.mulf %mul3A_363, %max3A_335 : vector<16xf32>
      %mul3A_365 = arith.mulf %mul3A_364, %mul3A_361 : vector<16xf32>
      %mul3A_366 = arith.mulf %mul3A_365, %mul3A_361 : vector<16xf32>
      %sub3A_367 = arith.constant 1.500000e+00 : f32
      %sub3A_368 = vector.broadcast %sub3A_367 : f32 to vector<16xf32>
      %sub3A_369 = arith.subf %sub3A_368, %mul3A_366 : vector<16xf32>
      %mul3A_370 = arith.mulf %mul3A_361, %sub3A_369 : vector<16xf32>
      %get3A_371 = arith.index_cast %scan3A_6 : i32 to index
      %get3A_372 = arith.constant 96 : index
      %get3A_373 = tpu.vector_load %arg10[%get3A_371, %get3A_372] {strides = array<i32>} : memref<79x128xf32, #tpu.memory_space<vmem>>, vector<16xf32>,
      %mul3A_374 = arith.mulf %get3A_373, %mul3A_370 : vector<16xf32>
      %swap3A_375 = arith.index_cast %scan3A_6 : i32 to index
      %swap3A_376 = arith.constant 96 : index
      %swap3A_377 = tpu.vector_load %arg11[%swap3A_375, %swap3A_376] {strides = array<i32>} : memref<79x128xf32, #tpu.memory_space<vmem>>, vector<16xf32>,
      tpu.vector_store %arg11[%swap3A_375, %swap3A_376], %mul3A_374 {strides = array<i32>} : memref<79x128xf32, #tpu.memory_space<vmem>>, vector<16xf32>,
      %get3A_378 = arith.index_cast %scan3A_6 : i32 to index
      %get3A_379 = arith.constant 112 : index
      %get3A_380 = tpu.vector_load %arg8[%get3A_378, %get3A_379] {strides = array<i32>} : memref<79x128xi32, #tpu.memory_space<vmem>>, vector<16xi32>,
      %get3A_381 = arith.index_cast %scan3A_6 : i32 to index
      %get3A_382 = arith.constant 112 : index
      %get3A_383 = tpu.vector_load %arg9[%get3A_381, %get3A_382] {strides = array<i32>} : memref<79x128xi32, #tpu.memory_space<vmem>>, vector<16xi32>,
      %gather3A_384 = tpu.vector_load_idx %arg12[%get3A_380] : memref<10240xf32, #tpu.memory_space<vmem>>[vector<16xi32>], vector<16xf32>,
      %gather3A_385 = tpu.vector_load_idx %arg13[%get3A_383] : memref<10240xf32, #tpu.memory_space<vmem>>[vector<16xi32>], vector<16xf32>,
      %mul3A_386 = arith.mulf %gather3A_384, %gather3A_385 : vector<16xf32>
      %max3A_387 = arith.constant 9.99999996E-13 : f32
      %max3A_388 = vector.broadcast %max3A_387 : f32 to vector<16xf32>
      %max3A_389 = arith.maximumf %mul3A_386, %max3A_388 : vector<16xf32>
      %bitcast_convert_type3A_390 = tpu.bitcast %max3A_389 : vector<16xf32> -> vector<16xi32>
      %shift_right_arithmetic3A_391 = arith.constant 1 : i32
      %shift_right_arithmetic3A_392 = vector.broadcast %shift_right_arithmetic3A_391 : i32 to vector<16xi32>
      %shift_right_arithmetic3A_393 = arith.shrsi %bitcast_convert_type3A_390, %shift_right_arithmetic3A_392 : vector<16xi32>
      %sub3A_394 = arith.constant 1597463007 : i32
      %sub3A_395 = vector.broadcast %sub3A_394 : i32 to vector<16xi32>
      %sub3A_396 = arith.subi %sub3A_395, %shift_right_arithmetic3A_393 : vector<16xi32>
      %bitcast_convert_type3A_397 = tpu.bitcast %sub3A_396 : vector<16xi32> -> vector<16xf32>
      %mul3A_398 = arith.constant 5.000000e-01 : f32
      %mul3A_399 = vector.broadcast %mul3A_398 : f32 to vector<16xf32>
      %mul3A_400 = arith.mulf %mul3A_399, %max3A_389 : vector<16xf32>
      %mul3A_401 = arith.mulf %mul3A_400, %bitcast_convert_type3A_397 : vector<16xf32>
      %mul3A_402 = arith.mulf %mul3A_401, %bitcast_convert_type3A_397 : vector<16xf32>
      %sub3A_403 = arith.constant 1.500000e+00 : f32
      %sub3A_404 = vector.broadcast %sub3A_403 : f32 to vector<16xf32>
      %sub3A_405 = arith.subf %sub3A_404, %mul3A_402 : vector<16xf32>
      %mul3A_406 = arith.mulf %bitcast_convert_type3A_397, %sub3A_405 : vector<16xf32>
      %mul3A_407 = arith.constant 5.000000e-01 : f32
      %mul3A_408 = vector.broadcast %mul3A_407 : f32 to vector<16xf32>
      %mul3A_409 = arith.mulf %mul3A_408, %max3A_389 : vector<16xf32>
      %mul3A_410 = arith.mulf %mul3A_409, %mul3A_406 : vector<16xf32>
      %mul3A_411 = arith.mulf %mul3A_410, %mul3A_406 : vector<16xf32>
      %sub3A_412 = arith.constant 1.500000e+00 : f32
      %sub3A_413 = vector.broadcast %sub3A_412 : f32 to vector<16xf32>
      %sub3A_414 = arith.subf %sub3A_413, %mul3A_411 : vector<16xf32>
      %mul3A_415 = arith.mulf %mul3A_406, %sub3A_414 : vector<16xf32>
      %mul3A_416 = arith.constant 5.000000e-01 : f32
      %mul3A_417 = vector.broadcast %mul3A_416 : f32 to vector<16xf32>
      %mul3A_418 = arith.mulf %mul3A_417, %max3A_389 : vector<16xf32>
      %mul3A_419 = arith.mulf %mul3A_418, %mul3A_415 : vector<16xf32>
      %mul3A_420 = arith.mulf %mul3A_419, %mul3A_415 : vector<16xf32>
      %sub3A_421 = arith.constant 1.500000e+00 : f32
      %sub3A_422 = vector.broadcast %sub3A_421 : f32 to vector<16xf32>
      %sub3A_423 = arith.subf %sub3A_422, %mul3A_420 : vector<16xf32>
      %mul3A_424 = arith.mulf %mul3A_415, %sub3A_423 : vector<16xf32>
      %get3A_425 = arith.index_cast %scan3A_6 : i32 to index
      %get3A_426 = arith.constant 112 : index
      %get3A_427 = tpu.vector_load %arg10[%get3A_425, %get3A_426] {strides = array<i32>} : memref<79x128xf32, #tpu.memory_space<vmem>>, vector<16xf32>,
      %mul3A_428 = arith.mulf %get3A_427, %mul3A_424 : vector<16xf32>
      %swap3A_429 = arith.index_cast %scan3A_6 : i32 to index
      %swap3A_430 = arith.constant 112 : index
      %swap3A_431 = tpu.vector_load %arg11[%swap3A_429, %swap3A_430] {strides = array<i32>} : memref<79x128xf32, #tpu.memory_space<vmem>>, vector<16xf32>,
      tpu.vector_store %arg11[%swap3A_429, %swap3A_430], %mul3A_428 {strides = array<i32>} : memref<79x128xf32, #tpu.memory_space<vmem>>, vector<16xf32>,
    }
    %scan3A_5 = arith.constant 79 : i32
    "tpu.region"() ({
      %run_scoped3A = tpu.sem_alloc : memref<!tpu.dma_semaphore, #tpu.memory_space<semaphore_mem>>
      %dma_start3A = arith.constant 0 : i32
      %dma_start3A_6 = arith.constant 0 : i32
      %dma_start3A_7 = tpu.memref_slice %arg7[%add3A, %dma_start3A, %dma_start3A_6] : memref<32x79x128xf32, #tpu.memory_space<hbm>> -> memref<1x79x128xf32, #tpu.memory_space<hbm>>
      %dma_start3A_8 = tpu.memref_squeeze %dma_start3A_7 : memref<1x79x128xf32, #tpu.memory_space<hbm>> -> memref<79x128xf32, #tpu.memory_space<hbm>>
      %dma_start3A_9 = arith.constant 0 : i32
      %dma_start3A_10 = arith.constant 0 : i32
      %dma_start3A_11 = tpu.memref_slice %arg7[%add3A, %dma_start3A_9, %dma_start3A_10] : memref<32x79x128xf32, #tpu.memory_space<hbm>> -> memref<1x79x128xf32, #tpu.memory_space<hbm>>
      %dma_start3A_12 = tpu.memref_squeeze %dma_start3A_11 : memref<1x79x128xf32, #tpu.memory_space<hbm>> -> memref<79x128xf32, #tpu.memory_space<hbm>>
      tpu.enqueue_dma source(%arg11 : memref<79x128xf32, #tpu.memory_space<vmem>>) target(%dma_start3A_12 : memref<79x128xf32, #tpu.memory_space<hbm>>) target_semaphore(%run_scoped3A : memref<!tpu.dma_semaphore, #tpu.memory_space<semaphore_mem>>)
      %dma_wait3A = arith.constant 0 : i32
      %dma_wait3A_13 = arith.constant 0 : i32
      %dma_wait3A_14 = tpu.memref_slice %arg7[%add3A, %dma_wait3A, %dma_wait3A_13] : memref<32x79x128xf32, #tpu.memory_space<hbm>> -> memref<1x79x128xf32, #tpu.memory_space<hbm>>
      %dma_wait3A_15 = tpu.memref_squeeze %dma_wait3A_14 : memref<1x79x128xf32, #tpu.memory_space<hbm>> -> memref<79x128xf32, #tpu.memory_space<hbm>>
      %dma_wait3A_16 = arith.constant 0 : i32
      %dma_wait3A_17 = arith.constant 0 : i32
      %dma_wait3A_18 = tpu.memref_slice %arg7[%add3A, %dma_wait3A_16, %dma_wait3A_17] : memref<32x79x128xf32, #tpu.memory_space<hbm>> -> memref<1x79x128xf32, #tpu.memory_space<hbm>>
      %dma_wait3A_19 = tpu.memref_squeeze %dma_wait3A_18 : memref<1x79x128xf32, #tpu.memory_space<hbm>> -> memref<79x128xf32, #tpu.memory_space<hbm>>
      tpu.wait_dma2 semaphore(%run_scoped3A : memref<!tpu.dma_semaphore, #tpu.memory_space<semaphore_mem>>) src(%arg11 : memref<79x128xf32, #tpu.memory_space<vmem>>) dst(%dma_wait3A_19 : memref<79x128xf32, #tpu.memory_space<hbm>>)
      tpu.yield
    }) : () -> ()
    return
  }
}

#map = affine_map<(d0, d1) -> (0, 0)>
#map1 = affine_map<(d0, d1) -> (0, 0, 0)>
module attributes {stable_mosaic.version = 14 : i64} {
  func.func @edge_pass(%arg0: i32, %arg1: i32, %arg2: memref<10240x128xf32, #tpu.memory_space<hbm>>, %arg3: memref<32x79x128xi32, #tpu.memory_space<hbm>>, %arg4: memref<32x79x128xi32, #tpu.memory_space<hbm>>, %arg5: memref<2x10240x128xf32, #tpu.memory_space<hbm>>, %arg6: memref<79x128xi32, #tpu.memory_space<vmem>>, %arg7: memref<79x128xi32, #tpu.memory_space<vmem>>, %arg8: memref<128x128xf32, #tpu.memory_space<vmem>>, %arg9: memref<16x128xf32, #tpu.memory_space<vmem>>, %arg10: memref<!tpu.dma_semaphore, #tpu.memory_space<semaphore_mem>>, %arg11: memref<10240x128xf32, #tpu.memory_space<vmem_shared>>) attributes {dimension_semantics = [#tpu.dimension_semantics<core_parallel>, #tpu.dimension_semantics<subcore_parallel>], iteration_bounds = array<i64: 2, 16>, scalar_prefetch = 0 : i64, scratch_operands = 6 : i64, tpu.core_type = #tpu.core_type<sc_vector_subcore>, window_params = [{transform_indices = #map}, {transform_indices = #map1}, {transform_indices = #map1}, {transform_indices = #map1}]} {
    %mul3A = arith.constant 2 : i32
    %mul3A_0 = arith.muli %arg1, %mul3A : i32
    %add3A = arith.addi %mul3A_0, %arg0 : i32
    %scan3A = arith.constant 0 : i32
    %scan3A_1 = arith.constant 0 : i32
    %scan3A_2 = arith.constant 16 : i32
    %scan3A_3 = arith.addi %scan3A_1, %scan3A_2 : i32
    %scan3A_4 = arith.constant 1 : i32
    scf.for %scan3A_23 = %scan3A_1 to %scan3A_3 step %scan3A_4  : i32 {
      %broadcast_in_dim3A = arith.constant 0.000000e+00 : f32
      %broadcast_in_dim3A_24 = vector.broadcast %broadcast_in_dim3A : f32 to vector<16xf32>
      %swap3A = arith.index_cast %scan3A_23 : i32 to index
      %swap3A_25 = arith.constant 0 : index
      %swap3A_26 = tpu.vector_load %arg9[%swap3A, %swap3A_25] {strides = array<i32>} : memref<16x128xf32, #tpu.memory_space<vmem>>, vector<16xf32>,
      tpu.vector_store %arg9[%swap3A, %swap3A_25], %broadcast_in_dim3A_24 {strides = array<i32>} : memref<16x128xf32, #tpu.memory_space<vmem>>, vector<16xf32>,
      %broadcast_in_dim3A_27 = arith.constant 0.000000e+00 : f32
      %broadcast_in_dim3A_28 = vector.broadcast %broadcast_in_dim3A_27 : f32 to vector<16xf32>
      %swap3A_29 = arith.index_cast %scan3A_23 : i32 to index
      %swap3A_30 = arith.constant 16 : index
      %swap3A_31 = tpu.vector_load %arg9[%swap3A_29, %swap3A_30] {strides = array<i32>} : memref<16x128xf32, #tpu.memory_space<vmem>>, vector<16xf32>,
      tpu.vector_store %arg9[%swap3A_29, %swap3A_30], %broadcast_in_dim3A_28 {strides = array<i32>} : memref<16x128xf32, #tpu.memory_space<vmem>>, vector<16xf32>,
      %broadcast_in_dim3A_32 = arith.constant 0.000000e+00 : f32
      %broadcast_in_dim3A_33 = vector.broadcast %broadcast_in_dim3A_32 : f32 to vector<16xf32>
      %swap3A_34 = arith.index_cast %scan3A_23 : i32 to index
      %swap3A_35 = arith.constant 32 : index
      %swap3A_36 = tpu.vector_load %arg9[%swap3A_34, %swap3A_35] {strides = array<i32>} : memref<16x128xf32, #tpu.memory_space<vmem>>, vector<16xf32>,
      tpu.vector_store %arg9[%swap3A_34, %swap3A_35], %broadcast_in_dim3A_33 {strides = array<i32>} : memref<16x128xf32, #tpu.memory_space<vmem>>, vector<16xf32>,
      %broadcast_in_dim3A_37 = arith.constant 0.000000e+00 : f32
      %broadcast_in_dim3A_38 = vector.broadcast %broadcast_in_dim3A_37 : f32 to vector<16xf32>
      %swap3A_39 = arith.index_cast %scan3A_23 : i32 to index
      %swap3A_40 = arith.constant 48 : index
      %swap3A_41 = tpu.vector_load %arg9[%swap3A_39, %swap3A_40] {strides = array<i32>} : memref<16x128xf32, #tpu.memory_space<vmem>>, vector<16xf32>,
      tpu.vector_store %arg9[%swap3A_39, %swap3A_40], %broadcast_in_dim3A_38 {strides = array<i32>} : memref<16x128xf32, #tpu.memory_space<vmem>>, vector<16xf32>,
      %broadcast_in_dim3A_42 = arith.constant 0.000000e+00 : f32
      %broadcast_in_dim3A_43 = vector.broadcast %broadcast_in_dim3A_42 : f32 to vector<16xf32>
      %swap3A_44 = arith.index_cast %scan3A_23 : i32 to index
      %swap3A_45 = arith.constant 64 : index
      %swap3A_46 = tpu.vector_load %arg9[%swap3A_44, %swap3A_45] {strides = array<i32>} : memref<16x128xf32, #tpu.memory_space<vmem>>, vector<16xf32>,
      tpu.vector_store %arg9[%swap3A_44, %swap3A_45], %broadcast_in_dim3A_43 {strides = array<i32>} : memref<16x128xf32, #tpu.memory_space<vmem>>, vector<16xf32>,
      %broadcast_in_dim3A_47 = arith.constant 0.000000e+00 : f32
      %broadcast_in_dim3A_48 = vector.broadcast %broadcast_in_dim3A_47 : f32 to vector<16xf32>
      %swap3A_49 = arith.index_cast %scan3A_23 : i32 to index
      %swap3A_50 = arith.constant 80 : index
      %swap3A_51 = tpu.vector_load %arg9[%swap3A_49, %swap3A_50] {strides = array<i32>} : memref<16x128xf32, #tpu.memory_space<vmem>>, vector<16xf32>,
      tpu.vector_store %arg9[%swap3A_49, %swap3A_50], %broadcast_in_dim3A_48 {strides = array<i32>} : memref<16x128xf32, #tpu.memory_space<vmem>>, vector<16xf32>,
      %broadcast_in_dim3A_52 = arith.constant 0.000000e+00 : f32
      %broadcast_in_dim3A_53 = vector.broadcast %broadcast_in_dim3A_52 : f32 to vector<16xf32>
      %swap3A_54 = arith.index_cast %scan3A_23 : i32 to index
      %swap3A_55 = arith.constant 96 : index
      %swap3A_56 = tpu.vector_load %arg9[%swap3A_54, %swap3A_55] {strides = array<i32>} : memref<16x128xf32, #tpu.memory_space<vmem>>, vector<16xf32>,
      tpu.vector_store %arg9[%swap3A_54, %swap3A_55], %broadcast_in_dim3A_53 {strides = array<i32>} : memref<16x128xf32, #tpu.memory_space<vmem>>, vector<16xf32>,
      %broadcast_in_dim3A_57 = arith.constant 0.000000e+00 : f32
      %broadcast_in_dim3A_58 = vector.broadcast %broadcast_in_dim3A_57 : f32 to vector<16xf32>
      %swap3A_59 = arith.index_cast %scan3A_23 : i32 to index
      %swap3A_60 = arith.constant 112 : index
      %swap3A_61 = tpu.vector_load %arg9[%swap3A_59, %swap3A_60] {strides = array<i32>} : memref<16x128xf32, #tpu.memory_space<vmem>>, vector<16xf32>,
      tpu.vector_store %arg9[%swap3A_59, %swap3A_60], %broadcast_in_dim3A_58 {strides = array<i32>} : memref<16x128xf32, #tpu.memory_space<vmem>>, vector<16xf32>,
    }
    %scan3A_5 = arith.constant 16 : i32
    %scan3A_6 = arith.constant 0 : i32
    %scan3A_7 = arith.constant 0 : i32
    %scan3A_8 = arith.constant 40 : i32
    %scan3A_9 = arith.addi %scan3A_7, %scan3A_8 : i32
    %scan3A_10 = arith.constant 1 : i32
    scf.for %scan3A_23 = %scan3A_7 to %scan3A_9 step %scan3A_10  : i32 {
      %mul3A_24 = arith.constant 640 : i32
      %mul3A_25 = arith.muli %arg1, %mul3A_24 : i32
      %mul3A_26 = arith.constant 16 : i32
      %mul3A_27 = arith.muli %scan3A_23, %mul3A_26 : i32
      %add3A_28 = arith.addi %mul3A_25, %mul3A_27 : i32
      "tpu.region"() ({
        %run_scoped3A = tpu.sem_alloc : memref<!tpu.dma_semaphore, #tpu.memory_space<semaphore_mem>>
        %dma_start3A = arith.constant 0 : i32
        %dma_start3A_29 = tpu.memref_slice %arg11[%add3A_28, %dma_start3A] : memref<10240x128xf32, #tpu.memory_space<vmem_shared>> -> memref<16x128xf32, #tpu.memory_space<vmem_shared>>
        %dma_start3A_30 = arith.constant 0 : i32
        %dma_start3A_31 = tpu.memref_slice %arg11[%add3A_28, %dma_start3A_30] : memref<10240x128xf32, #tpu.memory_space<vmem_shared>> -> memref<16x128xf32, #tpu.memory_space<vmem_shared>>
        tpu.enqueue_dma source(%arg9 : memref<16x128xf32, #tpu.memory_space<vmem>>) target(%dma_start3A_31 : memref<16x128xf32, #tpu.memory_space<vmem_shared>>) target_semaphore(%run_scoped3A : memref<!tpu.dma_semaphore, #tpu.memory_space<semaphore_mem>>)
        %dma_wait3A = arith.constant 0 : i32
        %dma_wait3A_32 = tpu.memref_slice %arg11[%add3A_28, %dma_wait3A] : memref<10240x128xf32, #tpu.memory_space<vmem_shared>> -> memref<16x128xf32, #tpu.memory_space<vmem_shared>>
        %dma_wait3A_33 = arith.constant 0 : i32
        %dma_wait3A_34 = tpu.memref_slice %arg11[%add3A_28, %dma_wait3A_33] : memref<10240x128xf32, #tpu.memory_space<vmem_shared>> -> memref<16x128xf32, #tpu.memory_space<vmem_shared>>
        tpu.wait_dma2 semaphore(%run_scoped3A : memref<!tpu.dma_semaphore, #tpu.memory_space<semaphore_mem>>) src(%arg9 : memref<16x128xf32, #tpu.memory_space<vmem>>) dst(%dma_wait3A_34 : memref<16x128xf32, #tpu.memory_space<vmem_shared>>)
        tpu.yield
      }) : () -> ()
    }
    %scan3A_11 = arith.constant 40 : i32
    "tpu.region"() ({
      %run_scoped3A = tpu.sem_alloc : memref<!tpu.dma_semaphore, #tpu.memory_space<semaphore_mem>>
      %dma_start3A = arith.constant 0 : i32
      %dma_start3A_23 = arith.constant 0 : i32
      %dma_start3A_24 = tpu.memref_slice %arg3[%add3A, %dma_start3A, %dma_start3A_23] : memref<32x79x128xi32, #tpu.memory_space<hbm>> -> memref<1x79x128xi32, #tpu.memory_space<hbm>>
      %dma_start3A_25 = tpu.memref_squeeze %dma_start3A_24 : memref<1x79x128xi32, #tpu.memory_space<hbm>> -> memref<79x128xi32, #tpu.memory_space<hbm>>
      %dma_start3A_26 = arith.constant 0 : i32
      %dma_start3A_27 = arith.constant 0 : i32
      %dma_start3A_28 = tpu.memref_slice %arg3[%add3A, %dma_start3A_26, %dma_start3A_27] : memref<32x79x128xi32, #tpu.memory_space<hbm>> -> memref<1x79x128xi32, #tpu.memory_space<hbm>>
      %dma_start3A_29 = tpu.memref_squeeze %dma_start3A_28 : memref<1x79x128xi32, #tpu.memory_space<hbm>> -> memref<79x128xi32, #tpu.memory_space<hbm>>
      tpu.enqueue_dma source(%dma_start3A_29 : memref<79x128xi32, #tpu.memory_space<hbm>>) target(%arg6 : memref<79x128xi32, #tpu.memory_space<vmem>>) target_semaphore(%run_scoped3A : memref<!tpu.dma_semaphore, #tpu.memory_space<semaphore_mem>>)
      %dma_wait3A = arith.constant 0 : i32
      %dma_wait3A_30 = arith.constant 0 : i32
      %dma_wait3A_31 = tpu.memref_slice %arg3[%add3A, %dma_wait3A, %dma_wait3A_30] : memref<32x79x128xi32, #tpu.memory_space<hbm>> -> memref<1x79x128xi32, #tpu.memory_space<hbm>>
      %dma_wait3A_32 = tpu.memref_squeeze %dma_wait3A_31 : memref<1x79x128xi32, #tpu.memory_space<hbm>> -> memref<79x128xi32, #tpu.memory_space<hbm>>
      %dma_wait3A_33 = arith.constant 0 : i32
      %dma_wait3A_34 = arith.constant 0 : i32
      %dma_wait3A_35 = tpu.memref_slice %arg3[%add3A, %dma_wait3A_33, %dma_wait3A_34] : memref<32x79x128xi32, #tpu.memory_space<hbm>> -> memref<1x79x128xi32, #tpu.memory_space<hbm>>
      %dma_wait3A_36 = tpu.memref_squeeze %dma_wait3A_35 : memref<1x79x128xi32, #tpu.memory_space<hbm>> -> memref<79x128xi32, #tpu.memory_space<hbm>>
      tpu.wait_dma2 semaphore(%run_scoped3A : memref<!tpu.dma_semaphore, #tpu.memory_space<semaphore_mem>>) src(%dma_wait3A_36 : memref<79x128xi32, #tpu.memory_space<hbm>>) dst(%arg6 : memref<79x128xi32, #tpu.memory_space<vmem>>)
      tpu.yield
    }) : () -> ()
    "tpu.region"() ({
      %run_scoped3A = tpu.sem_alloc : memref<!tpu.dma_semaphore, #tpu.memory_space<semaphore_mem>>
      %dma_start3A = arith.constant 0 : i32
      %dma_start3A_23 = arith.constant 0 : i32
      %dma_start3A_24 = tpu.memref_slice %arg4[%add3A, %dma_start3A, %dma_start3A_23] : memref<32x79x128xi32, #tpu.memory_space<hbm>> -> memref<1x79x128xi32, #tpu.memory_space<hbm>>
      %dma_start3A_25 = tpu.memref_squeeze %dma_start3A_24 : memref<1x79x128xi32, #tpu.memory_space<hbm>> -> memref<79x128xi32, #tpu.memory_space<hbm>>
      %dma_start3A_26 = arith.constant 0 : i32
      %dma_start3A_27 = arith.constant 0 : i32
      %dma_start3A_28 = tpu.memref_slice %arg4[%add3A, %dma_start3A_26, %dma_start3A_27] : memref<32x79x128xi32, #tpu.memory_space<hbm>> -> memref<1x79x128xi32, #tpu.memory_space<hbm>>
      %dma_start3A_29 = tpu.memref_squeeze %dma_start3A_28 : memref<1x79x128xi32, #tpu.memory_space<hbm>> -> memref<79x128xi32, #tpu.memory_space<hbm>>
      tpu.enqueue_dma source(%dma_start3A_29 : memref<79x128xi32, #tpu.memory_space<hbm>>) target(%arg7 : memref<79x128xi32, #tpu.memory_space<vmem>>) target_semaphore(%run_scoped3A : memref<!tpu.dma_semaphore, #tpu.memory_space<semaphore_mem>>)
      %dma_wait3A = arith.constant 0 : i32
      %dma_wait3A_30 = arith.constant 0 : i32
      %dma_wait3A_31 = tpu.memref_slice %arg4[%add3A, %dma_wait3A, %dma_wait3A_30] : memref<32x79x128xi32, #tpu.memory_space<hbm>> -> memref<1x79x128xi32, #tpu.memory_space<hbm>>
      %dma_wait3A_32 = tpu.memref_squeeze %dma_wait3A_31 : memref<1x79x128xi32, #tpu.memory_space<hbm>> -> memref<79x128xi32, #tpu.memory_space<hbm>>
      %dma_wait3A_33 = arith.constant 0 : i32
      %dma_wait3A_34 = arith.constant 0 : i32
      %dma_wait3A_35 = tpu.memref_slice %arg4[%add3A, %dma_wait3A_33, %dma_wait3A_34] : memref<32x79x128xi32, #tpu.memory_space<hbm>> -> memref<1x79x128xi32, #tpu.memory_space<hbm>>
      %dma_wait3A_36 = tpu.memref_squeeze %dma_wait3A_35 : memref<1x79x128xi32, #tpu.memory_space<hbm>> -> memref<79x128xi32, #tpu.memory_space<hbm>>
      tpu.wait_dma2 semaphore(%run_scoped3A : memref<!tpu.dma_semaphore, #tpu.memory_space<semaphore_mem>>) src(%dma_wait3A_36 : memref<79x128xi32, #tpu.memory_space<hbm>>) dst(%arg7 : memref<79x128xi32, #tpu.memory_space<vmem>>)
      tpu.yield
    }) : () -> ()
    %barrier3A = arith.constant 0 : index
    tpu.barrier barrier_id(%barrier3A)
    %scan3A_12 = arith.constant 0 : i32
    %scan3A_13 = arith.constant 0 : i32
    %scan3A_14 = arith.constant 79 : i32
    %scan3A_15 = arith.addi %scan3A_13, %scan3A_14 : i32
    %scan3A_16 = arith.constant 1 : i32
    scf.for %scan3A_23 = %scan3A_13 to %scan3A_15 step %scan3A_16  : i32 {
      %dma_start3A = arith.constant 0 : i32
      %dma_start3A_24 = tpu.memref_slice %arg6[%scan3A_23, %dma_start3A] : memref<79x128xi32, #tpu.memory_space<vmem>> -> memref<1x128xi32, #tpu.memory_space<vmem>>
      %dma_start3A_25 = tpu.memref_squeeze %dma_start3A_24 : memref<1x128xi32, #tpu.memory_space<vmem>> -> memref<128xi32, #tpu.memory_space<vmem>>
      %dma_start3A_26 = arith.constant 0 : i32
      %dma_start3A_27 = arith.constant 0 : i32
      %dma_start3A_28 = tpu.memref_slice %arg2[%dma_start3A_26, %dma_start3A_27] : memref<10240x128xf32, #tpu.memory_space<hbm>> -> memref<10240x128xf32, #tpu.memory_space<hbm>>
      tpu.enqueue_indirect_dma source(%dma_start3A_28 : memref<10240x128xf32, #tpu.memory_space<hbm>>) target(%arg8 : memref<128x128xf32, #tpu.memory_space<vmem>>) offsets(%dma_start3A_25 : memref<128xi32, #tpu.memory_space<vmem>>) semaphore(%arg10 : memref<!tpu.dma_semaphore, #tpu.memory_space<semaphore_mem>>)
      %dma_wait3A = arith.constant 0 : i32
      %dma_wait3A_29 = tpu.memref_slice %arg6[%scan3A_23, %dma_wait3A] : memref<79x128xi32, #tpu.memory_space<vmem>> -> memref<1x128xi32, #tpu.memory_space<vmem>>
      %dma_wait3A_30 = tpu.memref_squeeze %dma_wait3A_29 : memref<1x128xi32, #tpu.memory_space<vmem>> -> memref<128xi32, #tpu.memory_space<vmem>>
      %dma_wait3A_31 = arith.constant 0 : i32
      %dma_wait3A_32 = arith.constant 0 : i32
      %dma_wait3A_33 = tpu.memref_slice %arg2[%dma_wait3A_31, %dma_wait3A_32] : memref<10240x128xf32, #tpu.memory_space<hbm>> -> memref<10240x128xf32, #tpu.memory_space<hbm>>
      tpu.wait_indirect_dma semaphore(%arg10 : memref<!tpu.dma_semaphore, #tpu.memory_space<semaphore_mem>>) src(%dma_wait3A_33 : memref<10240x128xf32, #tpu.memory_space<hbm>>) dst(%arg8 : memref<128x128xf32, #tpu.memory_space<vmem>>)
      "tpu.region"() ({
        %run_scoped3A = tpu.sem_alloc : memref<!tpu.dma_semaphore, #tpu.memory_space<semaphore_mem>>
        %dma_start3A_34 = arith.constant 0 : i32
        %dma_start3A_35 = tpu.memref_slice %arg7[%scan3A_23, %dma_start3A_34] : memref<79x128xi32, #tpu.memory_space<vmem>> -> memref<1x128xi32, #tpu.memory_space<vmem>>
        %dma_start3A_36 = tpu.memref_squeeze %dma_start3A_35 : memref<1x128xi32, #tpu.memory_space<vmem>> -> memref<128xi32, #tpu.memory_space<vmem>>
        %dma_start3A_37 = arith.constant 0 : i32
        %dma_start3A_38 = arith.constant 0 : i32
        %dma_start3A_39 = tpu.memref_slice %arg11[%dma_start3A_37, %dma_start3A_38] : memref<10240x128xf32, #tpu.memory_space<vmem_shared>> -> memref<10240x128xf32, #tpu.memory_space<vmem_shared>>
        tpu.enqueue_indirect_dma source(%arg8 : memref<128x128xf32, #tpu.memory_space<vmem>>) target(%dma_start3A_39 : memref<10240x128xf32, #tpu.memory_space<vmem_shared>>) offsets(%dma_start3A_36 : memref<128xi32, #tpu.memory_space<vmem>>) semaphore(%run_scoped3A : memref<!tpu.dma_semaphore, #tpu.memory_space<semaphore_mem>>) {add = true}
        %dma_wait3A_40 = arith.constant 0 : i32
        %dma_wait3A_41 = tpu.memref_slice %arg7[%scan3A_23, %dma_wait3A_40] : memref<79x128xi32, #tpu.memory_space<vmem>> -> memref<1x128xi32, #tpu.memory_space<vmem>>
        %dma_wait3A_42 = tpu.memref_squeeze %dma_wait3A_41 : memref<1x128xi32, #tpu.memory_space<vmem>> -> memref<128xi32, #tpu.memory_space<vmem>>
        %dma_wait3A_43 = arith.constant 0 : i32
        %dma_wait3A_44 = arith.constant 0 : i32
        %dma_wait3A_45 = tpu.memref_slice %arg11[%dma_wait3A_43, %dma_wait3A_44] : memref<10240x128xf32, #tpu.memory_space<vmem_shared>> -> memref<10240x128xf32, #tpu.memory_space<vmem_shared>>
        tpu.wait_indirect_dma semaphore(%run_scoped3A : memref<!tpu.dma_semaphore, #tpu.memory_space<semaphore_mem>>) src(%arg8 : memref<128x128xf32, #tpu.memory_space<vmem>>) dst(%dma_wait3A_45 : memref<10240x128xf32, #tpu.memory_space<vmem_shared>>)
        tpu.yield
      }) : () -> ()
    }
    %scan3A_17 = arith.constant 79 : i32
    %barrier3A_18 = arith.constant 0 : index
    tpu.barrier barrier_id(%barrier3A_18)
    %mul3A_19 = arith.constant 640 : i32
    %mul3A_20 = arith.muli %arg1, %mul3A_19 : i32
    %mul3A_21 = arith.constant 640 : i32
    %mul3A_22 = arith.muli %arg1, %mul3A_21 : i32
    "tpu.region"() ({
      %run_scoped3A = tpu.sem_alloc : memref<!tpu.dma_semaphore, #tpu.memory_space<semaphore_mem>>
      %dma_start3A = arith.constant 0 : i32
      %dma_start3A_23 = tpu.memref_slice %arg5[%arg0, %mul3A_22, %dma_start3A] : memref<2x10240x128xf32, #tpu.memory_space<hbm>> -> memref<1x640x128xf32, #tpu.memory_space<hbm>>
      %dma_start3A_24 = tpu.memref_squeeze %dma_start3A_23 : memref<1x640x128xf32, #tpu.memory_space<hbm>> -> memref<640x128xf32, #tpu.memory_space<hbm>>
      %dma_start3A_25 = arith.constant 0 : i32
      %dma_start3A_26 = tpu.memref_slice %arg11[%mul3A_20, %dma_start3A_25] : memref<10240x128xf32, #tpu.memory_space<vmem_shared>> -> memref<640x128xf32, #tpu.memory_space<vmem_shared>>
      tpu.enqueue_dma source(%dma_start3A_26 : memref<640x128xf32, #tpu.memory_space<vmem_shared>>) target(%dma_start3A_24 : memref<640x128xf32, #tpu.memory_space<hbm>>) target_semaphore(%run_scoped3A : memref<!tpu.dma_semaphore, #tpu.memory_space<semaphore_mem>>)
      %dma_wait3A = arith.constant 0 : i32
      %dma_wait3A_27 = tpu.memref_slice %arg5[%arg0, %mul3A_22, %dma_wait3A] : memref<2x10240x128xf32, #tpu.memory_space<hbm>> -> memref<1x640x128xf32, #tpu.memory_space<hbm>>
      %dma_wait3A_28 = tpu.memref_squeeze %dma_wait3A_27 : memref<1x640x128xf32, #tpu.memory_space<hbm>> -> memref<640x128xf32, #tpu.memory_space<hbm>>
      %dma_wait3A_29 = arith.constant 0 : i32
      %dma_wait3A_30 = tpu.memref_slice %arg11[%mul3A_20, %dma_wait3A_29] : memref<10240x128xf32, #tpu.memory_space<vmem_shared>> -> memref<640x128xf32, #tpu.memory_space<vmem_shared>>
      tpu.wait_dma2 semaphore(%run_scoped3A : memref<!tpu.dma_semaphore, #tpu.memory_space<semaphore_mem>>) src(%dma_wait3A_30 : memref<640x128xf32, #tpu.memory_space<vmem_shared>>) dst(%dma_wait3A_28 : memref<640x128xf32, #tpu.memory_space<hbm>>)
      tpu.yield
    }) : () -> ()
    return
  }
}

module attributes {stable_mosaic.version = 14 : i64} {
  func.func @body(%arg0: memref<2x4x10240xf32, #tpu.memory_space<vmem>>, %arg1: memref<4x10240xf32, #tpu.memory_space<vmem>>) attributes {dimension_semantics = [], scalar_prefetch = 0 : i64, scratch_operands = 0 : i64, tpu.core_type = #tpu.core_type<tc>} {
    %get3A = arith.constant 0 : index
    %get3A_0 = arith.constant 0 : index
    %get3A_1 = arith.constant 0 : index
    %get3A_2 = vector.load %arg0[%get3A, %get3A_0, %get3A_1] : memref<2x4x10240xf32, #tpu.memory_space<vmem>>, vector<1x4x10240xf32>
    %get3A_3 = vector.shape_cast %get3A_2 : vector<1x4x10240xf32> to vector<4x10240xf32>
    %get3A_4 = arith.constant 1 : index
    %get3A_5 = arith.constant 0 : index
    %get3A_6 = arith.constant 0 : index
    %get3A_7 = vector.load %arg0[%get3A_4, %get3A_5, %get3A_6] : memref<2x4x10240xf32, #tpu.memory_space<vmem>>, vector<1x4x10240xf32>
    %get3A_8 = vector.shape_cast %get3A_7 : vector<1x4x10240xf32> to vector<4x10240xf32>
    %add3A = arith.addf %get3A_3, %get3A_8 : vector<4x10240xf32>
    %slice3A = vector.extract_strided_slice %add3A {offsets = [0, 0], sizes = [2, 10240], strides = [1, 1]} : vector<4x10240xf32> to vector<2x10240xf32>
    %swap3A = arith.constant 0 : index
    %swap3A_9 = arith.constant 0 : index
    %swap3A_10 = vector.load %arg1[%swap3A, %swap3A_9] : memref<4x10240xf32, #tpu.memory_space<vmem>>, vector<2x10240xf32>
    tpu.vector_store %arg1[%swap3A, %swap3A_9], %slice3A {strides = array<i32>} : memref<4x10240xf32, #tpu.memory_space<vmem>>, vector<2x10240xf32>,
    %slice3A_11 = vector.extract_strided_slice %add3A {offsets = [2, 0], sizes = [1, 10240], strides = [1, 1]} : vector<4x10240xf32> to vector<1x10240xf32>
    %max3A = arith.constant 1.000000e+00 : f32
    %max3A_12 = vector.broadcast %max3A : f32 to vector<1x10240xf32>
    %max3A_13 = arith.maximumf %slice3A_11, %max3A_12 : vector<1x10240xf32>
    %rsqrt3A = math.rsqrt %max3A_13 : vector<1x10240xf32>
    %swap3A_14 = arith.constant 2 : index
    %swap3A_15 = arith.constant 0 : index
    %swap3A_16 = vector.load %arg1[%swap3A_14, %swap3A_15] : memref<4x10240xf32, #tpu.memory_space<vmem>>, vector<1x10240xf32>
    tpu.vector_store %arg1[%swap3A_14, %swap3A_15], %rsqrt3A {strides = array<i32>} : memref<4x10240xf32, #tpu.memory_space<vmem>>, vector<1x10240xf32>,
    %slice3A_17 = vector.extract_strided_slice %add3A {offsets = [3, 0], sizes = [1, 10240], strides = [1, 1]} : vector<4x10240xf32> to vector<1x10240xf32>
    %max3A_18 = arith.constant 1.000000e+00 : f32
    %max3A_19 = vector.broadcast %max3A_18 : f32 to vector<1x10240xf32>
    %max3A_20 = arith.maximumf %slice3A_17, %max3A_19 : vector<1x10240xf32>
    %rsqrt3A_21 = math.rsqrt %max3A_20 : vector<1x10240xf32>
    %swap3A_22 = arith.constant 3 : index
    %swap3A_23 = arith.constant 0 : index
    %swap3A_24 = vector.load %arg1[%swap3A_22, %swap3A_23] : memref<4x10240xf32, #tpu.memory_space<vmem>>, vector<1x10240xf32>
    tpu.vector_store %arg1[%swap3A_22, %swap3A_23], %rsqrt3A_21 {strides = array<i32>} : memref<4x10240xf32, #tpu.memory_space<vmem>>, vector<1x10240xf32>,
    return
  }
}

module attributes {stable_mosaic.version = 14 : i64} {
  func.func @body(%arg0: i32, %arg1: memref<256x128xf32, #tpu.memory_space<vmem>>, %arg2: memref<256x128xf32, #tpu.memory_space<vmem>>, %arg3: memref<128x128xf32, #tpu.memory_space<vmem>>, %arg4: memref<256x128xf32, #tpu.memory_space<vmem>>) attributes {dimension_semantics = [#tpu.dimension_semantics<arbitrary>], iteration_bounds = array<i64: 40>, scalar_prefetch = 0 : i64, scratch_operands = 0 : i64, tpu.core_type = #tpu.core_type<tc>, window_params = [{transform_indices = @transform_0, window_bounds = array<i64: 256, 128>}, {transform_indices = @transform_1, window_bounds = array<i64: 256, 128>}, {pipeline_mode = #tpu.pipeline_mode<synchronous>, transform_indices = @transform_2, window_bounds = array<i64: 128, 128>}, {transform_indices = @transform_3, window_bounds = array<i64: 256, 128>}]} {
    %get3A = arith.constant 0 : index
    %get3A_0 = arith.constant 0 : index
    %get3A_1 = vector.load %arg1[%get3A, %get3A_0] : memref<256x128xf32, #tpu.memory_space<vmem>>, vector<256x128xf32>
    %get3A_2 = arith.constant 0 : index
    %get3A_3 = arith.constant 0 : index
    %get3A_4 = vector.load %arg2[%get3A_2, %get3A_3] : memref<256x128xf32, #tpu.memory_space<vmem>>, vector<256x128xf32>
    %mul3A = arith.mulf %get3A_1, %get3A_4 : vector<256x128xf32>
    %get3A_5 = arith.constant 0 : index
    %get3A_6 = arith.constant 0 : index
    %get3A_7 = vector.load %arg3[%get3A_5, %get3A_6] : memref<128x128xf32, #tpu.memory_space<vmem>>, vector<128x128xf32>
    %dot_general3A = arith.constant dense<0.000000e+00> : vector<256x128xf32>
    %dot_general3A_8 = tpu.matmul %mul3A, %get3A_7, %dot_general3A {dimension_numbers = #tpu.dot_dimension_numbers<[1], [0], [0], [1], [0, 0, 1, 1], [], []>, transpose_lhs_hint = false} : vector<256x128xf32>, vector<128x128xf32>, vector<256x128xf32> -> vector<256x128xf32>
    %swap3A = arith.constant 0 : index
    %swap3A_9 = arith.constant 0 : index
    %swap3A_10 = vector.load %arg4[%swap3A, %swap3A_9] : memref<256x128xf32, #tpu.memory_space<vmem>>, vector<256x128xf32>
    tpu.vector_store %arg4[%swap3A, %swap3A_9], %dot_general3A_8 {strides = array<i32>} : memref<256x128xf32, #tpu.memory_space<vmem>>, vector<256x128xf32>,
    return
  }
  func.func @transform_0(%arg0: i32) -> (i32, i32) {
    %c0_i32 = arith.constant 0 : i32
    %c0_i32_0 = arith.constant 0 : i32
    return %arg0, %c0_i32 : i32, i32
  }
  func.func @transform_1(%arg0: i32) -> (i32, i32) {
    %c0_i32 = arith.constant 0 : i32
    %c0_i32_0 = arith.constant 0 : i32
    return %arg0, %c0_i32 : i32, i32
  }
  func.func @transform_2(%arg0: i32) -> (i32, i32) {
    %c0_i32 = arith.constant 0 : i32
    %c0_i32_0 = arith.constant 0 : i32
    %c0_i32_1 = arith.constant 0 : i32
    return %c0_i32, %c0_i32_0 : i32, i32
  }
  func.func @transform_3(%arg0: i32) -> (i32, i32) {
    %c0_i32 = arith.constant 0 : i32
    %c0_i32_0 = arith.constant 0 : i32
    return %arg0, %c0_i32 : i32, i32
  }
}

module attributes {stable_mosaic.version = 14 : i64} {
  func.func @body(%arg0: i32, %arg1: memref<256x128xf32, #tpu.memory_space<vmem>>, %arg2: memref<256x128xf32, #tpu.memory_space<vmem>>, %arg3: memref<1x128xf32, #tpu.memory_space<vmem>>, %arg4: memref<256x1xf32, #tpu.memory_space<vmem>>, %arg5: memref<128x128xf32, #tpu.memory_space<vmem>>, %arg6: memref<256x128xf32, #tpu.memory_space<vmem>>) attributes {dimension_semantics = [#tpu.dimension_semantics<arbitrary>], iteration_bounds = array<i64: 40>, scalar_prefetch = 0 : i64, scratch_operands = 0 : i64, tpu.core_type = #tpu.core_type<tc>, window_params = [{transform_indices = @transform_0, window_bounds = array<i64: 256, 128>}, {transform_indices = @transform_1, window_bounds = array<i64: 256, 128>}, {pipeline_mode = #tpu.pipeline_mode<synchronous>, transform_indices = @transform_2, window_bounds = array<i64: 1, 128>}, {transform_indices = @transform_3, window_bounds = array<i64: 256, 1>}, {pipeline_mode = #tpu.pipeline_mode<synchronous>, transform_indices = @transform_4, window_bounds = array<i64: 128, 128>}, {transform_indices = @transform_5, window_bounds = array<i64: 256, 128>}]} {
    %get3A = arith.constant 0 : index
    %get3A_0 = arith.constant 0 : index
    %get3A_1 = vector.load %arg1[%get3A, %get3A_0] : memref<256x128xf32, #tpu.memory_space<vmem>>, vector<256x128xf32>
    %get3A_2 = arith.constant 0 : index
    %get3A_3 = arith.constant 0 : index
    %get3A_4 = vector.load %arg2[%get3A_2, %get3A_3] : memref<256x128xf32, #tpu.memory_space<vmem>>, vector<256x128xf32>
    %add3A = arith.addf %get3A_1, %get3A_4 : vector<256x128xf32>
    %get3A_5 = arith.constant 0 : index
    %get3A_6 = arith.constant 0 : index
    %get3A_7 = vector.load %arg3[%get3A_5, %get3A_6] : memref<1x128xf32, #tpu.memory_space<vmem>>, vector<1x128xf32>
    %add3A_8 = vector.broadcast %get3A_7 : vector<1x128xf32> to vector<256x128xf32>
    %add3A_9 = arith.addf %add3A, %add3A_8 : vector<256x128xf32>
    %max3A = arith.constant 0.000000e+00 : f32
    %max3A_10 = vector.broadcast %max3A : f32 to vector<256x128xf32>
    %max3A_11 = arith.maximumf %add3A_9, %max3A_10 : vector<256x128xf32>
    %get3A_12 = arith.constant 0 : index
    %get3A_13 = arith.constant 0 : index
    %get3A_14 = vector.load %arg4[%get3A_12, %get3A_13] : memref<256x1xf32, #tpu.memory_space<vmem>>, vector<256x1xf32>
    %mul3A = vector.broadcast %get3A_14 : vector<256x1xf32> to vector<256x128xf32>
    %mul3A_15 = arith.mulf %max3A_11, %mul3A : vector<256x128xf32>
    %get3A_16 = arith.constant 0 : index
    %get3A_17 = arith.constant 0 : index
    %get3A_18 = vector.load %arg5[%get3A_16, %get3A_17] : memref<128x128xf32, #tpu.memory_space<vmem>>, vector<128x128xf32>
    %dot_general3A = arith.constant dense<0.000000e+00> : vector<256x128xf32>
    %dot_general3A_19 = tpu.matmul %mul3A_15, %get3A_18, %dot_general3A {dimension_numbers = #tpu.dot_dimension_numbers<[1], [0], [0], [1], [0, 0, 1, 1], [], []>, transpose_lhs_hint = false} : vector<256x128xf32>, vector<128x128xf32>, vector<256x128xf32> -> vector<256x128xf32>
    %swap3A = arith.constant 0 : index
    %swap3A_20 = arith.constant 0 : index
    %swap3A_21 = vector.load %arg6[%swap3A, %swap3A_20] : memref<256x128xf32, #tpu.memory_space<vmem>>, vector<256x128xf32>
    tpu.vector_store %arg6[%swap3A, %swap3A_20], %dot_general3A_19 {strides = array<i32>} : memref<256x128xf32, #tpu.memory_space<vmem>>, vector<256x128xf32>,
    return
  }
  func.func @transform_0(%arg0: i32) -> (i32, i32) {
    %c0_i32 = arith.constant 0 : i32
    %c0_i32_0 = arith.constant 0 : i32
    return %arg0, %c0_i32 : i32, i32
  }
  func.func @transform_1(%arg0: i32) -> (i32, i32) {
    %c0_i32 = arith.constant 0 : i32
    %c0_i32_0 = arith.constant 0 : i32
    return %arg0, %c0_i32 : i32, i32
  }
  func.func @transform_2(%arg0: i32) -> (i32, i32) {
    %c0_i32 = arith.constant 0 : i32
    %c0_i32_0 = arith.constant 0 : i32
    %c0_i32_1 = arith.constant 0 : i32
    return %c0_i32, %c0_i32_0 : i32, i32
  }
  func.func @transform_3(%arg0: i32) -> (i32, i32) {
    %c0_i32 = arith.constant 0 : i32
    %c0_i32_0 = arith.constant 0 : i32
    return %arg0, %c0_i32 : i32, i32
  }
  func.func @transform_4(%arg0: i32) -> (i32, i32) {
    %c0_i32 = arith.constant 0 : i32
    %c0_i32_0 = arith.constant 0 : i32
    %c0_i32_1 = arith.constant 0 : i32
    return %c0_i32, %c0_i32_0 : i32, i32
  }
  func.func @transform_5(%arg0: i32) -> (i32, i32) {
    %c0_i32 = arith.constant 0 : i32
    %c0_i32_0 = arith.constant 0 : i32
    return %arg0, %c0_i32 : i32, i32
  }
}

module attributes {stable_mosaic.version = 14 : i64} {
  func.func @body(%arg0: i32, %arg1: memref<256x128xf32, #tpu.memory_space<vmem>>, %arg2: memref<256x128xf32, #tpu.memory_space<vmem>>, %arg3: memref<256x1xf32, #tpu.memory_space<vmem>>, %arg4: memref<1x128xf32, #tpu.memory_space<vmem>>, %arg5: memref<256x1xf32, #tpu.memory_space<vmem>>, %arg6: memref<128x128xf32, #tpu.memory_space<vmem>>, %arg7: memref<256x128xf32, #tpu.memory_space<vmem>>) attributes {dimension_semantics = [#tpu.dimension_semantics<arbitrary>], iteration_bounds = array<i64: 40>, scalar_prefetch = 0 : i64, scratch_operands = 0 : i64, tpu.core_type = #tpu.core_type<tc>, window_params = [{transform_indices = @transform_0, window_bounds = array<i64: 256, 128>}, {transform_indices = @transform_1, window_bounds = array<i64: 256, 128>}, {transform_indices = @transform_2, window_bounds = array<i64: 256, 1>}, {pipeline_mode = #tpu.pipeline_mode<synchronous>, transform_indices = @transform_3, window_bounds = array<i64: 1, 128>}, {transform_indices = @transform_4, window_bounds = array<i64: 256, 1>}, {pipeline_mode = #tpu.pipeline_mode<synchronous>, transform_indices = @transform_5, window_bounds = array<i64: 128, 128>}, {transform_indices = @transform_6, window_bounds = array<i64: 256, 128>}]} {
    %get3A = arith.constant 0 : index
    %get3A_0 = arith.constant 0 : index
    %get3A_1 = vector.load %arg1[%get3A, %get3A_0] : memref<256x128xf32, #tpu.memory_space<vmem>>, vector<256x128xf32>
    %get3A_2 = arith.constant 0 : index
    %get3A_3 = arith.constant 0 : index
    %get3A_4 = vector.load %arg2[%get3A_2, %get3A_3] : memref<256x128xf32, #tpu.memory_space<vmem>>, vector<256x128xf32>
    %add3A = arith.addf %get3A_1, %get3A_4 : vector<256x128xf32>
    %get3A_5 = arith.constant 0 : index
    %get3A_6 = arith.constant 0 : index
    %get3A_7 = vector.load %arg3[%get3A_5, %get3A_6] : memref<256x1xf32, #tpu.memory_space<vmem>>, vector<256x1xf32>
    %mul3A = vector.broadcast %get3A_7 : vector<256x1xf32> to vector<256x128xf32>
    %mul3A_8 = arith.mulf %add3A, %mul3A : vector<256x128xf32>
    %get3A_9 = arith.constant 0 : index
    %get3A_10 = arith.constant 0 : index
    %get3A_11 = vector.load %arg4[%get3A_9, %get3A_10] : memref<1x128xf32, #tpu.memory_space<vmem>>, vector<1x128xf32>
    %add3A_12 = vector.broadcast %get3A_11 : vector<1x128xf32> to vector<256x128xf32>
    %add3A_13 = arith.addf %mul3A_8, %add3A_12 : vector<256x128xf32>
    %max3A = arith.constant 0.000000e+00 : f32
    %max3A_14 = vector.broadcast %max3A : f32 to vector<256x128xf32>
    %max3A_15 = arith.maximumf %add3A_13, %max3A_14 : vector<256x128xf32>
    %get3A_16 = arith.constant 0 : index
    %get3A_17 = arith.constant 0 : index
    %get3A_18 = vector.load %arg5[%get3A_16, %get3A_17] : memref<256x1xf32, #tpu.memory_space<vmem>>, vector<256x1xf32>
    %mul3A_19 = vector.broadcast %get3A_18 : vector<256x1xf32> to vector<256x128xf32>
    %mul3A_20 = arith.mulf %max3A_15, %mul3A_19 : vector<256x128xf32>
    %get3A_21 = arith.constant 0 : index
    %get3A_22 = arith.constant 0 : index
    %get3A_23 = vector.load %arg6[%get3A_21, %get3A_22] : memref<128x128xf32, #tpu.memory_space<vmem>>, vector<128x128xf32>
    %dot_general3A = arith.constant dense<0.000000e+00> : vector<256x128xf32>
    %dot_general3A_24 = tpu.matmul %mul3A_20, %get3A_23, %dot_general3A {dimension_numbers = #tpu.dot_dimension_numbers<[1], [0], [0], [1], [0, 0, 1, 1], [], []>, transpose_lhs_hint = false} : vector<256x128xf32>, vector<128x128xf32>, vector<256x128xf32> -> vector<256x128xf32>
    %swap3A = arith.constant 0 : index
    %swap3A_25 = arith.constant 0 : index
    %swap3A_26 = vector.load %arg7[%swap3A, %swap3A_25] : memref<256x128xf32, #tpu.memory_space<vmem>>, vector<256x128xf32>
    tpu.vector_store %arg7[%swap3A, %swap3A_25], %dot_general3A_24 {strides = array<i32>} : memref<256x128xf32, #tpu.memory_space<vmem>>, vector<256x128xf32>,
    return
  }
  func.func @transform_0(%arg0: i32) -> (i32, i32) {
    %c0_i32 = arith.constant 0 : i32
    %c0_i32_0 = arith.constant 0 : i32
    return %arg0, %c0_i32 : i32, i32
  }
  func.func @transform_1(%arg0: i32) -> (i32, i32) {
    %c0_i32 = arith.constant 0 : i32
    %c0_i32_0 = arith.constant 0 : i32
    return %arg0, %c0_i32 : i32, i32
  }
  func.func @transform_2(%arg0: i32) -> (i32, i32) {
    %c0_i32 = arith.constant 0 : i32
    %c0_i32_0 = arith.constant 0 : i32
    return %arg0, %c0_i32 : i32, i32
  }
  func.func @transform_3(%arg0: i32) -> (i32, i32) {
    %c0_i32 = arith.constant 0 : i32
    %c0_i32_0 = arith.constant 0 : i32
    %c0_i32_1 = arith.constant 0 : i32
    return %c0_i32, %c0_i32_0 : i32, i32
  }
  func.func @transform_4(%arg0: i32) -> (i32, i32) {
    %c0_i32 = arith.constant 0 : i32
    %c0_i32_0 = arith.constant 0 : i32
    return %arg0, %c0_i32 : i32, i32
  }
  func.func @transform_5(%arg0: i32) -> (i32, i32) {
    %c0_i32 = arith.constant 0 : i32
    %c0_i32_0 = arith.constant 0 : i32
    %c0_i32_1 = arith.constant 0 : i32
    return %c0_i32, %c0_i32_0 : i32, i32
  }
  func.func @transform_6(%arg0: i32) -> (i32, i32) {
    %c0_i32 = arith.constant 0 : i32
    %c0_i32_0 = arith.constant 0 : i32
    return %arg0, %c0_i32 : i32, i32
  }
}

module attributes {stable_mosaic.version = 14 : i64} {
  func.func @body(%arg0: i32, %arg1: memref<256x128xf32, #tpu.memory_space<vmem>>, %arg2: memref<256x128xf32, #tpu.memory_space<vmem>>, %arg3: memref<256x1xf32, #tpu.memory_space<vmem>>, %arg4: memref<1x128xf32, #tpu.memory_space<vmem>>, %arg5: memref<256x128xf32, #tpu.memory_space<vmem>>) attributes {dimension_semantics = [#tpu.dimension_semantics<arbitrary>], iteration_bounds = array<i64: 40>, scalar_prefetch = 0 : i64, scratch_operands = 0 : i64, tpu.core_type = #tpu.core_type<tc>, window_params = [{transform_indices = @transform_0, window_bounds = array<i64: 256, 128>}, {transform_indices = @transform_1, window_bounds = array<i64: 256, 128>}, {transform_indices = @transform_2, window_bounds = array<i64: 256, 1>}, {pipeline_mode = #tpu.pipeline_mode<synchronous>, transform_indices = @transform_3, window_bounds = array<i64: 1, 128>}, {transform_indices = @transform_4, window_bounds = array<i64: 256, 128>}]} {
    %get3A = arith.constant 0 : index
    %get3A_0 = arith.constant 0 : index
    %get3A_1 = vector.load %arg1[%get3A, %get3A_0] : memref<256x128xf32, #tpu.memory_space<vmem>>, vector<256x128xf32>
    %get3A_2 = arith.constant 0 : index
    %get3A_3 = arith.constant 0 : index
    %get3A_4 = vector.load %arg2[%get3A_2, %get3A_3] : memref<256x128xf32, #tpu.memory_space<vmem>>, vector<256x128xf32>
    %add3A = arith.addf %get3A_1, %get3A_4 : vector<256x128xf32>
    %get3A_5 = arith.constant 0 : index
    %get3A_6 = arith.constant 0 : index
    %get3A_7 = vector.load %arg3[%get3A_5, %get3A_6] : memref<256x1xf32, #tpu.memory_space<vmem>>, vector<256x1xf32>
    %mul3A = vector.broadcast %get3A_7 : vector<256x1xf32> to vector<256x128xf32>
    %mul3A_8 = arith.mulf %add3A, %mul3A : vector<256x128xf32>
    %get3A_9 = arith.constant 0 : index
    %get3A_10 = arith.constant 0 : index
    %get3A_11 = vector.load %arg4[%get3A_9, %get3A_10] : memref<1x128xf32, #tpu.memory_space<vmem>>, vector<1x128xf32>
    %add3A_12 = vector.broadcast %get3A_11 : vector<1x128xf32> to vector<256x128xf32>
    %add3A_13 = arith.addf %mul3A_8, %add3A_12 : vector<256x128xf32>
    %logistic3A = arith.negf %add3A_13 : vector<256x128xf32>
    %logistic3A_14 = math.exp %logistic3A : vector<256x128xf32>
    %logistic3A_15 = arith.constant 1.000000e+00 : f32
    %logistic3A_16 = vector.broadcast %logistic3A_15 : f32 to vector<256x128xf32>
    %logistic3A_17 = arith.addf %logistic3A_16, %logistic3A_14 : vector<256x128xf32>
    %logistic3A_18 = arith.divf %logistic3A_16, %logistic3A_17 : vector<256x128xf32>
    %swap3A = arith.constant 0 : index
    %swap3A_19 = arith.constant 0 : index
    %swap3A_20 = vector.load %arg5[%swap3A, %swap3A_19] : memref<256x128xf32, #tpu.memory_space<vmem>>, vector<256x128xf32>
    tpu.vector_store %arg5[%swap3A, %swap3A_19], %logistic3A_18 {strides = array<i32>} : memref<256x128xf32, #tpu.memory_space<vmem>>, vector<256x128xf32>,
    return
  }
  func.func @transform_0(%arg0: i32) -> (i32, i32) {
    %c0_i32 = arith.constant 0 : i32
    %c0_i32_0 = arith.constant 0 : i32
    return %arg0, %c0_i32 : i32, i32
  }
  func.func @transform_1(%arg0: i32) -> (i32, i32) {
    %c0_i32 = arith.constant 0 : i32
    %c0_i32_0 = arith.constant 0 : i32
    return %arg0, %c0_i32 : i32, i32
  }
  func.func @transform_2(%arg0: i32) -> (i32, i32) {
    %c0_i32 = arith.constant 0 : i32
    %c0_i32_0 = arith.constant 0 : i32
    return %arg0, %c0_i32 : i32, i32
  }
  func.func @transform_3(%arg0: i32) -> (i32, i32) {
    %c0_i32 = arith.constant 0 : i32
    %c0_i32_0 = arith.constant 0 : i32
    %c0_i32_1 = arith.constant 0 : i32
    return %c0_i32, %c0_i32_0 : i32, i32
  }
  func.func @transform_4(%arg0: i32) -> (i32, i32) {
    %c0_i32 = arith.constant 0 : i32
    %c0_i32_0 = arith.constant 0 : i32
    return %arg0, %c0_i32 : i32, i32
  }
}

</mosaic_0001>

<sc_bundles>
// kernel: kernel.12.cloned.1.call-start
scs
__scs_entry_jumppad:
0x0: {  	(pc) =	sbr.rel $0x88, $3  }
0x1: {  	(tag) =	ssettag $0x0;
	lr =	simm.s32 $0x1  }
0x2: {  	[smem:$0x3F97] =	sst lr;
	_ =	strace $0xD0000000  }
0x3: {  	_ = 	snop  }
0x4: {  	_ = 	snop  }
0x5: {  	_ = 	snop  }
0x6: {  	_ = 	snop  }
0x7: {  	_ = 	snop  }
__scs_overlays_trampoline_lowered:
0x8: {  	[smem:$0x3FA6] =	sst s0  }
0x9: {  	[smem:$0x3FA7] =	sst s1  }
0xa: {  	[smem:$0x3FA8] =	sst s2  }
0xb: {  	[smem:$0x3FA9] =	sst s3  }
0xc: {  	[smem:$0x3FAA] =	sst s4  }
0xd: {  	[smem:$0x3FAB] =	sst s5  }
0xe: {  	[smem:$0x3FAC] =	sst s6  }
0xf: {  	[smem:$0x3FAD] =	sst s7  }
0x10: {  	[smem:$0x3FAE] =	sst s8  }
0x11: {  	[smem:$0x3FAF] =	sst s9;
	s0 =	simm.s32 @!p0 $0x0  }
0x12: {  	s1 =	sld [smem:$0x3F95];
	s0 =	simm.s32 @p0 $0x1  }
0x13: {  	[smem:$0x3FB0] =	sst s0;
	s0 =	simm.s32 @!p1 $0x0  }
0x14: {  	s2 =	sld [smem:$0x3F94];
	s0 =	simm.s32 @p1 $0x1  }
0x15: {  	[smem:$0x3FB1] =	sst s0;
	s0 =	simm.s32 @!p2 $0x0  }
0x16: {  	s3 =	sld [smem:$0x3FDB];
	s0 =	simm.s32 @p2 $0x1  }
0x17: {  	s4 =	simm.s32 $0x1BF5;
	[smem:$0x3FB3] =	sst s0  }
0x18: {  	s0 =	sld [smem:$0x3F96];
	_ =	swait.ge [sflag:s4], $0x0  }
0x19: {  	s7 =	sld [smem:$0x3F97]  }
0x1a: {  	s8 =	sadd.s32 $0xFFFFE003, lr  }
0x1b: {  	s9 =	sadd.s32 $0xFFFFFEF7, lr;
	s5 =	simm.s32 $0xFFFFFFFF;
	p2 =	slt.u32 s8, $0xFFFFF086  }
0x1c: {  	p1 =	slt.u32 s9, $0xF7A;
	s5 =	simm.s32 @!p2 $0x0  }
0x1d: {  	s5 =	simm.s32 @p1 $0x1;
	p0 =	seq.s32 s7, s2  }
0x1e: {  	s7 =	smul.u32 @!p0 $0xF7A, s2;
	p2 =	seq.s32 @!p0 s5, $0x0  }
0x1f: {  	s9 =	smul.u32 $0xF7A, s1;
	s8 =	simm.s32 @!p0 $0x1BF5;
	p2 =	por !p2, p0  }
0x20: {  	[sflag:s8] =	ssyncset.s32 @!p0 $0xFFFFF086;
	s6 =	sadd.s32 @!p0 s3, s7;
	s7 =	simm.s32 @!p0 $0x108  }
0x21: {  	s3 =	sadd.s32 s3, s9;
	s6 =	sadd.s32 @!p0 $0x88, s6;
	s7 =	simm.s32 @p2 $0x1082  }
0x22: {  	[simem:s7], [sflag:s8] =	dma.local @!p0 [hbm:s6], $0xF7A  }
0x23: {  	s9 =	sor.u32 $0xD0000000, s2;
	s6 =	simm.s32 $0x108;
	_ =	swait.ge @!p0 [sflag:s8], $0x0  }
0x24: {  	s3 =	sadd.s32 $0x88, s3;
	s6 =	simm.s32 @!p1 $0x1082;
	[sflag:s4] =	ssyncset.s32 $0xFFFFF086  }
0x25: {  	[simem:s6], [sflag:s4] =	dma.local [hbm:s3], $0xF7A  }
0x26: {  	[smem:$0x3F97] =	sst s1;
	(tag) =	ssettag s2;
	_ =	strace s9  }
0x27: {  	s1 =	sld [smem:$0x3FA7]  }
0x28: {  	s2 =	sld [smem:$0x3FA8]  }
0x29: {  	s4 =	sld [smem:$0x3FAA]  }
0x2a: {  	p0 =	seq.s32 s5, $0x0;
	s5 =	sld [smem:$0x3FAB]  }
0x2b: {  	s6 =	sld [smem:$0x3FAC]  }
0x2c: {  	s7 =	sld [smem:$0x3FAD]  }
0x2d: {  	s3 =	simm.s32 $0x108;
	s8 =	sld [smem:$0x3FAE]  }
0x2e: {  	s3 =	simm.s32 @!p0 $0x1082;
	s9 =	sld [smem:$0x3FAF]  }
0x2f: {  	lr =	sadd.s32 s0, s3;
	s0 =	sld [smem:$0x3FA6]  }
0x30: {  	s3 =	sld [smem:$0x3FA9]  }
0x31: {  	[smem:$0x3FB2] =	sst s10  }
0x32: {  	s10 =	sld [smem:$0x3FB0];
	_ =	sdelay $0x3  }
0x33: {  	p0 =	seq.s32 s10, $0x1;
	s10 =	sld [smem:$0x3FB2];
	_ =	sdelay $0x3  }
0x34: {  	[smem:$0x3FB2] =	sst s10  }
0x35: {  	s10 =	sld [smem:$0x3FB1];
	_ =	sdelay $0x3  }
0x36: {  	p1 =	seq.s32 s10, $0x1;
	s10 =	sld [smem:$0x3FB2];
	_ =	sdelay $0x3  }
0x37: {  	[smem:$0x3FB2] =	sst s10  }
0x38: {  	s10 =	sld [smem:$0x3FB3]  }
0x39: {  	_ = 	snop;
	(pc) =	sbr.ind lr, $3  }
0x3a: {  	_ = 	snop  }
0x3b: {  	_ = 	snop  }
0x3c: {  	p2 =	seq.s32 s10, $0x1;
	s10 =	sld [smem:$0x3FB2]  }
0x3d: {  	_ =	shalt  }
0x3e: {  	_ =	shalt  }
0x3f: {  	_ =	shalt  }
0x40: {  	_ =	shalt  }
0x41: {  	_ =	shalt  }
0x42: {  	_ =	shalt  }
0x43: {  	_ =	shalt  }
0x44: {  	_ =	shalt  }
0x45: {  	_ =	shalt  }
0x46: {  	_ =	shalt  }
0x47: {  	_ =	shalt  }
0x48: {  	_ =	shalt  }
0x49: {  	_ =	shalt  }
0x4a: {  	_ =	shalt  }
0x4b: {  	_ =	shalt  }
0x4c: {  	_ =	shalt  }
0x4d: {  	_ =	shalt  }
0x4e: {  	_ =	shalt  }
0x4f: {  	_ =	shalt  }
0x50: {  	_ =	shalt  }
0x51: {  	_ =	shalt  }
0x52: {  	_ =	shalt  }
0x53: {  	_ =	shalt  }
0x54: {  	_ =	shalt  }
0x55: {  	_ =	shalt  }
0x56: {  	_ =	shalt  }
0x57: {  	_ =	shalt  }
0x58: {  	_ =	shalt  }
0x59: {  	_ =	shalt  }
0x5a: {  	_ =	shalt  }
0x5b: {  	_ =	shalt  }
0x5c: {  	_ =	shalt  }
0x5d: {  	_ =	shalt  }
0x5e: {  	_ =	shalt  }
0x5f: {  	_ =	shalt  }
0x60: {  	_ =	shalt  }
0x61: {  	_ =	shalt  }
0x62: {  	_ =	shalt  }
0x63: {  	_ =	shalt  }
0x64: {  	_ =	shalt  }
0x65: {  	_ =	shalt  }
0x66: {  	_ =	shalt  }
0x67: {  	_ =	shalt  }
0x68: {  	_ =	shalt  }
0x69: {  	_ =	shalt  }
0x6a: {  	_ =	shalt  }
0x6b: {  	_ =	shalt  }
0x6c: {  	_ =	shalt  }
0x6d: {  	_ =	shalt  }
0x6e: {  	_ =	shalt  }
0x6f: {  	_ =	shalt  }
0x70: {  	_ =	shalt  }
0x71: {  	_ =	shalt  }
0x72: {  	_ =	shalt  }
0x73: {  	_ =	shalt  }
0x74: {  	_ =	shalt  }
0x75: {  	_ =	shalt  }
0x76: {  	_ =	shalt  }
0x77: {  	_ =	shalt  }
0x78: {  	_ =	shalt  }
0x79: {  	_ =	shalt  }
0x7a: {  	_ =	shalt  }
0x7b: {  	_ =	shalt  }
0x7c: {  	_ =	shalt  }
0x7d: {  	_ =	shalt  }
0x7e: {  	_ =	shalt  }
0x7f: {  	_ =	shalt  }
0x80: {  	_ =	shalt  }
0x81: {  	_ =	shalt  }
0x82: {  	_ =	shalt  }
0x83: {  	_ =	shalt  }
0x84: {  	_ =	shalt  }
0x85: {  	_ =	shalt  }
0x86: {  	_ =	shalt  }
0x87: {  	_ =	shalt  }
.Lfunc_end0:
.L_simem_size_0:
called_computation_lowered:
.L_overlay_start_0:
0x88: {  	s2 =	sld [smem:$0x3FD9]  }
0x89: {  	s3 =	sld [smem:$0x3FFE];
	_ =	sdelay $0x1  }
0x8a: {  	s1 =	srdreg.scid  }
0x8b: {  	s0 =	sand.u32 $0x1, s1  }
0x8c: {  	s17 =	sshll.u32 s0, $0xA;
	s2 =	sadd.s32 s3, s2  }
0x8d: {  	s2 =	sadd.s32 s2, s17  }
0x8e: {  	[smem:$0x3FBE] =	sst s2  }
0x8f: {  	_ = 	snop  }
0x90: {  	s2 =	sld [smem:$0x3FD0];
	(tm) =	ssettm $0x1  }
0x91: {  	s18 =	sld [smem:$0x3FFB];
	_ =	sdelay $0x3  }
0x92: {  	_ =	strace s18  }
0x93: {  	s3 =	sld [smem:$0x3FFC];
	_ =	sdelay $0x3  }
0x94: {  	_ =	strace s3  }
0x95: {  	s3 =	sld [smem:$0x3FFD];
	_ =	sdelay $0x3  }
0x96: {  	_ =	strace s3  }
0x97: {  	_ =	strace $0x8FFFFFFF  }
0x98: {  	s19 =	sld [smem:$0x3FDB];
	_ =	sdelay $0x1  }
0x99: {  	s4 =	simm.s32 $_scs_section_size  }
0x9a: {  	s5 =	simm.s32 $_size__tile_overlayer_lowered;
	s6 =	simm.s32 $_tile_overlayer_lowered  }
0x9b: {  	s22 =	simm.s32 $0x1BFF;
	s21 =	sshll.u32 s6, $0x1;
	s3 =	sadd.s32 s4, s19  }
0x9c: {  	s7 =	simm.s32 $0x0;
	s20 =	sshll.u32 s5, $0x1;
	s5 =	sadd.s32 s21, s3  }
0x9d: {  	[timem:s7], [sflag:s22] =	dma.local [hbm:s5], s20  }
0x9e: {  	_ =	swait.ge [sflag:s22], s20  }
0x9f: {  	s4 =	ssub.s32 $0x0, s20;
	[sflag:s22] =	ssyncset.done $0x0  }
0xa0: {  	[sflag:s22] =	ssyncadd.s32 s4;
	_ =	sdelay $0x1  }
0xa1: {  	s23 =	simm.s32 $0x1B8B  }
0xa2: {  	_ =	swait.ge [sflag:s23], $0x1  }
0xa3: {  	[sflag:s23] =	ssyncset.done $0x0  }
0xa4: {  	s25 =	simm.s32 $0x1B8E;
	s24 =	sld [smem:$0x3FFE];
	[sflag:s23] =	ssyncadd.s32 $0xFFFFFFFF  }
0xa5: {  	s26 =	simm.s32 $execute0_lowered;
	[smem:$0x3FD2] =	sst s25  }
0xa6: {  	s5 =	sshll.u32 s26, $0x1;
	_ =	strace $0x80000046;
	[dreg:$0x1] =	wrdreg $0xFFFFFFFF  }
0xa7: {  	s28 =	simm.s32 $_size_execute0_lowered;
	s3 =	sadd.s32 s3, s5;
	[dreg:$0x0] =	wrdreg $0x0  }
0xa8: {  	s5 =	sshll.u32 s28, $0x1;
	[dreg:$0x2] =	wrdreg s3  }
0xa9: {  	[dreg:$0x3] =	wrdreg s5  }
0xaa: {  	[dreg:$0x4] =	wrdreg $0xC0  }
0xab: {  	_ =	task [dreg:s7], $0x5FFFF  }
0xac: {  	[dreg:$0x1] =	wrdreg $0xFFFFFFFF  }
0xad: {  	[dreg:$0x0] =	wrdreg $0x60  }
0xae: {  	[dreg:$0x2] =	wrdreg s2  }
0xaf: {  	[dreg:$0x3] =	wrdreg s24  }
0xb0: {  	[dreg:$0x4] =	wrdreg $0xA2800  }
0xb1: {  	[dreg:$0x5] =	wrdreg $0xA5000  }
0xb2: {  	[dreg:$0x6] =	wrdreg $0xA7800  }
0xb3: {  	[dreg:$0x7] =	wrdreg $0xAA000  }
0xb4: {  	[dreg:$0x8] =	wrdreg $0x9  }
0xb5: {  	_ =	task.clear_ibuf [dreg:s7], $0x9FFFF;
	_ =	strace $0x90000046  }
0xb6: {  	s29 =	simm.s32 $0x9;
	_ =	strace $0x80000048  }
0xb7: {  	_ =	swait.ge [sflag:s29], $0x1  }
0xb8: {  	[sflag:s29] =	ssyncadd.s32 $0xFFFFFFFF  }
0xb9: {  	_ =	strace $0x90000048  }
0xba: {  	_ =	sfence  }
0xbb: {  	s30 =	sld [smem:$0x0];
	_ =	sdelay $0x2  }
0xbc: {  	s31 =	sshll.u32 s1, $0xD;
	s1 =	sshrl.u32 s1, $0x2  }
0xbd: {  	s3 =	sand.u32 $0x4000, s31;
	s1 =	sadd.s32 s1, s30  }
0xbe: {  	s0 =	sor.u32 s3, s0;
	s1 =	sshll.u32 s1, $0x11  }
0xbf: {  	s0 =	sor.u32 s1, s0  }
0xc0: {  	s0 =	sadd.s32 $0x8F2B, s0  }
0xc1: {  	[sflag:s0] =	ssyncadd.remote.s32 $0x1  }
0xc2: {  	_ =	sfence.sel $0xFFFF  }
0xc3: {  	[dreg:$0x0] =	wrdreg $0xFFFFFFFF;
	(pc) =	sbr.abs _section_cstart, $3  }
0xc4: {  	[dreg:$0x1] =	wrdreg $0xFFFFFFFF  }
0xc5: {  	_ =	task.clear_ibuf [dreg:s7], $0x2FFFF;
	_ =	strace $0x9FFFFFFF  }
0xc6: {  	(tm) =	ssettm $0x7FFFFFFF  }
0xc7: {  	_ =	shalt  }
tec
execute0_lowered:
.L_overlay_start_1:
0x0: {  	(tag) =	ssettag $0x1  }
0x1: {  	s11 =	rddreg [dreg:$0x0]  }
0x2: {  	s7 =	rddreg [dreg:$0x1]  }
0x3: {  	s1 =	rddreg [dreg:$0x2]  }
0x4: {  	s2 =	rddreg [dreg:$0x3]  }
0x5: {  	s4 =	rddreg [dreg:$0x4]  }
0x6: {  	s5 =	rddreg [dreg:$0x5];
	s6 =	srdreg.scid  }
0x7: {  	s0 =	stileid.u32;
	s20 =	simm.s32 $0xA000;
	s21 =	simm.s32 $0x1  }
0x8: {  	s23 =	simm.s32 $0x5000;
	s24 =	simm.s32 $0x7800;
	s25 =	simm.s32 $0x80  }
0x9: {  	s28 =	simm.s32 $0x10;
	s29 =	simm.s32 $0x0;
	s12 =	smul.u32 $0xA00, s0  }
0xa: {  	s8 =	sand.u32 $0x1, s6;
	s6 =	simm.s32 $0x0;
	s30 =	smul.u32 $0x280, s0  }
0xb: {  	s9 =	sshll.u32 s0, $0x1;
	s10 =	smul.u32 $0xA000, s8;
	[smem:$0x7FF] =	sst s6  }
0xc: {  	s9 =	sor.u32 s8, s9;
	s8 =	ssub.s32 $0x2, s8;
	_ =	strace $0x80000047  }
0xd: {  	s13 =	smul.u32 $0x500, s9;
	s31 =	sshrl.u32 s8, $0x1;
	s26 =	sadd.s32 s12, s10  }
0xe: {  	s19 =	ssub.s32 s8, s31;
	s8 =	sadd.s32 s30, s2;
	s10 =	sadd.s32 s30, s5  }
0xf: {  	s14 =	sadd.s32 s13, s7;
	s9 =	sshrl.u32 s26, $0x3;
	s11 =	sadd.s32 s11, s13  }
0x10: {  	s19 =	smax.u32 s19, $0x1;
	s26 =	simm.s32 $0x40;
	s18 =	sadd.s32 s9, s7  }
0x11: {  	s7 =	sadd.s32 s30, s1;
	s9 =	sadd.s32 s30, s4;
	s12 =	sadd.s32 $0x3C00, s14  }
0x12: {  	s13 =	sadd.s32 $0xDC00, s14;
	s14 =	sadd.s32 $0x17C00, s14;
	s15 =	sadd.s32 $0x21C00, s18  }
0x13: {  	v0 =	vimm.f32 $0.0e+00;
	s16 =	sadd.s32 $0x21C10, s18;
	s17 =	sadd.s32 $0x21C20, s18;
	s18 =	sadd.s32 $0x21C30, s18  }
.LBB2_1:
0x14: {  	[tilespmem:$0xA000] =	vst v0  }
0x15: {  	[tilespmem:$0xA010] =	vst v0  }
0x16: {  	[tilespmem:$0xA020] =	vst v0  }
0x17: {  	[tilespmem:$0xA030] =	vst v0  }
0x18: {  	[tilespmem:$0xA040] =	vst v0  }
0x19: {  	[tilespmem:$0xA050] =	vst v0  }
0x1a: {  	[tilespmem:$0xA060] =	vst v0  }
0x1b: {  	[tilespmem:$0xA070] =	vst v0  }
0x1c: {  	[tilespmem:$0xA080] =	vst v0  }
0x1d: {  	[tilespmem:$0xA090] =	vst v0  }
0x1e: {  	[tilespmem:$0xA0A0] =	vst v0  }
0x1f: {  	[tilespmem:$0xA0B0] =	vst v0  }
0x20: {  	[tilespmem:$0xA0C0] =	vst v0  }
0x21: {  	[tilespmem:$0xA0D0] =	vst v0  }
0x22: {  	[tilespmem:$0xA0E0] =	vst v0  }
0x23: {  	[tilespmem:$0xA0F0] =	vst v0  }
0x24: {  	[tilespmem:$0xA100] =	vst v0  }
0x25: {  	[tilespmem:$0xA110] =	vst v0  }
0x26: {  	[tilespmem:$0xA120] =	vst v0  }
0x27: {  	[tilespmem:$0xA130] =	vst v0  }
0x28: {  	[tilespmem:$0xA140] =	vst v0  }
0x29: {  	[tilespmem:$0xA150] =	vst v0  }
0x2a: {  	[tilespmem:$0xA160] =	vst v0  }
0x2b: {  	[tilespmem:$0xA170] =	vst v0  }
0x2c: {  	[tilespmem:$0xA180] =	vst v0  }
0x2d: {  	[tilespmem:$0xA190] =	vst v0  }
0x2e: {  	[tilespmem:$0xA1A0] =	vst v0  }
0x2f: {  	[tilespmem:$0xA1B0] =	vst v0  }
0x30: {  	[tilespmem:$0xA1C0] =	vst v0  }
0x31: {  	[tilespmem:$0xA1D0] =	vst v0  }
0x32: {  	[tilespmem:$0xA1E0] =	vst v0  }
0x33: {  	[tilespmem:$0xA1F0] =	vst v0  }
0x34: {  	[tilespmem:$0xA200] =	vst v0  }
0x35: {  	[tilespmem:$0xA210] =	vst v0  }
0x36: {  	[tilespmem:$0xA220] =	vst v0  }
0x37: {  	[tilespmem:$0xA230] =	vst v0  }
0x38: {  	[tilespmem:$0xA240] =	vst v0  }
0x39: {  	[tilespmem:$0xA250] =	vst v0  }
0x3a: {  	[tilespmem:$0xA260] =	vst v0  }
0x3b: {  	[tilespmem:$0xA270] =	vst v0  }
0x3c: {  	[spmem:s7] =	stream.linear.scatter [tilespmem:s20], [sflag:$0x1], $0x280, $0x38;
	[tilespmem:$0xAC80] =	vst v63  }
0x3d: {  	_ =	swait.ge [sflag:s21], $0x280  }
0x3e: {  	[sflag:s21] =	ssyncset.done $0x0  }
0x3f: {  	[sflag:s21] =	ssyncadd.s32 $0xFFFFFD80  }
0x40: {  	[spmem:s8] =	stream.linear.scatter [tilespmem:s20], [sflag:$0x1], $0x280, $0x38;
	[tilespmem:$0xAC80] =	vst v63  }
0x41: {  	_ =	swait.ge [sflag:s21], $0x280  }
0x42: {  	[sflag:s21] =	ssyncset.done $0x0  }
0x43: {  	[sflag:s21] =	ssyncadd.s32 $0xFFFFFD80  }
0x44: {  	[spmem:s9] =	stream.linear.scatter [tilespmem:s20], [sflag:$0x1], $0x280, $0x38;
	[tilespmem:$0xAC80] =	vst v63  }
0x45: {  	_ =	swait.ge [sflag:s21], $0x280  }
0x46: {  	[sflag:s21] =	ssyncset.done $0x0  }
0x47: {  	[sflag:s21] =	ssyncadd.s32 $0xFFFFFD80  }
0x48: {  	[spmem:s10] =	stream.linear.scatter [tilespmem:s20], [sflag:$0x1], $0x280, $0x38;
	[tilespmem:$0xAC80] =	vst v63  }
0x49: {  	_ =	swait.ge [sflag:s21], $0x280  }
0x4a: {  	[sflag:s21] =	ssyncset.done $0x0  }
0x4b: {  	[sflag:s21] =	ssyncadd.s32 $0xFFFFFD80  }
0x4c: {  	[tilespmem:s6], [sflag:$0x1] =	stream.linear.gather [hbm4b:s11+s6], $0x2780, $0x38;
	[tilespmem:$0xAC80] =	vst v63  }
0x4d: {  	_ =	swait.ge [sflag:s21], $0x2780  }
0x4e: {  	[sflag:s21] =	ssyncset.done $0x0  }
0x4f: {  	s0 =	simm.s32 $0x2800;
	[sflag:s21] =	ssyncadd.s32 $0xFFFFD880  }
0x50: {  	[tilespmem:s0], [sflag:$0x1] =	stream.linear.gather [hbm4b:s12+s6], $0x2780, $0x38;
	[tilespmem:$0xAC80] =	vst v63  }
0x51: {  	_ =	swait.ge [sflag:s21], $0x2780  }
0x52: {  	[sflag:s21] =	ssyncset.done $0x0  }
0x53: {  	[sflag:s21] =	ssyncadd.s32 $0xFFFFD880  }
0x54: {  	[tilespmem:s23], [sflag:$0x1] =	stream.linear.gather [hbm4b:s13+s6], $0x2780, $0x38;
	[tilespmem:$0xAC80] =	vst v63  }
0x55: {  	_ =	swait.ge [sflag:s21], $0x2780  }
0x56: {  	[sflag:s21] =	ssyncset.done $0x0  }
0x57: {  	[sflag:s21] =	ssyncadd.s32 $0xFFFFD880  }
0x58: {  	[tilespmem:s24], [sflag:$0x1] =	stream.linear.gather [hbm4b:s14+s6], $0x2780, $0x38;
	[tilespmem:$0xAC80] =	vst v63  }
0x59: {  	_ =	swait.ge [sflag:s21], $0x2780  }
0x5a: {  	[sflag:s21] =	ssyncset.done $0x0  }
0x5b: {  	[sflag:s21] =	ssyncadd.s32 $0xFFFFD880  }
0x5c: {  	s30 =	simm.s32 $0x0;
	s31 =	simm.s32 $0x5000;
	[bflag:$0x0] =	sbarrier.arrive $0xFFFF  }
0x5d: {  	[spmem:s1] =	stream.indirect.scatter.add.f32 [tilespmem:s31], [sflag:$0x1], $0x1, s30, s25, $0xb8;
	[tilespmem:$0xAC80] =	vst v63  }
0x5e: {  	_ =	swait.ge [sflag:s21], $0x80  }
0x5f: {  	[sflag:s21] =	ssyncset.done $0x0  }
0x60: {  	s22 =	simm.s32 $0x2800;
	[sflag:s21] =	ssyncadd.s32 $0xFFFFFF80  }
0x61: {  	[spmem:s2] =	stream.indirect.scatter.add.f32 [tilespmem:s31], [sflag:$0x1], $0x1, s22, s25, $0xb8;
	[tilespmem:$0xAC80] =	vst v63  }
0x62: {  	_ =	swait.ge [sflag:s21], $0x80  }
0x63: {  	[sflag:s21] =	ssyncset.done $0x0  }
0x64: {  	s31 =	simm.s32 $0x7800;
	[sflag:s21] =	ssyncadd.s32 $0xFFFFFF80  }
0x65: {  	[spmem:s4] =	stream.indirect.scatter.add.f32 [tilespmem:s31], [sflag:$0x1], $0x1, s30, s25, $0xb8;
	[tilespmem:$0xAC80] =	vst v63  }
0x66: {  	_ =	swait.ge [sflag:s21], $0x80  }
0x67: {  	[sflag:s21] =	ssyncset.done $0x0  }
0x68: {  	[sflag:s21] =	ssyncadd.s32 $0xFFFFFF80  }
0x69: {  	[spmem:s5] =	stream.indirect.scatter.add.f32 [tilespmem:s31], [sflag:$0x1], $0x1, s22, s25, $0xb8;
	[tilespmem:$0xAC80] =	vst v63  }
0x6a: {  	_ =	swait.ge [sflag:s21], $0x80  }
0x6b: {  	s30 =	simm.s32 $0x80;
	s31 =	simm.s32 $0x400;
	[sflag:s21] =	ssyncset.done $0x0  }
.LBB2_2:
0x6c: {  	s0 =	sadd.s32 $0x5000, s30  }
0x6d: {  	[sflag:s21] =	ssyncadd.s32 $0xFFFFFF80;
	s3 =	smov.u32 s31;
	s22 =	sadd.s32 $0x200, s31  }
0x6e: {  	[spmem:s1] =	stream.indirect.scatter.add.f32 [tilespmem:s0], [sflag:$0x1], $0x1, s30, s25, $0xb8;
	[tilespmem:$0xAC80] =	vst v63  }
0x6f: {  	p0 =	sne.s32 s31, $0x9C00;
	_ =	swait.ge [sflag:s21], $0x80  }
0x70: {  	[sflag:s21] =	ssyncset.done $0x0  }
0x71: {  	s31 =	sadd.s32 $0x2800, s30;
	[sflag:s21] =	ssyncadd.s32 $0xFFFFFF80  }
0x72: {  	[spmem:s2] =	stream.indirect.scatter.add.f32 [tilespmem:s0], [sflag:$0x1], $0x1, s31, s25, $0xb8;
	[tilespmem:$0xAC80] =	vst v63  }
0x73: {  	_ =	swait.ge [sflag:s21], $0x80  }
0x74: {  	[sflag:s21] =	ssyncset.done $0x0  }
0x75: {  	s0 =	sadd.s32 $0x7800, s30;
	[sflag:s21] =	ssyncadd.s32 $0xFFFFFF80  }
0x76: {  	[spmem:s4] =	stream.indirect.scatter.add.f32 [tilespmem:s0], [sflag:$0x1], $0x1, s30, s25, $0xb8;
	[tilespmem:$0xAC80] =	vst v63  }
0x77: {  	_ =	swait.ge [sflag:s21], $0x80  }
.Ltmp0:
0x78: {  	[sflag:s21] =	ssyncset.done $0x0;
	(pc) =	sbr.rel @p0 .LBB2_2-.Ltmp0, $4  }
0x79: {  	[sflag:s21] =	ssyncadd.s32 $0xFFFFFF80  }
0x7a: {  	[spmem:s5] =	stream.indirect.scatter.add.f32 [tilespmem:s0], [sflag:$0x1], $0x1, s31, s25, $0xb8;
	[tilespmem:$0xAC80] =	vst v63  }
0x7b: {  	_ =	swait.ge [sflag:s21], $0x80  }
0x7c: {  	s30 =	sshra.s32 s3, $0x2;
	s31 =	smov.u32 s22;
	[sflag:s21] =	ssyncset.done $0x0  }
0x7d: {  	s0 =	sadd.s32 $0x5000, s30;
	[sflag:s21] =	ssyncadd.s32 $0xFFFFFF80  }
0x7e: {  	[spmem:s1] =	stream.indirect.scatter.add.f32 [tilespmem:s0], [sflag:$0x1], $0x1, s30, s25, $0xb8;
	[tilespmem:$0xAC80] =	vst v63  }
0x7f: {  	_ =	swait.ge [sflag:s21], $0x80  }
0x80: {  	[sflag:s21] =	ssyncset.done $0x0  }
0x81: {  	s3 =	sadd.s32 $0x2800, s30;
	[sflag:s21] =	ssyncadd.s32 $0xFFFFFF80  }
0x82: {  	[spmem:s2] =	stream.indirect.scatter.add.f32 [tilespmem:s0], [sflag:$0x1], $0x1, s3, s25, $0xb8;
	[tilespmem:$0xAC80] =	vst v63  }
0x83: {  	_ =	swait.ge [sflag:s21], $0x80  }
0x84: {  	[sflag:s21] =	ssyncset.done $0x0  }
0x85: {  	s22 =	sadd.s32 $0x7800, s30;
	[sflag:s21] =	ssyncadd.s32 $0xFFFFFF80  }
0x86: {  	[spmem:s4] =	stream.indirect.scatter.add.f32 [tilespmem:s22], [sflag:$0x1], $0x1, s30, s25, $0xb8;
	[tilespmem:$0xAC80] =	vst v63  }
0x87: {  	_ =	swait.ge [sflag:s21], $0x80  }
0x88: {  	[sflag:s21] =	ssyncset.done $0x0  }
0x89: {  	[sflag:s21] =	ssyncadd.s32 $0xFFFFFF80  }
0x8a: {  	[spmem:s5] =	stream.indirect.scatter.add.f32 [tilespmem:s22], [sflag:$0x1], $0x1, s3, s25, $0xb8;
	[tilespmem:$0xAC80] =	vst v63  }
0x8b: {  	_ =	swait.ge [sflag:s21], $0x80  }
0x8c: {  	s30 =	stileid.u32;
	[sflag:s21] =	ssyncset.done $0x0  }
0x8d: {  	s0 =	sshll.u32 s30, $0x6;
	[sflag:s21] =	ssyncadd.s32 $0xFFFFFF80  }
0x8e: {  	s31 =	sshrl.u32 s7, $0x3;
	s0 =	sor.u32 $0x1C01, s0;
	[bflag:$0x0] =	sbarrier.arrive $0xFFFF  }
0x8f: {  	[hbm:s15@s26], [sflag:s0] =	dma.strided [spmem:s31@s28], $0x50, s21, $0x10   }
0x90: {  	_ =	swait.ge [sflag:s21], $0x50  }
0x91: {  	[sflag:s21] =	ssyncset.done $0x0  }
0x92: {  	s22 =	sshrl.u32 s8, $0x3;
	[sflag:s21] =	ssyncadd.s32 $0xFFFFFFB0  }
0x93: {  	[hbm:s16@s26], [sflag:s0] =	dma.strided [spmem:s22@s28], $0x50, s21, $0x10   }
0x94: {  	_ =	swait.ge [sflag:s21], $0x50  }
0x95: {  	[sflag:s21] =	ssyncset.done $0x0  }
0x96: {  	s30 =	sshrl.u32 s9, $0x3;
	[sflag:s21] =	ssyncadd.s32 $0xFFFFFFB0  }
0x97: {  	[hbm:s17@s26], [sflag:s0] =	dma.strided [spmem:s30@s28], $0x50, s21, $0x10   }
0x98: {  	s29 =	sadd.s32 $0x1, s29;
	_ =	swait.ge [sflag:s21], $0x50  }
0x99: {  	p0 =	sne.s32 s29, s19;
	[sflag:s21] =	ssyncset.done $0x0  }
.Ltmp1:
0x9a: {  	s31 =	sshrl.u32 s10, $0x3;
	[sflag:s21] =	ssyncadd.s32 $0xFFFFFFB0;
	(pc) =	sbr.rel @p0 .LBB2_1-.Ltmp1, $4  }
0x9b: {  	[hbm:s18@s26], [sflag:s0] =	dma.strided [spmem:s31@s28], $0x50, s21, $0x10   }
0x9c: {  	_ =	swait.ge [sflag:s21], $0x50  }
0x9d: {  	[sflag:s21] =	ssyncset.done $0x0  }
0x9e: {  	[sflag:s21] =	ssyncadd.s32 $0xFFFFFFB0  }
0x9f: {  	_ =	sfence.sel $0x180000  }
0xa0: {  	[bflag:$0x0] =	sbarrier.arrive $0xFFFF  }
0xa1: {  	_ =	strace $0x90000047  }
0xa2: {  	s0 =	stileid.u32;
	[bflag:$0x2] =	sbarrier.arrive $0xFFFF  }
0xa3: {  	p0 =	sne.s32 s0, $0x0;
	s0 =	rddreg [dreg:$0x6]  }
0xa4: {  	s0 =	sadd.s32 @!p0 $0x100000, s0  }
0xa5: {  	[sflag:s0] =	ssyncadd.tile.s32 @!p0 $0x1;
	_ =	shalt  }
.Lfunc_end2:
_tile_overlayer_lowered:
.L_overlay_start_2:
0xa6: {  	(tag) =	ssettag $0x2  }
0xa7: {  	s0 =	rddreg [dreg:$0x0];
	s2 =	stileid.u32  }
0xa8: {  	s1 =	rddreg [dreg:$0x1];
	p0 =	sne.s32 s2, $0x0  }
0xa9: {  	s3 =	rddreg [dreg:$0x2];
	[bflag:$0x3] =	sbarrier.arrive $0xFFFF;
	s2 =	simm.s32 @!p0 $0x1C01  }
0xaa: {  	[timem:s3], [sflag:s2] =	dma.local @!p0 [hbm:s0], s1  }
0xab: {  	s0 =	simm.s32 @!p0 $0x1  }
0xac: {  	_ =	swait.ge @!p0 [sflag:s0], s1  }
0xad: {  	s1 =	ssub.s32 @!p0 $0x0, s1;
	[sflag:s0] =	ssyncset.done @!p0 $0x0  }
0xae: {  	[sflag:s0] =	ssyncadd.s32 @!p0 s1  }
0xaf: {  	[bflag:$0x3] =	sbarrier.arrive $0xFFFF  }
0xb0: {  	_ =	shalt  }

// kernel: kernel.15.cloned.1.call-start
scs
__scs_entry_jumppad:
0x0: {  	(pc) =	sbr.rel $0x88, $3  }
0x1: {  	(tag) =	ssettag $0x0;
	lr =	simm.s32 $0x1  }
0x2: {  	[smem:$0x3F97] =	sst lr;
	_ =	strace $0xD0000000  }
0x3: {  	_ = 	snop  }
0x4: {  	_ = 	snop  }
0x5: {  	_ = 	snop  }
0x6: {  	_ = 	snop  }
0x7: {  	_ = 	snop  }
__scs_overlays_trampoline_lowered:
0x8: {  	[smem:$0x3FA6] =	sst s0  }
0x9: {  	[smem:$0x3FA7] =	sst s1  }
0xa: {  	[smem:$0x3FA8] =	sst s2  }
0xb: {  	[smem:$0x3FA9] =	sst s3  }
0xc: {  	[smem:$0x3FAA] =	sst s4  }
0xd: {  	[smem:$0x3FAB] =	sst s5  }
0xe: {  	[smem:$0x3FAC] =	sst s6  }
0xf: {  	[smem:$0x3FAD] =	sst s7  }
0x10: {  	[smem:$0x3FAE] =	sst s8  }
0x11: {  	[smem:$0x3FAF] =	sst s9;
	s0 =	simm.s32 @!p0 $0x0  }
0x12: {  	s1 =	sld [smem:$0x3F95];
	s0 =	simm.s32 @p0 $0x1  }
0x13: {  	[smem:$0x3FB0] =	sst s0;
	s0 =	simm.s32 @!p1 $0x0  }
0x14: {  	s2 =	sld [smem:$0x3F94];
	s0 =	simm.s32 @p1 $0x1  }
0x15: {  	[smem:$0x3FB1] =	sst s0;
	s0 =	simm.s32 @!p2 $0x0  }
0x16: {  	s3 =	sld [smem:$0x3FDB];
	s0 =	simm.s32 @p2 $0x1  }
0x17: {  	s4 =	simm.s32 $0x1BF5;
	[smem:$0x3FB3] =	sst s0  }
0x18: {  	s0 =	sld [smem:$0x3F96];
	_ =	swait.ge [sflag:s4], $0x0  }
0x19: {  	s7 =	sld [smem:$0x3F97]  }
0x1a: {  	s8 =	sadd.s32 $0xFFFFE003, lr  }
0x1b: {  	s9 =	sadd.s32 $0xFFFFFEF7, lr;
	s5 =	simm.s32 $0xFFFFFFFF;
	p2 =	slt.u32 s8, $0xFFFFF086  }
0x1c: {  	p1 =	slt.u32 s9, $0xF7A;
	s5 =	simm.s32 @!p2 $0x0  }
0x1d: {  	s5 =	simm.s32 @p1 $0x1;
	p0 =	seq.s32 s7, s2  }
0x1e: {  	s7 =	smul.u32 @!p0 $0xF7A, s2;
	p2 =	seq.s32 @!p0 s5, $0x0  }
0x1f: {  	s9 =	smul.u32 $0xF7A, s1;
	s8 =	simm.s32 @!p0 $0x1BF5;
	p2 =	por !p2, p0  }
0x20: {  	[sflag:s8] =	ssyncset.s32 @!p0 $0xFFFFF086;
	s6 =	sadd.s32 @!p0 s3, s7;
	s7 =	simm.s32 @!p0 $0x108  }
0x21: {  	s3 =	sadd.s32 s3, s9;
	s6 =	sadd.s32 @!p0 $0x88, s6;
	s7 =	simm.s32 @p2 $0x1082  }
0x22: {  	[simem:s7], [sflag:s8] =	dma.local @!p0 [hbm:s6], $0xF7A  }
0x23: {  	s9 =	sor.u32 $0xD0000000, s2;
	s6 =	simm.s32 $0x108;
	_ =	swait.ge @!p0 [sflag:s8], $0x0  }
0x24: {  	s3 =	sadd.s32 $0x88, s3;
	s6 =	simm.s32 @!p1 $0x1082;
	[sflag:s4] =	ssyncset.s32 $0xFFFFF086  }
0x25: {  	[simem:s6], [sflag:s4] =	dma.local [hbm:s3], $0xF7A  }
0x26: {  	[smem:$0x3F97] =	sst s1;
	(tag) =	ssettag s2;
	_ =	strace s9  }
0x27: {  	s1 =	sld [smem:$0x3FA7]  }
0x28: {  	s2 =	sld [smem:$0x3FA8]  }
0x29: {  	s4 =	sld [smem:$0x3FAA]  }
0x2a: {  	p0 =	seq.s32 s5, $0x0;
	s5 =	sld [smem:$0x3FAB]  }
0x2b: {  	s6 =	sld [smem:$0x3FAC]  }
0x2c: {  	s7 =	sld [smem:$0x3FAD]  }
0x2d: {  	s3 =	simm.s32 $0x108;
	s8 =	sld [smem:$0x3FAE]  }
0x2e: {  	s3 =	simm.s32 @!p0 $0x1082;
	s9 =	sld [smem:$0x3FAF]  }
0x2f: {  	lr =	sadd.s32 s0, s3;
	s0 =	sld [smem:$0x3FA6]  }
0x30: {  	s3 =	sld [smem:$0x3FA9]  }
0x31: {  	[smem:$0x3FB2] =	sst s10  }
0x32: {  	s10 =	sld [smem:$0x3FB0];
	_ =	sdelay $0x3  }
0x33: {  	p0 =	seq.s32 s10, $0x1;
	s10 =	sld [smem:$0x3FB2];
	_ =	sdelay $0x3  }
0x34: {  	[smem:$0x3FB2] =	sst s10  }
0x35: {  	s10 =	sld [smem:$0x3FB1];
	_ =	sdelay $0x3  }
0x36: {  	p1 =	seq.s32 s10, $0x1;
	s10 =	sld [smem:$0x3FB2];
	_ =	sdelay $0x3  }
0x37: {  	[smem:$0x3FB2] =	sst s10  }
0x38: {  	s10 =	sld [smem:$0x3FB3]  }
0x39: {  	_ = 	snop;
	(pc) =	sbr.ind lr, $3  }
0x3a: {  	_ = 	snop  }
0x3b: {  	_ = 	snop  }
0x3c: {  	p2 =	seq.s32 s10, $0x1;
	s10 =	sld [smem:$0x3FB2]  }
0x3d: {  	_ =	shalt  }
0x3e: {  	_ =	shalt  }
0x3f: {  	_ =	shalt  }
0x40: {  	_ =	shalt  }
0x41: {  	_ =	shalt  }
0x42: {  	_ =	shalt  }
0x43: {  	_ =	shalt  }
0x44: {  	_ =	shalt  }
0x45: {  	_ =	shalt  }
0x46: {  	_ =	shalt  }
0x47: {  	_ =	shalt  }
0x48: {  	_ =	shalt  }
0x49: {  	_ =	shalt  }
0x4a: {  	_ =	shalt  }
0x4b: {  	_ =	shalt  }
0x4c: {  	_ =	shalt  }
0x4d: {  	_ =	shalt  }
0x4e: {  	_ =	shalt  }
0x4f: {  	_ =	shalt  }
0x50: {  	_ =	shalt  }
0x51: {  	_ =	shalt  }
0x52: {  	_ =	shalt  }
0x53: {  	_ =	shalt  }
0x54: {  	_ =	shalt  }
0x55: {  	_ =	shalt  }
0x56: {  	_ =	shalt  }
0x57: {  	_ =	shalt  }
0x58: {  	_ =	shalt  }
0x59: {  	_ =	shalt  }
0x5a: {  	_ =	shalt  }
0x5b: {  	_ =	shalt  }
0x5c: {  	_ =	shalt  }
0x5d: {  	_ =	shalt  }
0x5e: {  	_ =	shalt  }
0x5f: {  	_ =	shalt  }
0x60: {  	_ =	shalt  }
0x61: {  	_ =	shalt  }
0x62: {  	_ =	shalt  }
0x63: {  	_ =	shalt  }
0x64: {  	_ =	shalt  }
0x65: {  	_ =	shalt  }
0x66: {  	_ =	shalt  }
0x67: {  	_ =	shalt  }
0x68: {  	_ =	shalt  }
0x69: {  	_ =	shalt  }
0x6a: {  	_ =	shalt  }
0x6b: {  	_ =	shalt  }
0x6c: {  	_ =	shalt  }
0x6d: {  	_ =	shalt  }
0x6e: {  	_ =	shalt  }
0x6f: {  	_ =	shalt  }
0x70: {  	_ =	shalt  }
0x71: {  	_ =	shalt  }
0x72: {  	_ =	shalt  }
0x73: {  	_ =	shalt  }
0x74: {  	_ =	shalt  }
0x75: {  	_ =	shalt  }
0x76: {  	_ =	shalt  }
0x77: {  	_ =	shalt  }
0x78: {  	_ =	shalt  }
0x79: {  	_ =	shalt  }
0x7a: {  	_ =	shalt  }
0x7b: {  	_ =	shalt  }
0x7c: {  	_ =	shalt  }
0x7d: {  	_ =	shalt  }
0x7e: {  	_ =	shalt  }
0x7f: {  	_ =	shalt  }
0x80: {  	_ =	shalt  }
0x81: {  	_ =	shalt  }
0x82: {  	_ =	shalt  }
0x83: {  	_ =	shalt  }
0x84: {  	_ =	shalt  }
0x85: {  	_ =	shalt  }
0x86: {  	_ =	shalt  }
0x87: {  	_ =	shalt  }
.Lfunc_end0:
.L_simem_size_0:
called_computation.1_lowered:
.L_overlay_start_0:
0x88: {  	s2 =	sld [smem:$0x3FD9]  }
0x89: {  	s3 =	sld [smem:$0x3FFE];
	_ =	sdelay $0x1  }
0x8a: {  	s1 =	srdreg.scid  }
0x8b: {  	s0 =	sand.u32 $0x1, s1  }
0x8c: {  	s17 =	sshll.u32 s0, $0xA;
	s2 =	sadd.s32 s3, s2  }
0x8d: {  	s2 =	sadd.s32 s2, s17  }
0x8e: {  	[smem:$0x3FBE] =	sst s2  }
0x8f: {  	_ = 	snop  }
0x90: {  	s2 =	sld [smem:$0x3FD0];
	(tm) =	ssettm $0x1  }
0x91: {  	s18 =	sld [smem:$0x3FFB];
	_ =	sdelay $0x3  }
0x92: {  	_ =	strace s18  }
0x93: {  	s3 =	sld [smem:$0x3FFC];
	_ =	sdelay $0x3  }
0x94: {  	_ =	strace s3  }
0x95: {  	s3 =	sld [smem:$0x3FFD];
	_ =	sdelay $0x3  }
0x96: {  	_ =	strace s3  }
0x97: {  	_ =	strace $0x8FFFFFFF  }
0x98: {  	s19 =	sld [smem:$0x3FDB];
	_ =	sdelay $0x1  }
0x99: {  	s4 =	simm.s32 $_scs_section_size  }
0x9a: {  	s5 =	simm.s32 $_size__tile_overlayer_lowered;
	s6 =	simm.s32 $_tile_overlayer_lowered  }
0x9b: {  	s22 =	simm.s32 $0x1BFF;
	s21 =	sshll.u32 s6, $0x1;
	s3 =	sadd.s32 s4, s19  }
0x9c: {  	s7 =	simm.s32 $0x0;
	s20 =	sshll.u32 s5, $0x1;
	s5 =	sadd.s32 s21, s3  }
0x9d: {  	[timem:s7], [sflag:s22] =	dma.local [hbm:s5], s20  }
0x9e: {  	_ =	swait.ge [sflag:s22], s20  }
0x9f: {  	s4 =	ssub.s32 $0x0, s20;
	[sflag:s22] =	ssyncset.done $0x0  }
0xa0: {  	[sflag:s22] =	ssyncadd.s32 s4;
	_ =	sdelay $0x1  }
0xa1: {  	s23 =	simm.s32 $0x1B8B  }
0xa2: {  	_ =	swait.ge [sflag:s23], $0x1  }
0xa3: {  	[sflag:s23] =	ssyncset.done $0x0  }
0xa4: {  	s25 =	simm.s32 $0x1B8E;
	s24 =	sld [smem:$0x3FFE];
	[sflag:s23] =	ssyncadd.s32 $0xFFFFFFFF  }
0xa5: {  	s26 =	simm.s32 $execute0_lowered;
	[smem:$0x3FD2] =	sst s25  }
0xa6: {  	s5 =	sshll.u32 s26, $0x1;
	_ =	strace $0x80000049;
	[dreg:$0x1] =	wrdreg $0xFFFFFFFF  }
0xa7: {  	s28 =	simm.s32 $_size_execute0_lowered;
	s3 =	sadd.s32 s3, s5;
	[dreg:$0x0] =	wrdreg $0x0  }
0xa8: {  	s5 =	sshll.u32 s28, $0x1;
	[dreg:$0x2] =	wrdreg s3  }
0xa9: {  	[dreg:$0x3] =	wrdreg s5  }
0xaa: {  	[dreg:$0x4] =	wrdreg $0xC0  }
0xab: {  	_ =	task [dreg:s7], $0x5FFFF  }
0xac: {  	[dreg:$0x1] =	wrdreg $0xFFFFFFFF  }
0xad: {  	[dreg:$0x0] =	wrdreg $0x60  }
0xae: {  	[dreg:$0x2] =	wrdreg s2  }
0xaf: {  	[dreg:$0x3] =	wrdreg s24  }
0xb0: {  	[dreg:$0x4] =	wrdreg $0x9  }
0xb1: {  	_ =	task.clear_ibuf [dreg:s7], $0x5FFFF;
	_ =	strace $0x90000049  }
0xb2: {  	s29 =	simm.s32 $0x9;
	_ =	strace $0x8000004B  }
0xb3: {  	_ =	swait.ge [sflag:s29], $0x1  }
0xb4: {  	[sflag:s29] =	ssyncadd.s32 $0xFFFFFFFF  }
0xb5: {  	_ =	strace $0x9000004B  }
0xb6: {  	_ =	sfence  }
0xb7: {  	s30 =	sld [smem:$0x0];
	_ =	sdelay $0x2  }
0xb8: {  	s31 =	sshll.u32 s1, $0xD;
	s1 =	sshrl.u32 s1, $0x2  }
0xb9: {  	s3 =	sand.u32 $0x4000, s31;
	s1 =	sadd.s32 s1, s30  }
0xba: {  	s0 =	sor.u32 s3, s0;
	s1 =	sshll.u32 s1, $0x11  }
0xbb: {  	s0 =	sor.u32 s1, s0  }
0xbc: {  	s0 =	sadd.s32 $0x8F2B, s0  }
0xbd: {  	[sflag:s0] =	ssyncadd.remote.s32 $0x1  }
0xbe: {  	_ =	sfence.sel $0xFFFF  }
0xbf: {  	[dreg:$0x0] =	wrdreg $0xFFFFFFFF;
	(pc) =	sbr.abs _section_cstart, $3  }
0xc0: {  	[dreg:$0x1] =	wrdreg $0xFFFFFFFF  }
0xc1: {  	_ =	task.clear_ibuf [dreg:s7], $0x2FFFF;
	_ =	strace $0x9FFFFFFF  }
0xc2: {  	(tm) =	ssettm $0x7FFFFFFF  }
0xc3: {  	_ =	shalt  }
tec
execute0_lowered:
.L_overlay_start_1:
0x0: {  	(tag) =	ssettag $0x1  }
0x1: {  	s5 =	rddreg [dreg:$0x0]  }
0x2: {  	s1 =	srdreg.scid;
	s0 =	stileid.u32  }
0x3: {  	s6 =	rddreg [dreg:$0x1];
	s2 =	simm.s32 $0x0;
	s11 =	simm.s32 $0x2800  }
0x4: {  	s12 =	simm.s32 $0x5000;
	s13 =	simm.s32 $0xA000;
	s14 =	simm.s32 $0xC800  }
0x5: {  	s15 =	simm.s32 $0x7800;
	s3 =	sand.u32 $0x1, s1;
	s4 =	sshll.u32 s0, $0x1  }
0x6: {  	s16 =	simm.s32 $0x0;
	s1 =	rddreg [dreg:$0x2];
	s4 =	sor.u32 s3, s4  }
0x7: {  	[smem:$0x7FF] =	sst s2;
	s8 =	ssub.s32 $0x2, s3;
	s7 =	smul.u32 $0x500, s4  }
0x8: {  	_ =	strace $0x8000004A;
	s3 =	sadd.s32 $0x18200, s6;
	s9 =	sshrl.u32 s8, $0x1  }
0x9: {  	s4 =	sadd.s32 $0x17C00, s6;
	s9 =	ssub.s32 s8, s9;
	s10 =	sadd.s32 s7, s6  }
0xa: {  	s5 =	sadd.s32 s5, s7;
	s9 =	smax.u32 s9, $0x1;
	s6 =	sadd.s32 $0x3C00, s10  }
0xb: {  	s7 =	sadd.s32 $0xDC00, s10;
	s8 =	sadd.s32 $0x18800, s10;
	s10 =	simm.s32 $0x1  }
.LBB2_1:
0xc: {  	[tilespmem:s2], [sflag:$0x1] =	stream.linear.gather [hbm4b:s5+s2], $0x2780, $0x38;
	[tilespmem:$0xF000] =	vst v63  }
0xd: {  	_ =	swait.ge [sflag:s10], $0x2780  }
0xe: {  	[sflag:s10] =	ssyncset.done $0x0  }
0xf: {  	[sflag:s10] =	ssyncadd.s32 $0xFFFFD880  }
0x10: {  	[tilespmem:s11], [sflag:$0x1] =	stream.linear.gather [hbm4b:s6+s2], $0x2780, $0x38;
	[tilespmem:$0xF000] =	vst v63  }
0x11: {  	_ =	swait.ge [sflag:s10], $0x2780  }
0x12: {  	[sflag:s10] =	ssyncset.done $0x0  }
0x13: {  	[sflag:s10] =	ssyncadd.s32 $0xFFFFD880  }
0x14: {  	[tilespmem:s12], [sflag:$0x1] =	stream.linear.gather [hbm4b:s7+s2], $0x2780, $0x38;
	[tilespmem:$0xF000] =	vst v63  }
0x15: {  	_ =	swait.ge [sflag:s10], $0x2780  }
0x16: {  	[sflag:s10] =	ssyncset.done $0x0  }
0x17: {  	[sflag:s10] =	ssyncadd.s32 $0xFFFFD880  }
0x18: {  	[tilespmem:s13], [sflag:$0x1] =	stream.linear.gather [hbm4b:s3+s2], $0x2800, $0x38;
	[tilespmem:$0xF000] =	vst v63  }
0x19: {  	_ =	swait.ge [sflag:s10], $0x2800  }
0x1a: {  	[sflag:s10] =	ssyncset.done $0x0  }
0x1b: {  	[sflag:s10] =	ssyncadd.s32 $0xFFFFD800  }
0x1c: {  	[tilespmem:s14], [sflag:$0x1] =	stream.linear.gather [hbm4b:s4+s2], $0x2800, $0x38;
	[tilespmem:$0xF000] =	vst v63  }
0x1d: {  	_ =	swait.ge [sflag:s10], $0x2800  }
0x1e: {  	[sflag:s10] =	ssyncset.done $0x0  }
0x1f: {  	s17 =	simm.s32 $0x0;
	[sflag:s10] =	ssyncadd.s32 $0xFFFFD800  }
.LBB2_2:
0x20: {  	s18 =	sshra.s32 s17, $0x2  }
0x21: {  	v0 =	vld [tilespmem:s18+$0x0]  }
0x22: {  	v1 =	vld [tilespmem:s18+$0x2800];
	_ =	sdelay $0x6  }
0x23: {  	v0 =	vld.idx.msk [tilespmem:v0+s13+$0x0], $0xffff  }
0x24: {  	v1 =	vld.idx.msk [tilespmem:v1+s14+$0x0], $0xffff;
	_ =	sdelay $0x4  }
0x25: {  	v0 =	vmul.f32 v1, v0;
	_ =	sdelay $0x1  }
0x26: {  	v0 =	vmax.f32 v0, $9.999999960e-13  }
0x27: {  	v22 =	vshra.s32 v0, $0x1;
	v0 =	vmul.f32 $5.000000000e-01, v0  }
0x28: {  	v1 =	vsub.s32 $0x5F3759DF, v22  }
0x29: {  	v2 =	vmul.f32 v1, v0;
	_ =	sdelay $0x1  }
0x2a: {  	v2 =	vmul.f32 v1, v2;
	_ =	sdelay $0x1  }
0x2b: {  	v2 =	vsub.f32 $1.500000000e+00, v2;
	_ =	sdelay $0x1  }
0x2c: {  	v1 =	vmul.f32 v1, v2;
	_ =	sdelay $0x1  }
0x2d: {  	v2 =	vmul.f32 v1, v0;
	_ =	sdelay $0x1  }
0x2e: {  	v2 =	vmul.f32 v2, v1;
	_ =	sdelay $0x1  }
0x2f: {  	v2 =	vsub.f32 $1.500000000e+00, v2;
	_ =	sdelay $0x1  }
0x30: {  	v1 =	vmul.f32 v2, v1;
	_ =	sdelay $0x1  }
0x31: {  	v0 =	vmul.f32 v1, v0;
	_ =	sdelay $0x1  }
0x32: {  	v23 =	vld [tilespmem:s18+$0x5000];
	v0 =	vmul.f32 v0, v1  }
0x33: {  	v3 =	vld [tilespmem:s18+$0x10]  }
0x34: {  	v4 =	vld [tilespmem:s18+$0x2810];
	v0 =	vsub.f32 $1.500000000e+00, v0;
	_ =	sdelay $0x1  }
0x35: {  	v0 =	vmul.f32 v0, v1;
	_ =	sdelay $0x1  }
0x36: {  	v0 =	vmul.f32 v0, v23;
	_ =	sdelay $0x1  }
0x37: {  	[tilespmem:s18+$0x7800] =	vst v0  }
0x38: {  	v0 =	vld.idx.msk [tilespmem:v3+s13+$0x0], $0xffff  }
0x39: {  	v24 =	vld.idx.msk [tilespmem:v4+s14+$0x0], $0xffff;
	_ =	sdelay $0x4  }
0x3a: {  	v0 =	vmul.f32 v24, v0;
	_ =	sdelay $0x1  }
0x3b: {  	v0 =	vmax.f32 v0, $9.999999960e-13  }
0x3c: {  	v25 =	vshra.s32 v0, $0x1;
	v0 =	vmul.f32 $5.000000000e-01, v0  }
0x3d: {  	v1 =	vsub.s32 $0x5F3759DF, v25  }
0x3e: {  	v26 =	vmul.f32 v1, v0;
	_ =	sdelay $0x1  }
0x3f: {  	v2 =	vmul.f32 v1, v26;
	_ =	sdelay $0x1  }
0x40: {  	v2 =	vsub.f32 $1.500000000e+00, v2;
	_ =	sdelay $0x1  }
0x41: {  	v1 =	vmul.f32 v1, v2;
	_ =	sdelay $0x1  }
0x42: {  	v2 =	vmul.f32 v1, v0;
	_ =	sdelay $0x1  }
0x43: {  	v2 =	vmul.f32 v2, v1;
	_ =	sdelay $0x1  }
0x44: {  	v2 =	vsub.f32 $1.500000000e+00, v2;
	_ =	sdelay $0x1  }
0x45: {  	v1 =	vmul.f32 v2, v1;
	_ =	sdelay $0x1  }
0x46: {  	v0 =	vmul.f32 v1, v0;
	_ =	sdelay $0x1  }
0x47: {  	v27 =	vld [tilespmem:s18+$0x5010];
	v0 =	vmul.f32 v0, v1  }
0x48: {  	v28 =	vld [tilespmem:s18+$0x20]  }
0x49: {  	v29 =	vld [tilespmem:s18+$0x2820];
	v0 =	vsub.f32 $1.500000000e+00, v0;
	_ =	sdelay $0x1  }
0x4a: {  	v0 =	vmul.f32 v0, v1;
	_ =	sdelay $0x1  }
0x4b: {  	v0 =	vmul.f32 v0, v27;
	_ =	sdelay $0x1  }
0x4c: {  	[tilespmem:s18+$0x7810] =	vst v0  }
0x4d: {  	v0 =	vld.idx.msk [tilespmem:v28+s13+$0x0], $0xffff  }
0x4e: {  	v30 =	vld.idx.msk [tilespmem:v29+s14+$0x0], $0xffff;
	_ =	sdelay $0x4  }
0x4f: {  	v0 =	vmul.f32 v30, v0;
	_ =	sdelay $0x1  }
0x50: {  	v0 =	vmax.f32 v0, $9.999999960e-13  }
0x51: {  	v31 =	vshra.s32 v0, $0x1;
	v0 =	vmul.f32 $5.000000000e-01, v0  }
0x52: {  	v1 =	vsub.s32 $0x5F3759DF, v31  }
0x53: {  	v32 =	vmul.f32 v1, v0;
	_ =	sdelay $0x1  }
0x54: {  	v2 =	vmul.f32 v1, v32;
	_ =	sdelay $0x1  }
0x55: {  	v2 =	vsub.f32 $1.500000000e+00, v2;
	_ =	sdelay $0x1  }
0x56: {  	v1 =	vmul.f32 v1, v2;
	_ =	sdelay $0x1  }
0x57: {  	v2 =	vmul.f32 v1, v0;
	_ =	sdelay $0x1  }
0x58: {  	v2 =	vmul.f32 v2, v1;
	_ =	sdelay $0x1  }
0x59: {  	v2 =	vsub.f32 $1.500000000e+00, v2;
	_ =	sdelay $0x1  }
0x5a: {  	v1 =	vmul.f32 v2, v1;
	_ =	sdelay $0x1  }
0x5b: {  	v0 =	vmul.f32 v1, v0;
	_ =	sdelay $0x1  }
0x5c: {  	v33 =	vld [tilespmem:s18+$0x5020];
	v0 =	vmul.f32 v0, v1  }
0x5d: {  	v34 =	vld [tilespmem:s18+$0x30]  }
0x5e: {  	v35 =	vld [tilespmem:s18+$0x2830];
	v0 =	vsub.f32 $1.500000000e+00, v0;
	_ =	sdelay $0x1  }
0x5f: {  	v0 =	vmul.f32 v0, v1;
	_ =	sdelay $0x1  }
0x60: {  	v0 =	vmul.f32 v0, v33;
	_ =	sdelay $0x1  }
0x61: {  	[tilespmem:s18+$0x7820] =	vst v0  }
0x62: {  	v0 =	vld.idx.msk [tilespmem:v34+s13+$0x0], $0xffff  }
0x63: {  	v36 =	vld.idx.msk [tilespmem:v35+s14+$0x0], $0xffff;
	_ =	sdelay $0x4  }
0x64: {  	v0 =	vmul.f32 v36, v0;
	_ =	sdelay $0x1  }
0x65: {  	v0 =	vmax.f32 v0, $9.999999960e-13  }
0x66: {  	v37 =	vshra.s32 v0, $0x1;
	v0 =	vmul.f32 $5.000000000e-01, v0  }
0x67: {  	v1 =	vsub.s32 $0x5F3759DF, v37  }
0x68: {  	v38 =	vmul.f32 v1, v0;
	_ =	sdelay $0x1  }
0x69: {  	v2 =	vmul.f32 v1, v38;
	_ =	sdelay $0x1  }
0x6a: {  	v2 =	vsub.f32 $1.500000000e+00, v2;
	_ =	sdelay $0x1  }
0x6b: {  	v1 =	vmul.f32 v1, v2;
	_ =	sdelay $0x1  }
0x6c: {  	v2 =	vmul.f32 v1, v0;
	_ =	sdelay $0x1  }
0x6d: {  	v2 =	vmul.f32 v2, v1;
	_ =	sdelay $0x1  }
0x6e: {  	v2 =	vsub.f32 $1.500000000e+00, v2;
	_ =	sdelay $0x1  }
0x6f: {  	v1 =	vmul.f32 v2, v1;
	_ =	sdelay $0x1  }
0x70: {  	v0 =	vmul.f32 v1, v0;
	_ =	sdelay $0x1  }
0x71: {  	v39 =	vld [tilespmem:s18+$0x5030];
	v0 =	vmul.f32 v0, v1  }
0x72: {  	v40 =	vld [tilespmem:s18+$0x40]  }
0x73: {  	v41 =	vld [tilespmem:s18+$0x2840];
	v0 =	vsub.f32 $1.500000000e+00, v0;
	_ =	sdelay $0x1  }
0x74: {  	v0 =	vmul.f32 v0, v1;
	_ =	sdelay $0x1  }
0x75: {  	v0 =	vmul.f32 v0, v39;
	_ =	sdelay $0x1  }
0x76: {  	[tilespmem:s18+$0x7830] =	vst v0  }
0x77: {  	v0 =	vld.idx.msk [tilespmem:v40+s13+$0x0], $0xffff  }
0x78: {  	v42 =	vld.idx.msk [tilespmem:v41+s14+$0x0], $0xffff;
	_ =	sdelay $0x4  }
0x79: {  	v0 =	vmul.f32 v42, v0;
	_ =	sdelay $0x1  }
0x7a: {  	v0 =	vmax.f32 v0, $9.999999960e-13  }
0x7b: {  	v43 =	vshra.s32 v0, $0x1;
	v0 =	vmul.f32 $5.000000000e-01, v0  }
0x7c: {  	v1 =	vsub.s32 $0x5F3759DF, v43  }
0x7d: {  	v44 =	vmul.f32 v1, v0;
	_ =	sdelay $0x1  }
0x7e: {  	v2 =	vmul.f32 v1, v44;
	_ =	sdelay $0x1  }
0x7f: {  	v2 =	vsub.f32 $1.500000000e+00, v2;
	_ =	sdelay $0x1  }
0x80: {  	v1 =	vmul.f32 v1, v2;
	_ =	sdelay $0x1  }
0x81: {  	v2 =	vmul.f32 v1, v0;
	_ =	sdelay $0x1  }
0x82: {  	v2 =	vmul.f32 v2, v1;
	_ =	sdelay $0x1  }
0x83: {  	v2 =	vsub.f32 $1.500000000e+00, v2;
	_ =	sdelay $0x1  }
0x84: {  	v1 =	vmul.f32 v2, v1;
	_ =	sdelay $0x1  }
0x85: {  	v0 =	vmul.f32 v1, v0;
	_ =	sdelay $0x1  }
0x86: {  	v45 =	vld [tilespmem:s18+$0x5040];
	v0 =	vmul.f32 v0, v1  }
0x87: {  	v46 =	vld [tilespmem:s18+$0x50]  }
0x88: {  	v47 =	vld [tilespmem:s18+$0x2850];
	v0 =	vsub.f32 $1.500000000e+00, v0;
	_ =	sdelay $0x1  }
0x89: {  	v0 =	vmul.f32 v0, v1;
	_ =	sdelay $0x1  }
0x8a: {  	v0 =	vmul.f32 v0, v45;
	_ =	sdelay $0x1  }
0x8b: {  	[tilespmem:s18+$0x7840] =	vst v0  }
0x8c: {  	v0 =	vld.idx.msk [tilespmem:v46+s13+$0x0], $0xffff  }
0x8d: {  	v48 =	vld.idx.msk [tilespmem:v47+s14+$0x0], $0xffff;
	_ =	sdelay $0x4  }
0x8e: {  	v0 =	vmul.f32 v48, v0;
	_ =	sdelay $0x1  }
0x8f: {  	v0 =	vmax.f32 v0, $9.999999960e-13  }
0x90: {  	v49 =	vshra.s32 v0, $0x1;
	v0 =	vmul.f32 $5.000000000e-01, v0  }
0x91: {  	v1 =	vsub.s32 $0x5F3759DF, v49  }
0x92: {  	v50 =	vmul.f32 v1, v0;
	_ =	sdelay $0x1  }
0x93: {  	v2 =	vmul.f32 v1, v50;
	_ =	sdelay $0x1  }
0x94: {  	v2 =	vsub.f32 $1.500000000e+00, v2;
	_ =	sdelay $0x1  }
0x95: {  	v1 =	vmul.f32 v1, v2;
	_ =	sdelay $0x1  }
0x96: {  	v2 =	vmul.f32 v1, v0;
	_ =	sdelay $0x1  }
0x97: {  	v2 =	vmul.f32 v2, v1;
	_ =	sdelay $0x1  }
0x98: {  	v2 =	vsub.f32 $1.500000000e+00, v2;
	_ =	sdelay $0x1  }
0x99: {  	v1 =	vmul.f32 v2, v1;
	_ =	sdelay $0x1  }
0x9a: {  	v0 =	vmul.f32 v1, v0;
	_ =	sdelay $0x1  }
0x9b: {  	v51 =	vld [tilespmem:s18+$0x5050];
	v0 =	vmul.f32 v0, v1  }
0x9c: {  	v52 =	vld [tilespmem:s18+$0x60]  }
0x9d: {  	v53 =	vld [tilespmem:s18+$0x2860];
	v0 =	vsub.f32 $1.500000000e+00, v0;
	_ =	sdelay $0x1  }
0x9e: {  	v0 =	vmul.f32 v0, v1;
	_ =	sdelay $0x1  }
0x9f: {  	v0 =	vmul.f32 v0, v51;
	_ =	sdelay $0x1  }
0xa0: {  	[tilespmem:s18+$0x7850] =	vst v0  }
0xa1: {  	v0 =	vld.idx.msk [tilespmem:v52+s13+$0x0], $0xffff  }
0xa2: {  	v54 =	vld.idx.msk [tilespmem:v53+s14+$0x0], $0xffff;
	_ =	sdelay $0x4  }
0xa3: {  	v0 =	vmul.f32 v54, v0;
	_ =	sdelay $0x1  }
0xa4: {  	v0 =	vmax.f32 v0, $9.999999960e-13  }
0xa5: {  	v55 =	vshra.s32 v0, $0x1;
	v0 =	vmul.f32 $5.000000000e-01, v0  }
0xa6: {  	v1 =	vsub.s32 $0x5F3759DF, v55  }
0xa7: {  	v56 =	vmul.f32 v1, v0;
	_ =	sdelay $0x1  }
0xa8: {  	v2 =	vmul.f32 v1, v56;
	_ =	sdelay $0x1  }
0xa9: {  	v2 =	vsub.f32 $1.500000000e+00, v2;
	_ =	sdelay $0x1  }
0xaa: {  	v1 =	vmul.f32 v1, v2;
	_ =	sdelay $0x1  }
0xab: {  	v2 =	vmul.f32 v1, v0;
	_ =	sdelay $0x1  }
0xac: {  	v2 =	vmul.f32 v2, v1;
	_ =	sdelay $0x1  }
0xad: {  	v2 =	vsub.f32 $1.500000000e+00, v2;
	_ =	sdelay $0x1  }
0xae: {  	v1 =	vmul.f32 v2, v1;
	_ =	sdelay $0x1  }
0xaf: {  	v0 =	vmul.f32 v1, v0;
	_ =	sdelay $0x1  }
0xb0: {  	v57 =	vld [tilespmem:s18+$0x5060];
	v0 =	vmul.f32 v0, v1  }
0xb1: {  	v58 =	vld [tilespmem:s18+$0x70]  }
0xb2: {  	v59 =	vld [tilespmem:s18+$0x2870];
	v0 =	vsub.f32 $1.500000000e+00, v0;
	_ =	sdelay $0x1  }
0xb3: {  	v0 =	vmul.f32 v0, v1;
	_ =	sdelay $0x1  }
0xb4: {  	v0 =	vmul.f32 v0, v57;
	_ =	sdelay $0x1  }
0xb5: {  	[tilespmem:s18+$0x7860] =	vst v0  }
0xb6: {  	v0 =	vld.idx.msk [tilespmem:v58+s13+$0x0], $0xffff  }
0xb7: {  	v60 =	vld.idx.msk [tilespmem:v59+s14+$0x0], $0xffff;
	_ =	sdelay $0x4  }
0xb8: {  	v0 =	vmul.f32 v60, v0;
	_ =	sdelay $0x1  }
0xb9: {  	v0 =	vmax.f32 v0, $9.999999960e-13  }
0xba: {  	v61 =	vshra.s32 v0, $0x1;
	v0 =	vmul.f32 $5.000000000e-01, v0  }
0xbb: {  	v1 =	vsub.s32 $0x5F3759DF, v61  }
0xbc: {  	v62 =	vmul.f32 v1, v0;
	_ =	sdelay $0x1  }
0xbd: {  	v2 =	vmul.f32 v1, v62;
	_ =	sdelay $0x1  }
0xbe: {  	v2 =	vsub.f32 $1.500000000e+00, v2;
	_ =	sdelay $0x1  }
0xbf: {  	v1 =	vmul.f32 v1, v2;
	_ =	sdelay $0x1  }
0xc0: {  	v2 =	vmul.f32 v1, v0;
	_ =	sdelay $0x1  }
0xc1: {  	v2 =	vmul.f32 v2, v1;
	_ =	sdelay $0x1  }
0xc2: {  	v2 =	vsub.f32 $1.500000000e+00, v2;
	_ =	sdelay $0x1  }
0xc3: {  	v1 =	vmul.f32 v2, v1;
	_ =	sdelay $0x1  }
0xc4: {  	v0 =	vmul.f32 v1, v0;
	_ =	sdelay $0x1  }
0xc5: {  	v0 =	vmul.f32 v0, v1  }
0xc6: {  	v63 =	vld [tilespmem:s18+$0x5070]  }
0xc7: {  	v0 =	vsub.f32 $1.500000000e+00, v0  }
0xc8: {  	p0 =	sne.s32 s17, $0x9C00  }
.Ltmp0:
0xc9: {  	v0 =	vmul.f32 v0, v1;
	(pc) =	sbr.rel @p0 .LBB2_2-.Ltmp0, $3  }
0xca: {  	_ = 	snop  }
0xcb: {  	v0 =	vmul.f32 v0, v63;
	_ =	sdelay $0x1  }
0xcc: {  	s17 =	sadd.s32 $0x200, s17;
	[tilespmem:s18+$0x7870] =	vst v0  }
0xcd: {  	s16 =	sadd.s32 $0x1, s16  }
0xce: {  	p0 =	sne.s32 s16, s9  }
.Ltmp1:
0xcf: {  	_ = 	snop;
	(pc) =	sbr.rel @p0 .LBB2_1-.Ltmp1, $4  }
0xd0: {  	[hbm4b:s8+s2] =	stream.linear.scatter [tilespmem:s15], [sflag:$0x1], $0x2780, $0x38;
	[tilespmem:$0xF000] =	vst v63  }
0xd1: {  	_ =	swait.ge [sflag:s10], $0x2780  }
0xd2: {  	[sflag:s10] =	ssyncset.done $0x0  }
0xd3: {  	[sflag:s10] =	ssyncadd.s32 $0xFFFFD880  }
0xd4: {  	_ =	sfence.sel $0x180000  }
0xd5: {  	[bflag:$0x0] =	sbarrier.arrive $0xFFFF  }
0xd6: {  	p0 =	sne.s32 s0, $0x0;
	_ =	strace $0x9000004A  }
0xd7: {  	s0 =	sadd.s32 @!p0 $0x100000, s1;
	[bflag:$0x2] =	sbarrier.arrive $0xFFFF  }
0xd8: {  	[sflag:s0] =	ssyncadd.tile.s32 @!p0 $0x1;
	_ =	shalt  }
.Lfunc_end2:
_tile_overlayer_lowered:
.L_overlay_start_2:
0xd9: {  	(tag) =	ssettag $0x2  }
0xda: {  	s0 =	rddreg [dreg:$0x0];
	s2 =	stileid.u32  }
0xdb: {  	s1 =	rddreg [dreg:$0x1];
	p0 =	sne.s32 s2, $0x0  }
0xdc: {  	s3 =	rddreg [dreg:$0x2];
	[bflag:$0x3] =	sbarrier.arrive $0xFFFF;
	s2 =	simm.s32 @!p0 $0x1C01  }
0xdd: {  	[timem:s3], [sflag:s2] =	dma.local @!p0 [hbm:s0], s1  }
0xde: {  	s0 =	simm.s32 @!p0 $0x1  }
0xdf: {  	_ =	swait.ge @!p0 [sflag:s0], s1  }
0xe0: {  	s1 =	ssub.s32 @!p0 $0x0, s1;
	[sflag:s0] =	ssyncset.done @!p0 $0x0  }
0xe1: {  	[sflag:s0] =	ssyncadd.s32 @!p0 s1  }
0xe2: {  	[bflag:$0x3] =	sbarrier.arrive $0xFFFF  }
0xe3: {  	_ =	shalt  }

// kernel: kernel.18.cloned.1.call-start
scs
__scs_entry_jumppad:
0x0: {  	(pc) =	sbr.rel $0x88, $3  }
0x1: {  	(tag) =	ssettag $0x0;
	lr =	simm.s32 $0x1  }
0x2: {  	[smem:$0x3F97] =	sst lr;
	_ =	strace $0xD0000000  }
0x3: {  	_ = 	snop  }
0x4: {  	_ = 	snop  }
0x5: {  	_ = 	snop  }
0x6: {  	_ = 	snop  }
0x7: {  	_ = 	snop  }
__scs_overlays_trampoline_lowered:
0x8: {  	[smem:$0x3FA6] =	sst s0  }
0x9: {  	[smem:$0x3FA7] =	sst s1  }
0xa: {  	[smem:$0x3FA8] =	sst s2  }
0xb: {  	[smem:$0x3FA9] =	sst s3  }
0xc: {  	[smem:$0x3FAA] =	sst s4  }
0xd: {  	[smem:$0x3FAB] =	sst s5  }
0xe: {  	[smem:$0x3FAC] =	sst s6  }
0xf: {  	[smem:$0x3FAD] =	sst s7  }
0x10: {  	[smem:$0x3FAE] =	sst s8  }
0x11: {  	[smem:$0x3FAF] =	sst s9;
	s0 =	simm.s32 @!p0 $0x0  }
0x12: {  	s1 =	sld [smem:$0x3F95];
	s0 =	simm.s32 @p0 $0x1  }
0x13: {  	[smem:$0x3FB0] =	sst s0;
	s0 =	simm.s32 @!p1 $0x0  }
0x14: {  	s2 =	sld [smem:$0x3F94];
	s0 =	simm.s32 @p1 $0x1  }
0x15: {  	[smem:$0x3FB1] =	sst s0;
	s0 =	simm.s32 @!p2 $0x0  }
0x16: {  	s3 =	sld [smem:$0x3FDB];
	s0 =	simm.s32 @p2 $0x1  }
0x17: {  	s4 =	simm.s32 $0x1BF5;
	[smem:$0x3FB3] =	sst s0  }
0x18: {  	s0 =	sld [smem:$0x3F96];
	_ =	swait.ge [sflag:s4], $0x0  }
0x19: {  	s7 =	sld [smem:$0x3F97]  }
0x1a: {  	s8 =	sadd.s32 $0xFFFFE003, lr  }
0x1b: {  	s9 =	sadd.s32 $0xFFFFFEF7, lr;
	s5 =	simm.s32 $0xFFFFFFFF;
	p2 =	slt.u32 s8, $0xFFFFF086  }
0x1c: {  	p1 =	slt.u32 s9, $0xF7A;
	s5 =	simm.s32 @!p2 $0x0  }
0x1d: {  	s5 =	simm.s32 @p1 $0x1;
	p0 =	seq.s32 s7, s2  }
0x1e: {  	s7 =	smul.u32 @!p0 $0xF7A, s2;
	p2 =	seq.s32 @!p0 s5, $0x0  }
0x1f: {  	s9 =	smul.u32 $0xF7A, s1;
	s8 =	simm.s32 @!p0 $0x1BF5;
	p2 =	por !p2, p0  }
0x20: {  	[sflag:s8] =	ssyncset.s32 @!p0 $0xFFFFF086;
	s6 =	sadd.s32 @!p0 s3, s7;
	s7 =	simm.s32 @!p0 $0x108  }
0x21: {  	s3 =	sadd.s32 s3, s9;
	s6 =	sadd.s32 @!p0 $0x88, s6;
	s7 =	simm.s32 @p2 $0x1082  }
0x22: {  	[simem:s7], [sflag:s8] =	dma.local @!p0 [hbm:s6], $0xF7A  }
0x23: {  	s9 =	sor.u32 $0xD0000000, s2;
	s6 =	simm.s32 $0x108;
	_ =	swait.ge @!p0 [sflag:s8], $0x0  }
0x24: {  	s3 =	sadd.s32 $0x88, s3;
	s6 =	simm.s32 @!p1 $0x1082;
	[sflag:s4] =	ssyncset.s32 $0xFFFFF086  }
0x25: {  	[simem:s6], [sflag:s4] =	dma.local [hbm:s3], $0xF7A  }
0x26: {  	[smem:$0x3F97] =	sst s1;
	(tag) =	ssettag s2;
	_ =	strace s9  }
0x27: {  	s1 =	sld [smem:$0x3FA7]  }
0x28: {  	s2 =	sld [smem:$0x3FA8]  }
0x29: {  	s4 =	sld [smem:$0x3FAA]  }
0x2a: {  	p0 =	seq.s32 s5, $0x0;
	s5 =	sld [smem:$0x3FAB]  }
0x2b: {  	s6 =	sld [smem:$0x3FAC]  }
0x2c: {  	s7 =	sld [smem:$0x3FAD]  }
0x2d: {  	s3 =	simm.s32 $0x108;
	s8 =	sld [smem:$0x3FAE]  }
0x2e: {  	s3 =	simm.s32 @!p0 $0x1082;
	s9 =	sld [smem:$0x3FAF]  }
0x2f: {  	lr =	sadd.s32 s0, s3;
	s0 =	sld [smem:$0x3FA6]  }
0x30: {  	s3 =	sld [smem:$0x3FA9]  }
0x31: {  	[smem:$0x3FB2] =	sst s10  }
0x32: {  	s10 =	sld [smem:$0x3FB0];
	_ =	sdelay $0x3  }
0x33: {  	p0 =	seq.s32 s10, $0x1;
	s10 =	sld [smem:$0x3FB2];
	_ =	sdelay $0x3  }
0x34: {  	[smem:$0x3FB2] =	sst s10  }
0x35: {  	s10 =	sld [smem:$0x3FB1];
	_ =	sdelay $0x3  }
0x36: {  	p1 =	seq.s32 s10, $0x1;
	s10 =	sld [smem:$0x3FB2];
	_ =	sdelay $0x3  }
0x37: {  	[smem:$0x3FB2] =	sst s10  }
0x38: {  	s10 =	sld [smem:$0x3FB3]  }
0x39: {  	_ = 	snop;
	(pc) =	sbr.ind lr, $3  }
0x3a: {  	_ = 	snop  }
0x3b: {  	_ = 	snop  }
0x3c: {  	p2 =	seq.s32 s10, $0x1;
	s10 =	sld [smem:$0x3FB2]  }
0x3d: {  	_ =	shalt  }
0x3e: {  	_ =	shalt  }
0x3f: {  	_ =	shalt  }
0x40: {  	_ =	shalt  }
0x41: {  	_ =	shalt  }
0x42: {  	_ =	shalt  }
0x43: {  	_ =	shalt  }
0x44: {  	_ =	shalt  }
0x45: {  	_ =	shalt  }
0x46: {  	_ =	shalt  }
0x47: {  	_ =	shalt  }
0x48: {  	_ =	shalt  }
0x49: {  	_ =	shalt  }
0x4a: {  	_ =	shalt  }
0x4b: {  	_ =	shalt  }
0x4c: {  	_ =	shalt  }
0x4d: {  	_ =	shalt  }
0x4e: {  	_ =	shalt  }
0x4f: {  	_ =	shalt  }
0x50: {  	_ =	shalt  }
0x51: {  	_ =	shalt  }
0x52: {  	_ =	shalt  }
0x53: {  	_ =	shalt  }
0x54: {  	_ =	shalt  }
0x55: {  	_ =	shalt  }
0x56: {  	_ =	shalt  }
0x57: {  	_ =	shalt  }
0x58: {  	_ =	shalt  }
0x59: {  	_ =	shalt  }
0x5a: {  	_ =	shalt  }
0x5b: {  	_ =	shalt  }
0x5c: {  	_ =	shalt  }
0x5d: {  	_ =	shalt  }
0x5e: {  	_ =	shalt  }
0x5f: {  	_ =	shalt  }
0x60: {  	_ =	shalt  }
0x61: {  	_ =	shalt  }
0x62: {  	_ =	shalt  }
0x63: {  	_ =	shalt  }
0x64: {  	_ =	shalt  }
0x65: {  	_ =	shalt  }
0x66: {  	_ =	shalt  }
0x67: {  	_ =	shalt  }
0x68: {  	_ =	shalt  }
0x69: {  	_ =	shalt  }
0x6a: {  	_ =	shalt  }
0x6b: {  	_ =	shalt  }
0x6c: {  	_ =	shalt  }
0x6d: {  	_ =	shalt  }
0x6e: {  	_ =	shalt  }
0x6f: {  	_ =	shalt  }
0x70: {  	_ =	shalt  }
0x71: {  	_ =	shalt  }
0x72: {  	_ =	shalt  }
0x73: {  	_ =	shalt  }
0x74: {  	_ =	shalt  }
0x75: {  	_ =	shalt  }
0x76: {  	_ =	shalt  }
0x77: {  	_ =	shalt  }
0x78: {  	_ =	shalt  }
0x79: {  	_ =	shalt  }
0x7a: {  	_ =	shalt  }
0x7b: {  	_ =	shalt  }
0x7c: {  	_ =	shalt  }
0x7d: {  	_ =	shalt  }
0x7e: {  	_ =	shalt  }
0x7f: {  	_ =	shalt  }
0x80: {  	_ =	shalt  }
0x81: {  	_ =	shalt  }
0x82: {  	_ =	shalt  }
0x83: {  	_ =	shalt  }
0x84: {  	_ =	shalt  }
0x85: {  	_ =	shalt  }
0x86: {  	_ =	shalt  }
0x87: {  	_ =	shalt  }
.Lfunc_end0:
.L_simem_size_0:
called_computation.2_lowered:
.L_overlay_start_0:
0x88: {  	s2 =	sld [smem:$0x3FD9]  }
0x89: {  	s3 =	sld [smem:$0x3FFE];
	_ =	sdelay $0x1  }
0x8a: {  	s1 =	srdreg.scid  }
0x8b: {  	s0 =	sand.u32 $0x1, s1  }
0x8c: {  	s17 =	sshll.u32 s0, $0xA;
	s2 =	sadd.s32 s3, s2  }
0x8d: {  	s2 =	sadd.s32 s2, s17  }
0x8e: {  	[smem:$0x3FBE] =	sst s2  }
0x8f: {  	_ = 	snop  }
0x90: {  	s2 =	sld [smem:$0x3FD0];
	(tm) =	ssettm $0x1  }
0x91: {  	s18 =	sld [smem:$0x3FFB];
	_ =	sdelay $0x3  }
0x92: {  	_ =	strace s18  }
0x93: {  	s3 =	sld [smem:$0x3FFC];
	_ =	sdelay $0x3  }
0x94: {  	_ =	strace s3  }
0x95: {  	s3 =	sld [smem:$0x3FFD];
	_ =	sdelay $0x3  }
0x96: {  	_ =	strace s3  }
0x97: {  	_ =	strace $0x8FFFFFFF  }
0x98: {  	s19 =	sld [smem:$0x3FDB];
	_ =	sdelay $0x1  }
0x99: {  	s4 =	simm.s32 $_scs_section_size  }
0x9a: {  	s5 =	simm.s32 $_size__tile_overlayer_lowered;
	s6 =	simm.s32 $_tile_overlayer_lowered  }
0x9b: {  	s22 =	simm.s32 $0x1BFF;
	s21 =	sshll.u32 s6, $0x1;
	s3 =	sadd.s32 s4, s19  }
0x9c: {  	s7 =	simm.s32 $0x0;
	s20 =	sshll.u32 s5, $0x1;
	s5 =	sadd.s32 s21, s3  }
0x9d: {  	[timem:s7], [sflag:s22] =	dma.local [hbm:s5], s20  }
0x9e: {  	_ =	swait.ge [sflag:s22], s20  }
0x9f: {  	s4 =	ssub.s32 $0x0, s20;
	[sflag:s22] =	ssyncset.done $0x0  }
0xa0: {  	[sflag:s22] =	ssyncadd.s32 s4;
	_ =	sdelay $0x1  }
0xa1: {  	s23 =	simm.s32 $0x1B8B  }
0xa2: {  	_ =	swait.ge [sflag:s23], $0x1  }
0xa3: {  	[sflag:s23] =	ssyncset.done $0x0  }
0xa4: {  	s25 =	simm.s32 $0x1B8E;
	s24 =	sld [smem:$0x3FFE];
	[sflag:s23] =	ssyncadd.s32 $0xFFFFFFFF  }
0xa5: {  	s26 =	simm.s32 $execute0_lowered;
	[smem:$0x3FD2] =	sst s25  }
0xa6: {  	s5 =	sshll.u32 s26, $0x1;
	_ =	strace $0x8000004C;
	[dreg:$0x1] =	wrdreg $0xFFFFFFFF  }
0xa7: {  	s28 =	simm.s32 $_size_execute0_lowered;
	s3 =	sadd.s32 s3, s5;
	[dreg:$0x0] =	wrdreg $0x0  }
0xa8: {  	s5 =	sshll.u32 s28, $0x1;
	[dreg:$0x2] =	wrdreg s3  }
0xa9: {  	[dreg:$0x3] =	wrdreg s5  }
0xaa: {  	[dreg:$0x4] =	wrdreg $0xC0  }
0xab: {  	_ =	task [dreg:s7], $0x5FFFF  }
0xac: {  	[dreg:$0x1] =	wrdreg $0xFFFFFFFF  }
0xad: {  	[dreg:$0x0] =	wrdreg $0x60  }
0xae: {  	[dreg:$0x2] =	wrdreg s24  }
0xaf: {  	[dreg:$0x3] =	wrdreg s2  }
0xb0: {  	[dreg:$0x4] =	wrdreg $0xC0000  }
0xb1: {  	[dreg:$0x5] =	wrdreg $0x9  }
0xb2: {  	_ =	task.clear_ibuf [dreg:s7], $0x6FFFF;
	_ =	strace $0x9000004C  }
0xb3: {  	s29 =	simm.s32 $0x9;
	_ =	strace $0x8000004E  }
0xb4: {  	_ =	swait.ge [sflag:s29], $0x1  }
0xb5: {  	[sflag:s29] =	ssyncadd.s32 $0xFFFFFFFF  }
0xb6: {  	_ =	strace $0x9000004E  }
0xb7: {  	_ =	sfence  }
0xb8: {  	s30 =	sld [smem:$0x0];
	_ =	sdelay $0x2  }
0xb9: {  	s31 =	sshll.u32 s1, $0xD;
	s1 =	sshrl.u32 s1, $0x2  }
0xba: {  	s3 =	sand.u32 $0x4000, s31;
	s1 =	sadd.s32 s1, s30  }
0xbb: {  	s0 =	sor.u32 s3, s0;
	s1 =	sshll.u32 s1, $0x11  }
0xbc: {  	s0 =	sor.u32 s1, s0  }
0xbd: {  	s0 =	sadd.s32 $0x8F2B, s0  }
0xbe: {  	[sflag:s0] =	ssyncadd.remote.s32 $0x1  }
0xbf: {  	_ =	sfence.sel $0xFFFF  }
0xc0: {  	[dreg:$0x0] =	wrdreg $0xFFFFFFFF;
	(pc) =	sbr.abs _section_cstart, $3  }
0xc1: {  	[dreg:$0x1] =	wrdreg $0xFFFFFFFF  }
0xc2: {  	_ =	task.clear_ibuf [dreg:s7], $0x2FFFF;
	_ =	strace $0x9FFFFFFF  }
0xc3: {  	(tm) =	ssettm $0x7FFFFFFF  }
tec
execute0_lowered:
.L_overlay_start_1:
0x0: {  	(tag) =	ssettag $0x1  }
0x1: {  	s5 =	rddreg [dreg:$0x0]  }
0x2: {  	s6 =	rddreg [dreg:$0x1]  }
0x3: {  	s2 =	rddreg [dreg:$0x2];
	s3 =	srdreg.scid  }
0x4: {  	s0 =	rddreg [dreg:$0x3];
	s1 =	stileid.u32;
	s14 =	simm.s32 $0x5000  }
0x5: {  	s15 =	simm.s32 $0x80;
	s16 =	simm.s32 $0x7800;
	s17 =	simm.s32 $0x1  }
0x6: {  	s7 =	sand.u32 $0x1, s3;
	s3 =	simm.s32 $0x0;
	s10 =	smul.u32 $0x14000, s1  }
0x7: {  	s4 =	sshll.u32 s1, $0x1;
	s30 =	smul.u32 $0x50000, s1;
	s18 =	sshll.u32 s1, $0x6  }
0x8: {  	s8 =	smul.u32 $0x140000, s7;
	[smem:$0x7FF] =	sst s3;
	s9 =	sor.u32 s7, s4  }
0x9: {  	s4 =	sadd.s32 $0x22800, s5;
	s7 =	ssub.s32 $0x2, s7;
	s18 =	sor.u32 $0x1C02, s18  }
0xa: {  	v0 =	vlaneseq.u32;
	_ =	strace $0x8000004D;
	s9 =	smul.u32 $0x500, s9;
	s12 =	sshrl.u32 s7, $0x1  }
0xb: {  	v0 =	vmul.u32 $0x80, v0;
	s31 =	sshrl.u32 s30, $0x2;
	s8 =	sadd.s32 s10, s8;
	s12 =	ssub.s32 s7, s12  }
0xc: {  	s11 =	sadd.s32 s9, s5;
	s8 =	sshrl.u32 s8, $0x3;
	s6 =	sadd.s32 s6, s9  }
0xd: {  	v1 =	vimm.f32 $0.0e+00;
	v2 =	vor.u32 $0x800, v0;
	s10 =	smax.u32 s12, $0x1;
	s12 =	simm.s32 $0x2;
	s13 =	sadd.s32 s8, s5  }
0xe: {  	v3 =	vor.u32 $0x1000, v0;
	v4 =	vor.u32 $0x1800, v0;
	v5 =	vor.u32 $0x2000, v0;
	s5 =	sadd.s32 s31, s2;
	s7 =	sadd.s32 $0x3C00, s11;
	s8 =	sadd.s32 $0x18800, s11  }
0xf: {  	v6 =	vor.u32 $0x2800, v0;
	v7 =	vor.u32 $0x3000, v0;
	v8 =	vor.u32 $0x3800, v0;
	s11 =	simm.s32 $0xB800;
	s9 =	sadd.s32 $0x4A800, s13;
	s13 =	simm.s32 $0x2800  }
.LBB2_1:
0x10: {  	s19 =	simm.s32 $0x0;
	s20 =	simm.s32 $0x200  }
.LBB2_2:
0x11: {  	p0 =	sne.s32 s20, $0x1E00;
	[tilespmem:s19+$0xB870] =	vst v1  }
0x12: {  	[tilespmem:s19+$0xB800] =	vst v1  }
0x13: {  	[tilespmem:s19+$0xB810] =	vst v1  }
.Ltmp0:
0x14: {  	[tilespmem:s19+$0xB820] =	vst v1;
	(pc) =	sbr.rel @p0 .LBB2_2-.Ltmp0, $4  }
0x15: {  	[tilespmem:s19+$0xB830] =	vst v1  }
0x16: {  	[tilespmem:s19+$0xB840] =	vst v1  }
0x17: {  	[tilespmem:s19+$0xB850] =	vst v1  }
0x18: {  	[tilespmem:s19+$0xB860] =	vst v1;
	s19 =	sshra.s32 s20, $0x2;
	s20 =	sadd.s32 $0x200, s20  }
0x19: {  	[tilespmem:s19+$0xB870] =	vst v1  }
0x1a: {  	[tilespmem:s19+$0xB800] =	vst v1  }
0x1b: {  	[tilespmem:s19+$0xB810] =	vst v1  }
0x1c: {  	[tilespmem:s19+$0xB820] =	vst v1  }
0x1d: {  	[tilespmem:s19+$0xB830] =	vst v1  }
0x1e: {  	[tilespmem:s19+$0xB840] =	vst v1  }
0x1f: {  	[tilespmem:s19+$0xB850] =	vst v1  }
0x20: {  	[tilespmem:s19+$0xB860] =	vst v1;
	s31 =	sadd.s32 $0x0, s5  }
0x21: {  	[spmem:s31] =	stream.linear.scatter [tilespmem:s11], [sflag:$0x2], $0x800, $0x38;
	v63 =	vld [tilespmem:$0x0]  }
0x22: {  	s19 =	simm.s32 $0x2000;
	_ =	swait.ge [sflag:s12], $0x800  }
.LBB2_4:
0x23: {  	s20 =	sshra.s32 s19, $0x2;
	[sflag:s12] =	ssyncset.done $0x0;
	p0 =	sne.s32 s19, $0x4E000  }
.Ltmp1:
0x24: {  	s20 =	sadd.s32 s20, s5;
	[sflag:s12] =	ssyncadd.s32 $0xFFFFF800;
	(pc) =	sbr.rel @p0 .LBB2_4-.Ltmp1, $3  }
0x25: {  	[spmem:s20] =	stream.linear.scatter [tilespmem:s11], [sflag:$0x2], $0x800, $0x38;
	v63 =	vld [tilespmem:$0x0]  }
0x26: {  	s19 =	sadd.s32 $0x2000, s19;
	_ =	sdelay $0x1  }
0x27: {  	_ =	swait.ge [sflag:s12], $0x800  }
0x28: {  	[sflag:s12] =	ssyncset.done $0x0  }
0x29: {  	s19 =	simm.s32 $0x0;
	[sflag:s12] =	ssyncadd.s32 $0xFFFFF800  }
0x2a: {  	[tilespmem:s19], [sflag:$0x2] =	stream.linear.gather [hbm4b:s6+s19], $0x2780, $0x38;
	v63 =	vld [tilespmem:$0x0]  }
0x2b: {  	_ =	swait.ge [sflag:s12], $0x2780  }
0x2c: {  	[sflag:s12] =	ssyncset.done $0x0  }
0x2d: {  	[sflag:s12] =	ssyncadd.s32 $0xFFFFD880  }
0x2e: {  	[tilespmem:s13], [sflag:$0x2] =	stream.linear.gather [hbm4b:s7+s19], $0x2780, $0x38;
	v63 =	vld [tilespmem:$0x0]  }
0x2f: {  	_ =	swait.ge [sflag:s12], $0x2780  }
0x30: {  	[sflag:s12] =	ssyncset.done $0x0  }
0x31: {  	[sflag:s12] =	ssyncadd.s32 $0xFFFFD880  }
0x32: {  	[tilespmem:s14], [sflag:$0x2] =	stream.linear.gather [hbm4b:s8+s19], $0x2780, $0x38;
	v63 =	vld [tilespmem:$0x0]  }
0x33: {  	_ =	swait.ge [sflag:s12], $0x2780  }
0x34: {  	[sflag:s12] =	ssyncset.done $0x0  }
0x35: {  	[sflag:s12] =	ssyncadd.s32 $0xFFFFD880  }
0x36: {  	s20 =	simm.s32 $0x0;
	[bflag:$0x0] =	sbarrier.arrive $0xFFFF  }
.LBB2_6:
0x37: {  	v9 =	vmov s19  }
0x38: {  	v9 =	vand.u32 $0x7F, v9  }
0x39: {  	v17 =	vbroadcast v9, $0x0  }
0x3a: {  	s21 =	sshll.u32 s20, $0x7  }
0x3b: {  	[tilespmem:s16], [sflag:$0x1] =	stream.indirect.gather [hbm4b:s4+s15], $0x80, s21, s15, $0xb8;
	v18 =	vor.u32 v0, v17;
	v63 =	vld [tilespmem:$0x0]  }
0x3c: {  	_ =	swait.ge [sflag:s17], $0x4000  }
0x3d: {  	[sflag:s17] =	ssyncset.done $0x0  }
0x3e: {  	[sflag:s17] =	ssyncadd.s32 $0xFFFFC000  }
0x3f: {  	v16 =	vld [tilespmem:s21+$0x5000]  }
0x40: {  	v9 =	vld.idx.msk [tilespmem:v18+s16+$0x0], $0xffff  }
0x41: {  	v15 =	vld [tilespmem:s21+$0x5010]  }
0x42: {  	v14 =	vld [tilespmem:s21+$0x5020]  }
0x43: {  	v19 =	vor.u32 v2, v17;
	v13 =	vld [tilespmem:s21+$0x5030]  }
0x44: {  	v12 =	vld [tilespmem:s21+$0x5040]  }
0x45: {  	v11 =	vld [tilespmem:s21+$0x5050];
	v20 =	vmul.f32 v9, v16  }
0x46: {  	v10 =	vld [tilespmem:s21+$0x5060]  }
0x47: {  	v9 =	vld [tilespmem:s21+$0x5070];
	[tilespmem:v18+s16+$0x0] =	vst.idx.msk $0xffff, v20  }
0x48: {  	v18 =	vld.idx.msk [tilespmem:v19+s16+$0x0], $0xffff;
	_ =	sdelay $0x2  }
0x49: {  	v20 =	vor.u32 v3, v17;
	_ =	sdelay $0x1  }
0x4a: {  	v18 =	vmul.f32 v18, v15;
	_ =	sdelay $0x1  }
0x4b: {  	[tilespmem:v19+s16+$0x0] =	vst.idx.msk $0xffff, v18  }
0x4c: {  	v18 =	vld.idx.msk [tilespmem:v20+s16+$0x0], $0xffff;
	_ =	sdelay $0x2  }
0x4d: {  	v19 =	vor.u32 v4, v17;
	_ =	sdelay $0x1  }
0x4e: {  	v18 =	vmul.f32 v18, v14;
	_ =	sdelay $0x1  }
0x4f: {  	[tilespmem:v20+s16+$0x0] =	vst.idx.msk $0xffff, v18  }
0x50: {  	v18 =	vld.idx.msk [tilespmem:v19+s16+$0x0], $0xffff;
	_ =	sdelay $0x2  }
0x51: {  	v20 =	vor.u32 v5, v17;
	_ =	sdelay $0x1  }
0x52: {  	v18 =	vmul.f32 v18, v13;
	_ =	sdelay $0x1  }
0x53: {  	[tilespmem:v19+s16+$0x0] =	vst.idx.msk $0xffff, v18  }
0x54: {  	v18 =	vld.idx.msk [tilespmem:v20+s16+$0x0], $0xffff;
	_ =	sdelay $0x2  }
0x55: {  	v19 =	vor.u32 v6, v17;
	_ =	sdelay $0x1  }
0x56: {  	v18 =	vmul.f32 v18, v12;
	_ =	sdelay $0x1  }
0x57: {  	[tilespmem:v20+s16+$0x0] =	vst.idx.msk $0xffff, v18  }
0x58: {  	v18 =	vld.idx.msk [tilespmem:v19+s16+$0x0], $0xffff;
	_ =	sdelay $0x2  }
0x59: {  	v20 =	vor.u32 v7, v17;
	_ =	sdelay $0x1  }
0x5a: {  	v18 =	vmul.f32 v18, v11;
	_ =	sdelay $0x1  }
0x5b: {  	[tilespmem:v19+s16+$0x0] =	vst.idx.msk $0xffff, v18  }
0x5c: {  	v19 =	vld.idx.msk [tilespmem:v20+s16+$0x0], $0xffff;
	_ =	sdelay $0x2  }
0x5d: {  	v18 =	vor.u32 v8, v17;
	_ =	sdelay $0x1  }
0x5e: {  	v17 =	vmul.f32 v19, v10  }
0x5f: {  	s22 =	simm.s32 $0x1  }
0x60: {  	[tilespmem:v20+s16+$0x0] =	vst.idx.msk $0xffff, v17;
	v17 =	vmov s22  }
0x61: {  	v20 =	vld.idx.msk [tilespmem:v18+s16+$0x0], $0xffff;
	v17 =	vand.u32 $0x7F, v17  }
0x62: {  	v17 =	vbroadcast v17, $0x0;
	_ =	sdelay $0x1  }
0x63: {  	v19 =	vor.u32 v0, v17;
	_ =	sdelay $0x1  }
0x64: {  	s22 =	simm.s32 $0x2;
	v20 =	vmul.f32 v20, v9  }
.LBB2_7:
0x65: {  	_ = 	snop  }
0x66: {  	p0 =	sne.s32 s22, $0x7F;
	s23 =	smov.u32 s22;
	s22 =	sadd.s32 $0x1, s22;
	[tilespmem:v18+s16+$0x0] =	vst.idx.msk $0xffff, v20  }
0x67: {  	v18 =	vld.idx.msk [tilespmem:v19+s16+$0x0], $0xffff;
	_ =	sdelay $0x3  }
0x68: {  	v20 =	vor.u32 v2, v17;
	_ =	sdelay $0x1  }
0x69: {  	v18 =	vmul.f32 v18, v16;
	_ =	sdelay $0x1  }
0x6a: {  	[tilespmem:v19+s16+$0x0] =	vst.idx.msk $0xffff, v18  }
0x6b: {  	v18 =	vld.idx.msk [tilespmem:v20+s16+$0x0], $0xffff;
	_ =	sdelay $0x3  }
0x6c: {  	v19 =	vor.u32 v3, v17;
	_ =	sdelay $0x1  }
0x6d: {  	v18 =	vmul.f32 v18, v15;
	_ =	sdelay $0x1  }
0x6e: {  	[tilespmem:v20+s16+$0x0] =	vst.idx.msk $0xffff, v18  }
0x6f: {  	v18 =	vld.idx.msk [tilespmem:v19+s16+$0x0], $0xffff;
	_ =	sdelay $0x3  }
0x70: {  	v20 =	vor.u32 v4, v17;
	_ =	sdelay $0x1  }
0x71: {  	v18 =	vmul.f32 v18, v14;
	_ =	sdelay $0x1  }
0x72: {  	[tilespmem:v19+s16+$0x0] =	vst.idx.msk $0xffff, v18  }
0x73: {  	v18 =	vld.idx.msk [tilespmem:v20+s16+$0x0], $0xffff;
	_ =	sdelay $0x3  }
0x74: {  	v19 =	vor.u32 v5, v17;
	_ =	sdelay $0x1  }
0x75: {  	v18 =	vmul.f32 v18, v13;
	_ =	sdelay $0x1  }
0x76: {  	[tilespmem:v20+s16+$0x0] =	vst.idx.msk $0xffff, v18  }
0x77: {  	v18 =	vld.idx.msk [tilespmem:v19+s16+$0x0], $0xffff;
	_ =	sdelay $0x3  }
0x78: {  	v20 =	vor.u32 v6, v17;
	_ =	sdelay $0x1  }
0x79: {  	v18 =	vmul.f32 v18, v12;
	_ =	sdelay $0x1  }
0x7a: {  	[tilespmem:v19+s16+$0x0] =	vst.idx.msk $0xffff, v18  }
0x7b: {  	v18 =	vld.idx.msk [tilespmem:v20+s16+$0x0], $0xffff;
	_ =	sdelay $0x3  }
0x7c: {  	v19 =	vor.u32 v7, v17;
	_ =	sdelay $0x1  }
0x7d: {  	v18 =	vmul.f32 v18, v11;
	_ =	sdelay $0x1  }
0x7e: {  	[tilespmem:v20+s16+$0x0] =	vst.idx.msk $0xffff, v18  }
0x7f: {  	v20 =	vld.idx.msk [tilespmem:v19+s16+$0x0], $0xffff;
	_ =	sdelay $0x3  }
0x80: {  	v18 =	vor.u32 v8, v17;
	_ =	sdelay $0x1  }
0x81: {  	v17 =	vmul.f32 v20, v10;
	_ =	sdelay $0x1  }
0x82: {  	[tilespmem:v19+s16+$0x0] =	vst.idx.msk $0xffff, v17  }
0x83: {  	v17 =	vmov s23;
	v20 =	vld.idx.msk [tilespmem:v18+s16+$0x0], $0xffff  }
0x84: {  	v17 =	vand.u32 $0x7F, v17  }
.Ltmp2:
0x85: {  	v17 =	vbroadcast v17, $0x0;
	(pc) =	sbr.rel @p0 .LBB2_7-.Ltmp2, $3  }
0x86: {  	_ = 	snop  }
0x87: {  	v19 =	vor.u32 v0, v17;
	_ =	sdelay $0x1  }
0x88: {  	v20 =	vmul.f32 v20, v9  }
0x89: {  	_ =	sdelay $0x3  }
0x8a: {  	[tilespmem:v18+s16+$0x0] =	vst.idx.msk $0xffff, v20  }
0x8b: {  	v18 =	vld.idx.msk [tilespmem:v19+s16+$0x0], $0xffff;
	_ =	sdelay $0x2  }
0x8c: {  	v56 =	vor.u32 v2, v17;
	_ =	sdelay $0x1  }
0x8d: {  	v16 =	vmul.f32 v18, v16;
	_ =	sdelay $0x1  }
0x8e: {  	[tilespmem:v19+s16+$0x0] =	vst.idx.msk $0xffff, v16  }
0x8f: {  	v16 =	vld.idx.msk [tilespmem:v56+s16+$0x0], $0xffff;
	_ =	sdelay $0x2  }
0x90: {  	v57 =	vor.u32 v3, v17;
	_ =	sdelay $0x1  }
0x91: {  	v15 =	vmul.f32 v16, v15;
	_ =	sdelay $0x1  }
0x92: {  	[tilespmem:v56+s16+$0x0] =	vst.idx.msk $0xffff, v15  }
0x93: {  	v15 =	vld.idx.msk [tilespmem:v57+s16+$0x0], $0xffff;
	_ =	sdelay $0x2  }
0x94: {  	v58 =	vor.u32 v4, v17;
	_ =	sdelay $0x1  }
0x95: {  	v14 =	vmul.f32 v15, v14;
	_ =	sdelay $0x1  }
0x96: {  	[tilespmem:v57+s16+$0x0] =	vst.idx.msk $0xffff, v14  }
0x97: {  	v14 =	vld.idx.msk [tilespmem:v58+s16+$0x0], $0xffff;
	_ =	sdelay $0x2  }
0x98: {  	v59 =	vor.u32 v5, v17;
	_ =	sdelay $0x1  }
0x99: {  	v13 =	vmul.f32 v14, v13;
	_ =	sdelay $0x1  }
0x9a: {  	[tilespmem:v58+s16+$0x0] =	vst.idx.msk $0xffff, v13  }
0x9b: {  	v13 =	vld.idx.msk [tilespmem:v59+s16+$0x0], $0xffff;
	_ =	sdelay $0x2  }
0x9c: {  	v60 =	vor.u32 v6, v17;
	_ =	sdelay $0x1  }
0x9d: {  	v12 =	vmul.f32 v13, v12;
	_ =	sdelay $0x1  }
0x9e: {  	[tilespmem:v59+s16+$0x0] =	vst.idx.msk $0xffff, v12  }
0x9f: {  	v12 =	vld.idx.msk [tilespmem:v60+s16+$0x0], $0xffff;
	_ =	sdelay $0x2  }
0xa0: {  	v61 =	vor.u32 v7, v17;
	_ =	sdelay $0x1  }
0xa1: {  	v11 =	vmul.f32 v12, v11;
	_ =	sdelay $0x1  }
0xa2: {  	[tilespmem:v60+s16+$0x0] =	vst.idx.msk $0xffff, v11  }
0xa3: {  	v11 =	vld.idx.msk [tilespmem:v61+s16+$0x0], $0xffff;
	_ =	sdelay $0x2  }
0xa4: {  	v62 =	vor.u32 v8, v17;
	_ =	sdelay $0x1  }
0xa5: {  	v10 =	vmul.f32 v11, v10;
	_ =	sdelay $0x1  }
0xa6: {  	[tilespmem:v61+s16+$0x0] =	vst.idx.msk $0xffff, v10  }
0xa7: {  	v10 =	vld.idx.msk [tilespmem:v62+s16+$0x0], $0xffff;
	_ =	sdelay $0x4  }
0xa8: {  	s20 =	sadd.s32 $0x1, s20;
	v9 =	vmul.f32 v10, v9  }
0xa9: {  	p0 =	sne.s32 s20, $0x4F  }
.Ltmp3:
0xaa: {  	s21 =	sadd.s32 $0x2800, s21;
	[tilespmem:v62+s16+$0x0] =	vst.idx.msk $0xffff, v9;
	(pc) =	sbr.rel @p0 .LBB2_6-.Ltmp3, $4  }
0xab: {  	[spmem:s2] =	stream.indirect.scatter.add.f32 [tilespmem:s16], [sflag:$0x2], $0x80, s21, s15, $0xb8;
	v63 =	vld [tilespmem:$0x0]  }
0xac: {  	_ =	swait.ge [sflag:s12], $0x4000  }
0xad: {  	[sflag:s12] =	ssyncset.done $0x0  }
0xae: {  	[sflag:s12] =	ssyncadd.s32 $0xFFFFC000  }
0xaf: {  	s3 =	sadd.s32 $0x1, s3  }
0xb0: {  	p0 =	sne.s32 s3, s10  }
.Ltmp4:
0xb1: {  	[bflag:$0x0] =	sbarrier.arrive $0xFFFF;
	s19 =	sshrl.u32 s5, $0x3;
	(pc) =	sbr.rel @p0 .LBB2_1-.Ltmp4, $4  }
0xb2: {  	[hbm:s9], [sflag:s18] =	dma.local [spmem:s19], $0x2800  }
0xb3: {  	_ =	swait.ge [sflag:s12], $0x2800  }
0xb4: {  	[sflag:s12] =	ssyncset.done $0x0  }
0xb5: {  	[sflag:s12] =	ssyncadd.s32 $0xFFFFD800  }
0xb6: {  	_ =	sfence.sel $0x180000  }
0xb7: {  	[bflag:$0x0] =	sbarrier.arrive $0xFFFF  }
0xb8: {  	p0 =	sne.s32 s1, $0x0;
	_ =	strace $0x9000004D  }
0xb9: {  	s0 =	sadd.s32 @!p0 $0x100000, s0;
	[bflag:$0x2] =	sbarrier.arrive $0xFFFF  }
0xba: {  	[sflag:s0] =	ssyncadd.tile.s32 @!p0 $0x1;
	_ =	shalt  }
.Lfunc_end2:
_tile_overlayer_lowered:
.L_overlay_start_2:
0xbb: {  	(tag) =	ssettag $0x2  }
0xbc: {  	s0 =	rddreg [dreg:$0x0];
	s2 =	stileid.u32  }
0xbd: {  	s1 =	rddreg [dreg:$0x1];
	p0 =	sne.s32 s2, $0x0  }
0xbe: {  	s3 =	rddreg [dreg:$0x2];
	[bflag:$0x3] =	sbarrier.arrive $0xFFFF;
	s2 =	simm.s32 @!p0 $0x1C02  }
0xbf: {  	[timem:s3], [sflag:s2] =	dma.local @!p0 [hbm:s0], s1  }
0xc0: {  	s0 =	simm.s32 @!p0 $0x2  }
0xc1: {  	_ =	swait.ge @!p0 [sflag:s0], s1  }
0xc2: {  	s1 =	ssub.s32 @!p0 $0x0, s1;
	[sflag:s0] =	ssyncset.done @!p0 $0x0  }
0xc3: {  	[sflag:s0] =	ssyncadd.s32 @!p0 s1  }
0xc4: {  	[bflag:$0x3] =	sbarrier.arrive $0xFFFF  }
0xc5: {  	_ =	shalt  }

// kernel: kernel.21.cloned.1.call-start
scs
__scs_entry_jumppad:
0x0: {  	(pc) =	sbr.rel $0x88, $3  }
0x1: {  	(tag) =	ssettag $0x0;
	lr =	simm.s32 $0x1  }
0x2: {  	[smem:$0x3F97] =	sst lr;
	_ =	strace $0xD0000000  }
0x3: {  	_ = 	snop  }
0x4: {  	_ = 	snop  }
0x5: {  	_ = 	snop  }
0x6: {  	_ = 	snop  }
0x7: {  	_ = 	snop  }
__scs_overlays_trampoline_lowered:
0x8: {  	[smem:$0x3FA6] =	sst s0  }
0x9: {  	[smem:$0x3FA7] =	sst s1  }
0xa: {  	[smem:$0x3FA8] =	sst s2  }
0xb: {  	[smem:$0x3FA9] =	sst s3  }
0xc: {  	[smem:$0x3FAA] =	sst s4  }
0xd: {  	[smem:$0x3FAB] =	sst s5  }
0xe: {  	[smem:$0x3FAC] =	sst s6  }
0xf: {  	[smem:$0x3FAD] =	sst s7  }
0x10: {  	[smem:$0x3FAE] =	sst s8  }
0x11: {  	[smem:$0x3FAF] =	sst s9;
	s0 =	simm.s32 @!p0 $0x0  }
0x12: {  	s1 =	sld [smem:$0x3F95];
	s0 =	simm.s32 @p0 $0x1  }
0x13: {  	[smem:$0x3FB0] =	sst s0;
	s0 =	simm.s32 @!p1 $0x0  }
0x14: {  	s2 =	sld [smem:$0x3F94];
	s0 =	simm.s32 @p1 $0x1  }
0x15: {  	[smem:$0x3FB1] =	sst s0;
	s0 =	simm.s32 @!p2 $0x0  }
0x16: {  	s3 =	sld [smem:$0x3FDB];
	s0 =	simm.s32 @p2 $0x1  }
0x17: {  	s4 =	simm.s32 $0x1BF5;
	[smem:$0x3FB3] =	sst s0  }
0x18: {  	s0 =	sld [smem:$0x3F96];
	_ =	swait.ge [sflag:s4], $0x0  }
0x19: {  	s7 =	sld [smem:$0x3F97]  }
0x1a: {  	s8 =	sadd.s32 $0xFFFFE003, lr  }
0x1b: {  	s9 =	sadd.s32 $0xFFFFFEF7, lr;
	s5 =	simm.s32 $0xFFFFFFFF;
	p2 =	slt.u32 s8, $0xFFFFF086  }
0x1c: {  	p1 =	slt.u32 s9, $0xF7A;
	s5 =	simm.s32 @!p2 $0x0  }
0x1d: {  	s5 =	simm.s32 @p1 $0x1;
	p0 =	seq.s32 s7, s2  }
0x1e: {  	s7 =	smul.u32 @!p0 $0xF7A, s2;
	p2 =	seq.s32 @!p0 s5, $0x0  }
0x1f: {  	s9 =	smul.u32 $0xF7A, s1;
	s8 =	simm.s32 @!p0 $0x1BF5;
	p2 =	por !p2, p0  }
0x20: {  	[sflag:s8] =	ssyncset.s32 @!p0 $0xFFFFF086;
	s6 =	sadd.s32 @!p0 s3, s7;
	s7 =	simm.s32 @!p0 $0x108  }
0x21: {  	s3 =	sadd.s32 s3, s9;
	s6 =	sadd.s32 @!p0 $0x88, s6;
	s7 =	simm.s32 @p2 $0x1082  }
0x22: {  	[simem:s7], [sflag:s8] =	dma.local @!p0 [hbm:s6], $0xF7A  }
0x23: {  	s9 =	sor.u32 $0xD0000000, s2;
	s6 =	simm.s32 $0x108;
	_ =	swait.ge @!p0 [sflag:s8], $0x0  }
0x24: {  	s3 =	sadd.s32 $0x88, s3;
	s6 =	simm.s32 @!p1 $0x1082;
	[sflag:s4] =	ssyncset.s32 $0xFFFFF086  }
0x25: {  	[simem:s6], [sflag:s4] =	dma.local [hbm:s3], $0xF7A  }
0x26: {  	[smem:$0x3F97] =	sst s1;
	(tag) =	ssettag s2;
	_ =	strace s9  }
0x27: {  	s1 =	sld [smem:$0x3FA7]  }
0x28: {  	s2 =	sld [smem:$0x3FA8]  }
0x29: {  	s4 =	sld [smem:$0x3FAA]  }
0x2a: {  	p0 =	seq.s32 s5, $0x0;
	s5 =	sld [smem:$0x3FAB]  }
0x2b: {  	s6 =	sld [smem:$0x3FAC]  }
0x2c: {  	s7 =	sld [smem:$0x3FAD]  }
0x2d: {  	s3 =	simm.s32 $0x108;
	s8 =	sld [smem:$0x3FAE]  }
0x2e: {  	s3 =	simm.s32 @!p0 $0x1082;
	s9 =	sld [smem:$0x3FAF]  }
0x2f: {  	lr =	sadd.s32 s0, s3;
	s0 =	sld [smem:$0x3FA6]  }
0x30: {  	s3 =	sld [smem:$0x3FA9]  }
0x31: {  	[smem:$0x3FB2] =	sst s10  }
0x32: {  	s10 =	sld [smem:$0x3FB0];
	_ =	sdelay $0x3  }
0x33: {  	p0 =	seq.s32 s10, $0x1;
	s10 =	sld [smem:$0x3FB2];
	_ =	sdelay $0x3  }
0x34: {  	[smem:$0x3FB2] =	sst s10  }
0x35: {  	s10 =	sld [smem:$0x3FB1];
	_ =	sdelay $0x3  }
0x36: {  	p1 =	seq.s32 s10, $0x1;
	s10 =	sld [smem:$0x3FB2];
	_ =	sdelay $0x3  }
0x37: {  	[smem:$0x3FB2] =	sst s10  }
0x38: {  	s10 =	sld [smem:$0x3FB3]  }
0x39: {  	_ = 	snop;
	(pc) =	sbr.ind lr, $3  }
0x3a: {  	_ = 	snop  }
0x3b: {  	_ = 	snop  }
0x3c: {  	p2 =	seq.s32 s10, $0x1;
	s10 =	sld [smem:$0x3FB2]  }
0x3d: {  	_ =	shalt  }
0x3e: {  	_ =	shalt  }
0x3f: {  	_ =	shalt  }
0x40: {  	_ =	shalt  }
0x41: {  	_ =	shalt  }
0x42: {  	_ =	shalt  }
0x43: {  	_ =	shalt  }
0x44: {  	_ =	shalt  }
0x45: {  	_ =	shalt  }
0x46: {  	_ =	shalt  }
0x47: {  	_ =	shalt  }
0x48: {  	_ =	shalt  }
0x49: {  	_ =	shalt  }
0x4a: {  	_ =	shalt  }
0x4b: {  	_ =	shalt  }
0x4c: {  	_ =	shalt  }
0x4d: {  	_ =	shalt  }
0x4e: {  	_ =	shalt  }
0x4f: {  	_ =	shalt  }
0x50: {  	_ =	shalt  }
0x51: {  	_ =	shalt  }
0x52: {  	_ =	shalt  }
0x53: {  	_ =	shalt  }
0x54: {  	_ =	shalt  }
0x55: {  	_ =	shalt  }
0x56: {  	_ =	shalt  }
0x57: {  	_ =	shalt  }
0x58: {  	_ =	shalt  }
0x59: {  	_ =	shalt  }
0x5a: {  	_ =	shalt  }
0x5b: {  	_ =	shalt  }
0x5c: {  	_ =	shalt  }
0x5d: {  	_ =	shalt  }
0x5e: {  	_ =	shalt  }
0x5f: {  	_ =	shalt  }
0x60: {  	_ =	shalt  }
0x61: {  	_ =	shalt  }
0x62: {  	_ =	shalt  }
0x63: {  	_ =	shalt  }
0x64: {  	_ =	shalt  }
0x65: {  	_ =	shalt  }
0x66: {  	_ =	shalt  }
0x67: {  	_ =	shalt  }
0x68: {  	_ =	shalt  }
0x69: {  	_ =	shalt  }
0x6a: {  	_ =	shalt  }
0x6b: {  	_ =	shalt  }
0x6c: {  	_ =	shalt  }
0x6d: {  	_ =	shalt  }
0x6e: {  	_ =	shalt  }
0x6f: {  	_ =	shalt  }
0x70: {  	_ =	shalt  }
0x71: {  	_ =	shalt  }
0x72: {  	_ =	shalt  }
0x73: {  	_ =	shalt  }
0x74: {  	_ =	shalt  }
0x75: {  	_ =	shalt  }
0x76: {  	_ =	shalt  }
0x77: {  	_ =	shalt  }
0x78: {  	_ =	shalt  }
0x79: {  	_ =	shalt  }
0x7a: {  	_ =	shalt  }
0x7b: {  	_ =	shalt  }
0x7c: {  	_ =	shalt  }
0x7d: {  	_ =	shalt  }
0x7e: {  	_ =	shalt  }
0x7f: {  	_ =	shalt  }
0x80: {  	_ =	shalt  }
0x81: {  	_ =	shalt  }
0x82: {  	_ =	shalt  }
0x83: {  	_ =	shalt  }
0x84: {  	_ =	shalt  }
0x85: {  	_ =	shalt  }
0x86: {  	_ =	shalt  }
0x87: {  	_ =	shalt  }
.Lfunc_end0:
.L_simem_size_0:
called_computation.3_lowered:
.L_overlay_start_0:
0x88: {  	s2 =	sld [smem:$0x3FD9]  }
0x89: {  	s3 =	sld [smem:$0x3FFE];
	_ =	sdelay $0x1  }
0x8a: {  	s1 =	srdreg.scid  }
0x8b: {  	s0 =	sand.u32 $0x1, s1  }
0x8c: {  	s17 =	sshll.u32 s0, $0xA;
	s2 =	sadd.s32 s3, s2  }
0x8d: {  	s2 =	sadd.s32 s2, s17  }
0x8e: {  	[smem:$0x3FBE] =	sst s2  }
0x8f: {  	_ = 	snop  }
0x90: {  	s2 =	sld [smem:$0x3FD0];
	(tm) =	ssettm $0x1  }
0x91: {  	s18 =	sld [smem:$0x3FFB];
	_ =	sdelay $0x3  }
0x92: {  	_ =	strace s18  }
0x93: {  	s3 =	sld [smem:$0x3FFC];
	_ =	sdelay $0x3  }
0x94: {  	_ =	strace s3  }
0x95: {  	s3 =	sld [smem:$0x3FFD];
	_ =	sdelay $0x3  }
0x96: {  	_ =	strace s3  }
0x97: {  	_ =	strace $0x8FFFFFFF  }
0x98: {  	s19 =	sld [smem:$0x3FDB];
	_ =	sdelay $0x1  }
0x99: {  	s4 =	simm.s32 $_scs_section_size  }
0x9a: {  	s5 =	simm.s32 $_size__tile_overlayer_lowered;
	s6 =	simm.s32 $_tile_overlayer_lowered  }
0x9b: {  	s22 =	simm.s32 $0x1BFF;
	s21 =	sshll.u32 s6, $0x1;
	s3 =	sadd.s32 s4, s19  }
0x9c: {  	s7 =	simm.s32 $0x0;
	s20 =	sshll.u32 s5, $0x1;
	s5 =	sadd.s32 s21, s3  }
0x9d: {  	[timem:s7], [sflag:s22] =	dma.local [hbm:s5], s20  }
0x9e: {  	_ =	swait.ge [sflag:s22], s20  }
0x9f: {  	s4 =	ssub.s32 $0x0, s20;
	[sflag:s22] =	ssyncset.done $0x0  }
0xa0: {  	[sflag:s22] =	ssyncadd.s32 s4;
	_ =	sdelay $0x1  }
0xa1: {  	s23 =	simm.s32 $0x1B8B  }
0xa2: {  	_ =	swait.ge [sflag:s23], $0x1  }
0xa3: {  	[sflag:s23] =	ssyncset.done $0x0  }
0xa4: {  	s25 =	simm.s32 $0x1B8E;
	s24 =	sld [smem:$0x3FFE];
	[sflag:s23] =	ssyncadd.s32 $0xFFFFFFFF  }
0xa5: {  	s26 =	simm.s32 $execute0_lowered;
	[smem:$0x3FD2] =	sst s25  }
0xa6: {  	s5 =	sshll.u32 s26, $0x1;
	_ =	strace $0x8000004F;
	[dreg:$0x1] =	wrdreg $0xFFFFFFFF  }
0xa7: {  	s28 =	simm.s32 $_size_execute0_lowered;
	s3 =	sadd.s32 s3, s5;
	[dreg:$0x0] =	wrdreg $0x0  }
0xa8: {  	s5 =	sshll.u32 s28, $0x1;
	[dreg:$0x2] =	wrdreg s3  }
0xa9: {  	[dreg:$0x3] =	wrdreg s5  }
0xaa: {  	[dreg:$0x4] =	wrdreg $0xC0  }
0xab: {  	_ =	task [dreg:s7], $0x5FFFF  }
0xac: {  	[dreg:$0x1] =	wrdreg $0xFFFFFFFF  }
0xad: {  	[dreg:$0x0] =	wrdreg $0x60  }
0xae: {  	[dreg:$0x2] =	wrdreg s24  }
0xaf: {  	[dreg:$0x3] =	wrdreg s2  }
0xb0: {  	[dreg:$0x4] =	wrdreg $0x98000  }
0xb1: {  	[dreg:$0x5] =	wrdreg $0x9  }
0xb2: {  	_ =	task.clear_ibuf [dreg:s7], $0x6FFFF;
	_ =	strace $0x9000004F  }
0xb3: {  	s29 =	simm.s32 $0x9;
	_ =	strace $0x80000051  }
0xb4: {  	_ =	swait.ge [sflag:s29], $0x1  }
0xb5: {  	[sflag:s29] =	ssyncadd.s32 $0xFFFFFFFF  }
0xb6: {  	_ =	strace $0x90000051  }
0xb7: {  	_ =	sfence  }
0xb8: {  	s30 =	sld [smem:$0x0];
	_ =	sdelay $0x2  }
0xb9: {  	s31 =	sshll.u32 s1, $0xD;
	s1 =	sshrl.u32 s1, $0x2  }
0xba: {  	s3 =	sand.u32 $0x4000, s31;
	s1 =	sadd.s32 s1, s30  }
0xbb: {  	s0 =	sor.u32 s3, s0;
	s1 =	sshll.u32 s1, $0x11  }
0xbc: {  	s0 =	sor.u32 s1, s0  }
0xbd: {  	s0 =	sadd.s32 $0x8F2B, s0  }
0xbe: {  	[sflag:s0] =	ssyncadd.remote.s32 $0x1  }
0xbf: {  	_ =	sfence.sel $0xFFFF  }
0xc0: {  	[dreg:$0x0] =	wrdreg $0xFFFFFFFF;
	(pc) =	sbr.abs _section_cstart, $3  }
0xc1: {  	[dreg:$0x1] =	wrdreg $0xFFFFFFFF  }
0xc2: {  	_ =	task.clear_ibuf [dreg:s7], $0x2FFFF;
	_ =	strace $0x9FFFFFFF  }
0xc3: {  	(tm) =	ssettm $0x7FFFFFFF  }
tec
execute0_lowered:
.L_overlay_start_1:
0x0: {  	(tag) =	ssettag $0x1  }
0x1: {  	s5 =	rddreg [dreg:$0x0]  }
0x2: {  	s6 =	rddreg [dreg:$0x1]  }
0x3: {  	s2 =	rddreg [dreg:$0x2];
	s3 =	srdreg.scid  }
0x4: {  	s0 =	rddreg [dreg:$0x3];
	s1 =	stileid.u32  }
0x5: {  	s13 =	simm.s32 $0x80;
	s14 =	simm.s32 $0x5000;
	s15 =	simm.s32 $0x1  }
0x6: {  	s7 =	sand.u32 $0x1, s3;
	s3 =	simm.s32 $0x0;
	s9 =	smul.u32 $0x14000, s1  }
0x7: {  	s4 =	sshll.u32 s1, $0x1;
	s30 =	smul.u32 $0x50000, s1;
	s16 =	sshll.u32 s1, $0x6  }
0x8: {  	s8 =	smul.u32 $0x140000, s7;
	[smem:$0x7FF] =	sst s3;
	s4 =	sor.u32 s7, s4  }
0x9: {  	s7 =	ssub.s32 $0x2, s7;
	s16 =	sor.u32 $0x1C02, s16;
	_ =	strace $0x80000050  }
0xa: {  	s10 =	smul.u32 $0x500, s4;
	s4 =	sadd.s32 $0xDC00, s5;
	s31 =	sshrl.u32 s7, $0x1  }
0xb: {  	s8 =	sadd.s32 s9, s8;
	s9 =	sshrl.u32 s30, $0x2;
	s12 =	ssub.s32 s7, s31  }
0xc: {  	s11 =	sadd.s32 s10, s5;
	s8 =	sshrl.u32 s8, $0x3;
	s6 =	sadd.s32 s6, s10  }
0xd: {  	s10 =	simm.s32 $0x9000;
	s8 =	sadd.s32 s8, s5;
	s5 =	sadd.s32 s9, s2  }
0xe: {  	s7 =	sadd.s32 $0x3C00, s11;
	s9 =	smax.u32 s12, $0x1;
	s11 =	simm.s32 $0x2  }
0xf: {  	v0 =	vimm.f32 $0.0e+00;
	s12 =	simm.s32 $0x2800;
	s8 =	sadd.s32 $0x35C00, s8;
	s17 =	sshrl.u32 s5, $0x3  }
.LBB2_1:
0x10: {  	s18 =	simm.s32 $0x0;
	s19 =	simm.s32 $0x200  }
.LBB2_2:
0x11: {  	p0 =	sne.s32 s19, $0x1E00;
	[tilespmem:s18+$0x9070] =	vst v0  }
0x12: {  	[tilespmem:s18+$0x9000] =	vst v0  }
0x13: {  	[tilespmem:s18+$0x9010] =	vst v0  }
.Ltmp0:
0x14: {  	[tilespmem:s18+$0x9020] =	vst v0;
	(pc) =	sbr.rel @p0 .LBB2_2-.Ltmp0, $4  }
0x15: {  	[tilespmem:s18+$0x9030] =	vst v0  }
0x16: {  	[tilespmem:s18+$0x9040] =	vst v0  }
0x17: {  	[tilespmem:s18+$0x9050] =	vst v0  }
0x18: {  	[tilespmem:s18+$0x9060] =	vst v0;
	s18 =	sshra.s32 s19, $0x2;
	s19 =	sadd.s32 $0x200, s19  }
0x19: {  	[tilespmem:s18+$0x9070] =	vst v0  }
0x1a: {  	[tilespmem:s18+$0x9000] =	vst v0  }
0x1b: {  	[tilespmem:s18+$0x9010] =	vst v0  }
0x1c: {  	[tilespmem:s18+$0x9020] =	vst v0  }
0x1d: {  	[tilespmem:s18+$0x9030] =	vst v0  }
0x1e: {  	[tilespmem:s18+$0x9040] =	vst v0  }
0x1f: {  	[tilespmem:s18+$0x9050] =	vst v0  }
0x20: {  	[tilespmem:s18+$0x9060] =	vst v0;
	s31 =	sadd.s32 $0x0, s5  }
0x21: {  	[spmem:s31] =	stream.linear.scatter [tilespmem:s10], [sflag:$0x2], $0x800, $0x38;
	[tilespmem:$0x1D800] =	vst v63  }
0x22: {  	s18 =	simm.s32 $0x2000;
	_ =	swait.ge [sflag:s11], $0x800  }
.LBB2_4:
0x23: {  	s19 =	sshra.s32 s18, $0x2;
	[sflag:s11] =	ssyncset.done $0x0;
	p0 =	sne.s32 s18, $0x4E000  }
.Ltmp1:
0x24: {  	s19 =	sadd.s32 s19, s5;
	[sflag:s11] =	ssyncadd.s32 $0xFFFFF800;
	(pc) =	sbr.rel @p0 .LBB2_4-.Ltmp1, $3  }
0x25: {  	[spmem:s19] =	stream.linear.scatter [tilespmem:s10], [sflag:$0x2], $0x800, $0x38;
	[tilespmem:$0x1D800] =	vst v63  }
0x26: {  	s18 =	sadd.s32 $0x2000, s18;
	_ =	sdelay $0x1  }
0x27: {  	_ =	swait.ge [sflag:s11], $0x800  }
0x28: {  	[sflag:s11] =	ssyncset.done $0x0  }
0x29: {  	s18 =	simm.s32 $0x0;
	[sflag:s11] =	ssyncadd.s32 $0xFFFFF800  }
0x2a: {  	[tilespmem:s18], [sflag:$0x2] =	stream.linear.gather [hbm4b:s6+s18], $0x2780, $0x38;
	[tilespmem:$0x1D800] =	vst v63  }
0x2b: {  	_ =	swait.ge [sflag:s11], $0x2780  }
0x2c: {  	[sflag:s11] =	ssyncset.done $0x0  }
0x2d: {  	[sflag:s11] =	ssyncadd.s32 $0xFFFFD880  }
0x2e: {  	[tilespmem:s12], [sflag:$0x2] =	stream.linear.gather [hbm4b:s7+s18], $0x2780, $0x38;
	[tilespmem:$0x1D800] =	vst v63  }
0x2f: {  	_ =	swait.ge [sflag:s11], $0x2780  }
0x30: {  	[sflag:s11] =	ssyncset.done $0x0  }
0x31: {  	[sflag:s11] =	ssyncadd.s32 $0xFFFFD880  }
0x32: {  	s30 =	simm.s32 $0x0;
	[bflag:$0x0] =	sbarrier.arrive $0xFFFF  }
0x33: {  	[tilespmem:s14], [sflag:$0x1] =	stream.indirect.gather [hbm4b:s4+s13], $0x80, s30, s13, $0xb8;
	[tilespmem:$0x1D800] =	vst v63  }
0x34: {  	_ =	swait.ge [sflag:s15], $0x4000  }
0x35: {  	[sflag:s15] =	ssyncset.done $0x0  }
0x36: {  	s31 =	simm.s32 $0x2800;
	[sflag:s15] =	ssyncadd.s32 $0xFFFFC000  }
0x37: {  	[spmem:s2] =	stream.indirect.scatter.add.f32 [tilespmem:s14], [sflag:$0x2], $0x80, s31, s13, $0xb8;
	[tilespmem:$0x1D800] =	vst v63  }
0x38: {  	_ =	swait.ge [sflag:s11], $0x4000  }
0x39: {  	s19 =	simm.s32 $0x400;
	s18 =	simm.s32 $0x200;
	[sflag:s11] =	ssyncset.done $0x0  }
.LBB2_6:
0x3a: {  	s20 =	sshra.s32 s18, $0x2  }
0x3b: {  	[sflag:s11] =	ssyncadd.s32 $0xFFFFC000;
	s18 =	smov.u32 s19;
	s21 =	sadd.s32 $0x200, s19  }
0x3c: {  	[tilespmem:s14], [sflag:$0x1] =	stream.indirect.gather [hbm4b:s4+s13], $0x80, s20, s13, $0xb8;
	[tilespmem:$0x1D800] =	vst v63  }
0x3d: {  	p0 =	sne.s32 s19, $0x9C00;
	_ =	swait.ge [sflag:s15], $0x4000  }
.Ltmp2:
0x3e: {  	[sflag:s15] =	ssyncset.done $0x0;
	(pc) =	sbr.rel @p0 .LBB2_6-.Ltmp2, $4  }
0x3f: {  	s19 =	sadd.s32 $0x2800, s20;
	[sflag:s15] =	ssyncadd.s32 $0xFFFFC000  }
0x40: {  	[spmem:s2] =	stream.indirect.scatter.add.f32 [tilespmem:s14], [sflag:$0x2], $0x80, s19, s13, $0xb8;
	[tilespmem:$0x1D800] =	vst v63  }
0x41: {  	_ =	swait.ge [sflag:s11], $0x4000  }
0x42: {  	s19 =	smov.u32 s21;
	[sflag:s11] =	ssyncset.done $0x0  }
0x43: {  	s18 =	sshra.s32 s18, $0x2;
	[sflag:s11] =	ssyncadd.s32 $0xFFFFC000  }
0x44: {  	[tilespmem:s14], [sflag:$0x1] =	stream.indirect.gather [hbm4b:s4+s13], $0x80, s18, s13, $0xb8;
	[tilespmem:$0x1D800] =	vst v63  }
0x45: {  	_ =	swait.ge [sflag:s15], $0x4000  }
0x46: {  	[sflag:s15] =	ssyncset.done $0x0  }
0x47: {  	s18 =	sadd.s32 $0x2800, s18;
	[sflag:s15] =	ssyncadd.s32 $0xFFFFC000  }
0x48: {  	[spmem:s2] =	stream.indirect.scatter.add.f32 [tilespmem:s14], [sflag:$0x2], $0x80, s18, s13, $0xb8;
	[tilespmem:$0x1D800] =	vst v63  }
0x49: {  	_ =	swait.ge [sflag:s11], $0x4000  }
0x4a: {  	s3 =	sadd.s32 $0x1, s3;
	[sflag:s11] =	ssyncset.done $0x0  }
0x4b: {  	p0 =	sne.s32 s3, s9;
	[sflag:s11] =	ssyncadd.s32 $0xFFFFC000  }
.Ltmp3:
0x4c: {  	[bflag:$0x0] =	sbarrier.arrive $0xFFFF;
	(pc) =	sbr.rel @p0 .LBB2_1-.Ltmp3, $4  }
0x4d: {  	[hbm:s8], [sflag:s16] =	dma.local [spmem:s17], $0x2800  }
0x4e: {  	_ =	swait.ge [sflag:s11], $0x2800  }
0x4f: {  	[sflag:s11] =	ssyncset.done $0x0  }
0x50: {  	[sflag:s11] =	ssyncadd.s32 $0xFFFFD800  }
0x51: {  	_ =	sfence.sel $0x180000  }
0x52: {  	[bflag:$0x0] =	sbarrier.arrive $0xFFFF  }
0x53: {  	p0 =	sne.s32 s1, $0x0;
	_ =	strace $0x90000050  }
0x54: {  	s0 =	sadd.s32 @!p0 $0x100000, s0;
	[bflag:$0x2] =	sbarrier.arrive $0xFFFF  }
0x55: {  	[sflag:s0] =	ssyncadd.tile.s32 @!p0 $0x1;
	_ =	shalt  }
.Lfunc_end2:
_tile_overlayer_lowered:
.L_overlay_start_2:
0x56: {  	(tag) =	ssettag $0x2  }
0x57: {  	s0 =	rddreg [dreg:$0x0];
	s2 =	stileid.u32  }
0x58: {  	s1 =	rddreg [dreg:$0x1];
	p0 =	sne.s32 s2, $0x0  }
0x59: {  	s3 =	rddreg [dreg:$0x2];
	[bflag:$0x3] =	sbarrier.arrive $0xFFFF;
	s2 =	simm.s32 @!p0 $0x1C02  }
0x5a: {  	[timem:s3], [sflag:s2] =	dma.local @!p0 [hbm:s0], s1  }
0x5b: {  	s0 =	simm.s32 @!p0 $0x2  }
0x5c: {  	_ =	swait.ge @!p0 [sflag:s0], s1  }
0x5d: {  	s1 =	ssub.s32 @!p0 $0x0, s1;
	[sflag:s0] =	ssyncset.done @!p0 $0x0  }
0x5e: {  	[sflag:s0] =	ssyncadd.s32 @!p0 s1  }
0x5f: {  	[bflag:$0x3] =	sbarrier.arrive $0xFFFF  }
0x60: {  	_ =	shalt  }

// kernel: kernel.24.cloned.1.call-start
scs
__scs_entry_jumppad:
0x0: {  	(pc) =	sbr.rel $0x88, $3  }
0x1: {  	(tag) =	ssettag $0x0;
	lr =	simm.s32 $0x1  }
0x2: {  	[smem:$0x3F97] =	sst lr;
	_ =	strace $0xD0000000  }
0x3: {  	_ = 	snop  }
0x4: {  	_ = 	snop  }
0x5: {  	_ = 	snop  }
0x6: {  	_ = 	snop  }
0x7: {  	_ = 	snop  }
__scs_overlays_trampoline_lowered:
0x8: {  	[smem:$0x3FA6] =	sst s0  }
0x9: {  	[smem:$0x3FA7] =	sst s1  }
0xa: {  	[smem:$0x3FA8] =	sst s2  }
0xb: {  	[smem:$0x3FA9] =	sst s3  }
0xc: {  	[smem:$0x3FAA] =	sst s4  }
0xd: {  	[smem:$0x3FAB] =	sst s5  }
0xe: {  	[smem:$0x3FAC] =	sst s6  }
0xf: {  	[smem:$0x3FAD] =	sst s7  }
0x10: {  	[smem:$0x3FAE] =	sst s8  }
0x11: {  	[smem:$0x3FAF] =	sst s9;
	s0 =	simm.s32 @!p0 $0x0  }
0x12: {  	s1 =	sld [smem:$0x3F95];
	s0 =	simm.s32 @p0 $0x1  }
0x13: {  	[smem:$0x3FB0] =	sst s0;
	s0 =	simm.s32 @!p1 $0x0  }
0x14: {  	s2 =	sld [smem:$0x3F94];
	s0 =	simm.s32 @p1 $0x1  }
0x15: {  	[smem:$0x3FB1] =	sst s0;
	s0 =	simm.s32 @!p2 $0x0  }
0x16: {  	s3 =	sld [smem:$0x3FDB];
	s0 =	simm.s32 @p2 $0x1  }
0x17: {  	s4 =	simm.s32 $0x1BF5;
	[smem:$0x3FB3] =	sst s0  }
0x18: {  	s0 =	sld [smem:$0x3F96];
	_ =	swait.ge [sflag:s4], $0x0  }
0x19: {  	s7 =	sld [smem:$0x3F97]  }
0x1a: {  	s8 =	sadd.s32 $0xFFFFE003, lr  }
0x1b: {  	s9 =	sadd.s32 $0xFFFFFEF7, lr;
	s5 =	simm.s32 $0xFFFFFFFF;
	p2 =	slt.u32 s8, $0xFFFFF086  }
0x1c: {  	p1 =	slt.u32 s9, $0xF7A;
	s5 =	simm.s32 @!p2 $0x0  }
0x1d: {  	s5 =	simm.s32 @p1 $0x1;
	p0 =	seq.s32 s7, s2  }
0x1e: {  	s7 =	smul.u32 @!p0 $0xF7A, s2;
	p2 =	seq.s32 @!p0 s5, $0x0  }
0x1f: {  	s9 =	smul.u32 $0xF7A, s1;
	s8 =	simm.s32 @!p0 $0x1BF5;
	p2 =	por !p2, p0  }
0x20: {  	[sflag:s8] =	ssyncset.s32 @!p0 $0xFFFFF086;
	s6 =	sadd.s32 @!p0 s3, s7;
	s7 =	simm.s32 @!p0 $0x108  }
0x21: {  	s3 =	sadd.s32 s3, s9;
	s6 =	sadd.s32 @!p0 $0x88, s6;
	s7 =	simm.s32 @p2 $0x1082  }
0x22: {  	[simem:s7], [sflag:s8] =	dma.local @!p0 [hbm:s6], $0xF7A  }
0x23: {  	s9 =	sor.u32 $0xD0000000, s2;
	s6 =	simm.s32 $0x108;
	_ =	swait.ge @!p0 [sflag:s8], $0x0  }
0x24: {  	s3 =	sadd.s32 $0x88, s3;
	s6 =	simm.s32 @!p1 $0x1082;
	[sflag:s4] =	ssyncset.s32 $0xFFFFF086  }
0x25: {  	[simem:s6], [sflag:s4] =	dma.local [hbm:s3], $0xF7A  }
0x26: {  	[smem:$0x3F97] =	sst s1;
	(tag) =	ssettag s2;
	_ =	strace s9  }
0x27: {  	s1 =	sld [smem:$0x3FA7]  }
0x28: {  	s2 =	sld [smem:$0x3FA8]  }
0x29: {  	s4 =	sld [smem:$0x3FAA]  }
0x2a: {  	p0 =	seq.s32 s5, $0x0;
	s5 =	sld [smem:$0x3FAB]  }
0x2b: {  	s6 =	sld [smem:$0x3FAC]  }
0x2c: {  	s7 =	sld [smem:$0x3FAD]  }
0x2d: {  	s3 =	simm.s32 $0x108;
	s8 =	sld [smem:$0x3FAE]  }
0x2e: {  	s3 =	simm.s32 @!p0 $0x1082;
	s9 =	sld [smem:$0x3FAF]  }
0x2f: {  	lr =	sadd.s32 s0, s3;
	s0 =	sld [smem:$0x3FA6]  }
0x30: {  	s3 =	sld [smem:$0x3FA9]  }
0x31: {  	[smem:$0x3FB2] =	sst s10  }
0x32: {  	s10 =	sld [smem:$0x3FB0];
	_ =	sdelay $0x3  }
0x33: {  	p0 =	seq.s32 s10, $0x1;
	s10 =	sld [smem:$0x3FB2];
	_ =	sdelay $0x3  }
0x34: {  	[smem:$0x3FB2] =	sst s10  }
0x35: {  	s10 =	sld [smem:$0x3FB1];
	_ =	sdelay $0x3  }
0x36: {  	p1 =	seq.s32 s10, $0x1;
	s10 =	sld [smem:$0x3FB2];
	_ =	sdelay $0x3  }
0x37: {  	[smem:$0x3FB2] =	sst s10  }
0x38: {  	s10 =	sld [smem:$0x3FB3]  }
0x39: {  	_ = 	snop;
	(pc) =	sbr.ind lr, $3  }
0x3a: {  	_ = 	snop  }
0x3b: {  	_ = 	snop  }
0x3c: {  	p2 =	seq.s32 s10, $0x1;
	s10 =	sld [smem:$0x3FB2]  }
0x3d: {  	_ =	shalt  }
0x3e: {  	_ =	shalt  }
0x3f: {  	_ =	shalt  }
0x40: {  	_ =	shalt  }
0x41: {  	_ =	shalt  }
0x42: {  	_ =	shalt  }
0x43: {  	_ =	shalt  }
0x44: {  	_ =	shalt  }
0x45: {  	_ =	shalt  }
0x46: {  	_ =	shalt  }
0x47: {  	_ =	shalt  }
0x48: {  	_ =	shalt  }
0x49: {  	_ =	shalt  }
0x4a: {  	_ =	shalt  }
0x4b: {  	_ =	shalt  }
0x4c: {  	_ =	shalt  }
0x4d: {  	_ =	shalt  }
0x4e: {  	_ =	shalt  }
0x4f: {  	_ =	shalt  }
0x50: {  	_ =	shalt  }
0x51: {  	_ =	shalt  }
0x52: {  	_ =	shalt  }
0x53: {  	_ =	shalt  }
0x54: {  	_ =	shalt  }
0x55: {  	_ =	shalt  }
0x56: {  	_ =	shalt  }
0x57: {  	_ =	shalt  }
0x58: {  	_ =	shalt  }
0x59: {  	_ =	shalt  }
0x5a: {  	_ =	shalt  }
0x5b: {  	_ =	shalt  }
0x5c: {  	_ =	shalt  }
0x5d: {  	_ =	shalt  }
0x5e: {  	_ =	shalt  }
0x5f: {  	_ =	shalt  }
0x60: {  	_ =	shalt  }
0x61: {  	_ =	shalt  }
0x62: {  	_ =	shalt  }
0x63: {  	_ =	shalt  }
0x64: {  	_ =	shalt  }
0x65: {  	_ =	shalt  }
0x66: {  	_ =	shalt  }
0x67: {  	_ =	shalt  }
0x68: {  	_ =	shalt  }
0x69: {  	_ =	shalt  }
0x6a: {  	_ =	shalt  }
0x6b: {  	_ =	shalt  }
0x6c: {  	_ =	shalt  }
0x6d: {  	_ =	shalt  }
0x6e: {  	_ =	shalt  }
0x6f: {  	_ =	shalt  }
0x70: {  	_ =	shalt  }
0x71: {  	_ =	shalt  }
0x72: {  	_ =	shalt  }
0x73: {  	_ =	shalt  }
0x74: {  	_ =	shalt  }
0x75: {  	_ =	shalt  }
0x76: {  	_ =	shalt  }
0x77: {  	_ =	shalt  }
0x78: {  	_ =	shalt  }
0x79: {  	_ =	shalt  }
0x7a: {  	_ =	shalt  }
0x7b: {  	_ =	shalt  }
0x7c: {  	_ =	shalt  }
0x7d: {  	_ =	shalt  }
0x7e: {  	_ =	shalt  }
0x7f: {  	_ =	shalt  }
0x80: {  	_ =	shalt  }
0x81: {  	_ =	shalt  }
0x82: {  	_ =	shalt  }
0x83: {  	_ =	shalt  }
0x84: {  	_ =	shalt  }
0x85: {  	_ =	shalt  }
0x86: {  	_ =	shalt  }
0x87: {  	_ =	shalt  }
.Lfunc_end0:
.L_simem_size_0:
called_computation.4_lowered:
.L_overlay_start_0:
0x88: {  	s2 =	sld [smem:$0x3FD9]  }
0x89: {  	s3 =	sld [smem:$0x3FFE];
	_ =	sdelay $0x1  }
0x8a: {  	s1 =	srdreg.scid  }
0x8b: {  	s0 =	sand.u32 $0x1, s1  }
0x8c: {  	s17 =	sshll.u32 s0, $0xA;
	s2 =	sadd.s32 s3, s2  }
0x8d: {  	s2 =	sadd.s32 s2, s17  }
0x8e: {  	[smem:$0x3FBE] =	sst s2  }
0x8f: {  	_ = 	snop  }
0x90: {  	s2 =	sld [smem:$0x3FD0];
	(tm) =	ssettm $0x1  }
0x91: {  	s18 =	sld [smem:$0x3FFB];
	_ =	sdelay $0x3  }
0x92: {  	_ =	strace s18  }
0x93: {  	s3 =	sld [smem:$0x3FFC];
	_ =	sdelay $0x3  }
0x94: {  	_ =	strace s3  }
0x95: {  	s3 =	sld [smem:$0x3FFD];
	_ =	sdelay $0x3  }
0x96: {  	_ =	strace s3  }
0x97: {  	_ =	strace $0x8FFFFFFF  }
0x98: {  	s19 =	sld [smem:$0x3FDB];
	_ =	sdelay $0x1  }
0x99: {  	s4 =	simm.s32 $_scs_section_size  }
0x9a: {  	s5 =	simm.s32 $_size__tile_overlayer_lowered;
	s6 =	simm.s32 $_tile_overlayer_lowered  }
0x9b: {  	s22 =	simm.s32 $0x1BFF;
	s21 =	sshll.u32 s6, $0x1;
	s3 =	sadd.s32 s4, s19  }
0x9c: {  	s7 =	simm.s32 $0x0;
	s20 =	sshll.u32 s5, $0x1;
	s5 =	sadd.s32 s21, s3  }
0x9d: {  	[timem:s7], [sflag:s22] =	dma.local [hbm:s5], s20  }
0x9e: {  	_ =	swait.ge [sflag:s22], s20  }
0x9f: {  	s4 =	ssub.s32 $0x0, s20;
	[sflag:s22] =	ssyncset.done $0x0  }
0xa0: {  	[sflag:s22] =	ssyncadd.s32 s4;
	_ =	sdelay $0x1  }
0xa1: {  	s23 =	simm.s32 $0x1B8B  }
0xa2: {  	_ =	swait.ge [sflag:s23], $0x1  }
0xa3: {  	[sflag:s23] =	ssyncset.done $0x0  }
0xa4: {  	s25 =	simm.s32 $0x1B8E;
	s24 =	sld [smem:$0x3FFE];
	[sflag:s23] =	ssyncadd.s32 $0xFFFFFFFF  }
0xa5: {  	s26 =	simm.s32 $execute0_lowered;
	[smem:$0x3FD2] =	sst s25  }
0xa6: {  	s5 =	sshll.u32 s26, $0x1;
	_ =	strace $0x80000052;
	[dreg:$0x1] =	wrdreg $0xFFFFFFFF  }
0xa7: {  	s28 =	simm.s32 $_size_execute0_lowered;
	s3 =	sadd.s32 s3, s5;
	[dreg:$0x0] =	wrdreg $0x0  }
0xa8: {  	s5 =	sshll.u32 s28, $0x1;
	[dreg:$0x2] =	wrdreg s3  }
0xa9: {  	[dreg:$0x3] =	wrdreg s5  }
0xaa: {  	[dreg:$0x4] =	wrdreg $0xC0  }
0xab: {  	_ =	task [dreg:s7], $0x5FFFF  }
0xac: {  	[dreg:$0x1] =	wrdreg $0xFFFFFFFF  }
0xad: {  	[dreg:$0x0] =	wrdreg $0x60  }
0xae: {  	[dreg:$0x2] =	wrdreg s24  }
0xaf: {  	[dreg:$0x3] =	wrdreg s2  }
0xb0: {  	[dreg:$0x4] =	wrdreg $0x98000  }
0xb1: {  	[dreg:$0x5] =	wrdreg $0x9  }
0xb2: {  	_ =	task.clear_ibuf [dreg:s7], $0x6FFFF;
	_ =	strace $0x90000052  }
0xb3: {  	s29 =	simm.s32 $0x9;
	_ =	strace $0x80000054  }
0xb4: {  	_ =	swait.ge [sflag:s29], $0x1  }
0xb5: {  	[sflag:s29] =	ssyncadd.s32 $0xFFFFFFFF  }
0xb6: {  	_ =	strace $0x90000054  }
0xb7: {  	_ =	sfence  }
0xb8: {  	s30 =	sld [smem:$0x0];
	_ =	sdelay $0x2  }
0xb9: {  	s31 =	sshll.u32 s1, $0xD;
	s1 =	sshrl.u32 s1, $0x2  }
0xba: {  	s3 =	sand.u32 $0x4000, s31;
	s1 =	sadd.s32 s1, s30  }
0xbb: {  	s0 =	sor.u32 s3, s0;
	s1 =	sshll.u32 s1, $0x11  }
0xbc: {  	s0 =	sor.u32 s1, s0  }
0xbd: {  	s0 =	sadd.s32 $0x8F2B, s0  }
0xbe: {  	[sflag:s0] =	ssyncadd.remote.s32 $0x1  }
0xbf: {  	_ =	sfence.sel $0xFFFF  }
0xc0: {  	[dreg:$0x0] =	wrdreg $0xFFFFFFFF;
	(pc) =	sbr.abs _section_cstart, $3  }
0xc1: {  	[dreg:$0x1] =	wrdreg $0xFFFFFFFF  }
0xc2: {  	_ =	task.clear_ibuf [dreg:s7], $0x2FFFF;
	_ =	strace $0x9FFFFFFF  }
0xc3: {  	(tm) =	ssettm $0x7FFFFFFF  }
tec
execute0_lowered:
.L_overlay_start_1:
0x0: {  	(tag) =	ssettag $0x1  }
0x1: {  	s5 =	rddreg [dreg:$0x0]  }
0x2: {  	s6 =	rddreg [dreg:$0x1]  }
0x3: {  	s2 =	rddreg [dreg:$0x2];
	s3 =	srdreg.scid  }
0x4: {  	s0 =	rddreg [dreg:$0x3];
	s1 =	stileid.u32  }
0x5: {  	s13 =	simm.s32 $0x80;
	s14 =	simm.s32 $0x5000;
	s15 =	simm.s32 $0x1  }
0x6: {  	s7 =	sand.u32 $0x1, s3;
	s3 =	simm.s32 $0x0;
	s9 =	smul.u32 $0x14000, s1  }
0x7: {  	s4 =	sshll.u32 s1, $0x1;
	s30 =	smul.u32 $0x50000, s1;
	s16 =	sshll.u32 s1, $0x6  }
0x8: {  	s8 =	smul.u32 $0x140000, s7;
	[smem:$0x7FF] =	sst s3;
	s4 =	sor.u32 s7, s4  }
0x9: {  	s7 =	ssub.s32 $0x2, s7;
	s16 =	sor.u32 $0x1C02, s16;
	_ =	strace $0x80000053  }
0xa: {  	s10 =	smul.u32 $0x500, s4;
	s4 =	sadd.s32 $0xDC00, s5;
	s31 =	sshrl.u32 s7, $0x1  }
0xb: {  	s8 =	sadd.s32 s9, s8;
	s9 =	sshrl.u32 s30, $0x2;
	s12 =	ssub.s32 s7, s31  }
0xc: {  	s11 =	sadd.s32 s10, s5;
	s8 =	sshrl.u32 s8, $0x3;
	s6 =	sadd.s32 s6, s10  }
0xd: {  	s10 =	simm.s32 $0x9000;
	s8 =	sadd.s32 s8, s5;
	s5 =	sadd.s32 s9, s2  }
0xe: {  	s7 =	sadd.s32 $0x3C00, s11;
	s9 =	smax.u32 s12, $0x1;
	s11 =	simm.s32 $0x2  }
0xf: {  	v0 =	vimm.f32 $0.0e+00;
	s12 =	simm.s32 $0x2800;
	s8 =	sadd.s32 $0x35C00, s8;
	s17 =	sshrl.u32 s5, $0x3  }
.LBB2_1:
0x10: {  	s18 =	simm.s32 $0x0;
	s19 =	simm.s32 $0x200  }
.LBB2_2:
0x11: {  	p0 =	sne.s32 s19, $0x1E00;
	[tilespmem:s18+$0x9070] =	vst v0  }
0x12: {  	[tilespmem:s18+$0x9000] =	vst v0  }
0x13: {  	[tilespmem:s18+$0x9010] =	vst v0  }
.Ltmp0:
0x14: {  	[tilespmem:s18+$0x9020] =	vst v0;
	(pc) =	sbr.rel @p0 .LBB2_2-.Ltmp0, $4  }
0x15: {  	[tilespmem:s18+$0x9030] =	vst v0  }
0x16: {  	[tilespmem:s18+$0x9040] =	vst v0  }
0x17: {  	[tilespmem:s18+$0x9050] =	vst v0  }
0x18: {  	[tilespmem:s18+$0x9060] =	vst v0;
	s18 =	sshra.s32 s19, $0x2;
	s19 =	sadd.s32 $0x200, s19  }
0x19: {  	[tilespmem:s18+$0x9070] =	vst v0  }
0x1a: {  	[tilespmem:s18+$0x9000] =	vst v0  }
0x1b: {  	[tilespmem:s18+$0x9010] =	vst v0  }
0x1c: {  	[tilespmem:s18+$0x9020] =	vst v0  }
0x1d: {  	[tilespmem:s18+$0x9030] =	vst v0  }
0x1e: {  	[tilespmem:s18+$0x9040] =	vst v0  }
0x1f: {  	[tilespmem:s18+$0x9050] =	vst v0  }
0x20: {  	[tilespmem:s18+$0x9060] =	vst v0;
	s31 =	sadd.s32 $0x0, s5  }
0x21: {  	[spmem:s31] =	stream.linear.scatter [tilespmem:s10], [sflag:$0x2], $0x800, $0x38;
	[tilespmem:$0x1D800] =	vst v63  }
0x22: {  	s18 =	simm.s32 $0x2000;
	_ =	swait.ge [sflag:s11], $0x800  }
.LBB2_4:
0x23: {  	s19 =	sshra.s32 s18, $0x2;
	[sflag:s11] =	ssyncset.done $0x0;
	p0 =	sne.s32 s18, $0x4E000  }
.Ltmp1:
0x24: {  	s19 =	sadd.s32 s19, s5;
	[sflag:s11] =	ssyncadd.s32 $0xFFFFF800;
	(pc) =	sbr.rel @p0 .LBB2_4-.Ltmp1, $3  }
0x25: {  	[spmem:s19] =	stream.linear.scatter [tilespmem:s10], [sflag:$0x2], $0x800, $0x38;
	[tilespmem:$0x1D800] =	vst v63  }
0x26: {  	s18 =	sadd.s32 $0x2000, s18;
	_ =	sdelay $0x1  }
0x27: {  	_ =	swait.ge [sflag:s11], $0x800  }
0x28: {  	[sflag:s11] =	ssyncset.done $0x0  }
0x29: {  	s18 =	simm.s32 $0x0;
	[sflag:s11] =	ssyncadd.s32 $0xFFFFF800  }
0x2a: {  	[tilespmem:s18], [sflag:$0x2] =	stream.linear.gather [hbm4b:s6+s18], $0x2780, $0x38;
	[tilespmem:$0x1D800] =	vst v63  }
0x2b: {  	_ =	swait.ge [sflag:s11], $0x2780  }
0x2c: {  	[sflag:s11] =	ssyncset.done $0x0  }
0x2d: {  	[sflag:s11] =	ssyncadd.s32 $0xFFFFD880  }
0x2e: {  	[tilespmem:s12], [sflag:$0x2] =	stream.linear.gather [hbm4b:s7+s18], $0x2780, $0x38;
	[tilespmem:$0x1D800] =	vst v63  }
0x2f: {  	_ =	swait.ge [sflag:s11], $0x2780  }
0x30: {  	[sflag:s11] =	ssyncset.done $0x0  }
0x31: {  	[sflag:s11] =	ssyncadd.s32 $0xFFFFD880  }
0x32: {  	s30 =	simm.s32 $0x0;
	[bflag:$0x0] =	sbarrier.arrive $0xFFFF  }
0x33: {  	[tilespmem:s14], [sflag:$0x1] =	stream.indirect.gather [hbm4b:s4+s13], $0x80, s30, s13, $0xb8;
	[tilespmem:$0x1D800] =	vst v63  }
0x34: {  	_ =	swait.ge [sflag:s15], $0x4000  }
0x35: {  	[sflag:s15] =	ssyncset.done $0x0  }
0x36: {  	s31 =	simm.s32 $0x2800;
	[sflag:s15] =	ssyncadd.s32 $0xFFFFC000  }
0x37: {  	[spmem:s2] =	stream.indirect.scatter.add.f32 [tilespmem:s14], [sflag:$0x2], $0x80, s31, s13, $0xb8;
	[tilespmem:$0x1D800] =	vst v63  }
0x38: {  	_ =	swait.ge [sflag:s11], $0x4000  }
0x39: {  	s19 =	simm.s32 $0x400;
	s18 =	simm.s32 $0x200;
	[sflag:s11] =	ssyncset.done $0x0  }
.LBB2_6:
0x3a: {  	s20 =	sshra.s32 s18, $0x2  }
0x3b: {  	[sflag:s11] =	ssyncadd.s32 $0xFFFFC000;
	s18 =	smov.u32 s19;
	s21 =	sadd.s32 $0x200, s19  }
0x3c: {  	[tilespmem:s14], [sflag:$0x1] =	stream.indirect.gather [hbm4b:s4+s13], $0x80, s20, s13, $0xb8;
	[tilespmem:$0x1D800] =	vst v63  }
0x3d: {  	p0 =	sne.s32 s19, $0x9C00;
	_ =	swait.ge [sflag:s15], $0x4000  }
.Ltmp2:
0x3e: {  	[sflag:s15] =	ssyncset.done $0x0;
	(pc) =	sbr.rel @p0 .LBB2_6-.Ltmp2, $4  }
0x3f: {  	s19 =	sadd.s32 $0x2800, s20;
	[sflag:s15] =	ssyncadd.s32 $0xFFFFC000  }
0x40: {  	[spmem:s2] =	stream.indirect.scatter.add.f32 [tilespmem:s14], [sflag:$0x2], $0x80, s19, s13, $0xb8;
	[tilespmem:$0x1D800] =	vst v63  }
0x41: {  	_ =	swait.ge [sflag:s11], $0x4000  }
0x42: {  	s19 =	smov.u32 s21;
	[sflag:s11] =	ssyncset.done $0x0  }
0x43: {  	s18 =	sshra.s32 s18, $0x2;
	[sflag:s11] =	ssyncadd.s32 $0xFFFFC000  }
0x44: {  	[tilespmem:s14], [sflag:$0x1] =	stream.indirect.gather [hbm4b:s4+s13], $0x80, s18, s13, $0xb8;
	[tilespmem:$0x1D800] =	vst v63  }
0x45: {  	_ =	swait.ge [sflag:s15], $0x4000  }
0x46: {  	[sflag:s15] =	ssyncset.done $0x0  }
0x47: {  	s18 =	sadd.s32 $0x2800, s18;
	[sflag:s15] =	ssyncadd.s32 $0xFFFFC000  }
0x48: {  	[spmem:s2] =	stream.indirect.scatter.add.f32 [tilespmem:s14], [sflag:$0x2], $0x80, s18, s13, $0xb8;
	[tilespmem:$0x1D800] =	vst v63  }
0x49: {  	_ =	swait.ge [sflag:s11], $0x4000  }
0x4a: {  	s3 =	sadd.s32 $0x1, s3;
	[sflag:s11] =	ssyncset.done $0x0  }
0x4b: {  	p0 =	sne.s32 s3, s9;
	[sflag:s11] =	ssyncadd.s32 $0xFFFFC000  }
.Ltmp3:
0x4c: {  	[bflag:$0x0] =	sbarrier.arrive $0xFFFF;
	(pc) =	sbr.rel @p0 .LBB2_1-.Ltmp3, $4  }
0x4d: {  	[hbm:s8], [sflag:s16] =	dma.local [spmem:s17], $0x2800  }
0x4e: {  	_ =	swait.ge [sflag:s11], $0x2800  }
0x4f: {  	[sflag:s11] =	ssyncset.done $0x0  }
0x50: {  	[sflag:s11] =	ssyncadd.s32 $0xFFFFD800  }
0x51: {  	_ =	sfence.sel $0x180000  }
0x52: {  	[bflag:$0x0] =	sbarrier.arrive $0xFFFF  }
0x53: {  	p0 =	sne.s32 s1, $0x0;
	_ =	strace $0x90000053  }
0x54: {  	s0 =	sadd.s32 @!p0 $0x100000, s0;
	[bflag:$0x2] =	sbarrier.arrive $0xFFFF  }
0x55: {  	[sflag:s0] =	ssyncadd.tile.s32 @!p0 $0x1;
	_ =	shalt  }
.Lfunc_end2:
_tile_overlayer_lowered:
.L_overlay_start_2:
0x56: {  	(tag) =	ssettag $0x2  }
0x57: {  	s0 =	rddreg [dreg:$0x0];
	s2 =	stileid.u32  }
0x58: {  	s1 =	rddreg [dreg:$0x1];
	p0 =	sne.s32 s2, $0x0  }
0x59: {  	s3 =	rddreg [dreg:$0x2];
	[bflag:$0x3] =	sbarrier.arrive $0xFFFF;
	s2 =	simm.s32 @!p0 $0x1C02  }
0x5a: {  	[timem:s3], [sflag:s2] =	dma.local @!p0 [hbm:s0], s1  }
0x5b: {  	s0 =	simm.s32 @!p0 $0x2  }
0x5c: {  	_ =	swait.ge @!p0 [sflag:s0], s1  }
0x5d: {  	s1 =	ssub.s32 @!p0 $0x0, s1;
	[sflag:s0] =	ssyncset.done @!p0 $0x0  }
0x5e: {  	[sflag:s0] =	ssyncadd.s32 @!p0 s1  }
0x5f: {  	[bflag:$0x3] =	sbarrier.arrive $0xFFFF  }
0x60: {  	_ =	shalt  }

</sc_bundles>
